<compile_context>
chip_gen: v7x
topology: tpu7x:2x2x1
jax: 0.10.2.dev20260603
libtpu: 0.0.44.dev20260713+nightly
codegen_flags: <defaults>
</compile_context>

<pallas_src>
import functools

import jax
import jax.numpy as jnp
from jax import lax
from jax.experimental import pallas as pl
from jax.experimental.pallas import tpu as pltpu
from jax.experimental.pallas import tpu_sc as plsc

DS_SIZE = 100000
DIM = 64
BATCH = 1024

_info = plsc.get_sparse_core_info()
_NC, _NS, _L = _info.num_cores, _info.num_subcores, _info.num_lanes
_NGRP = 8
_GF = DIM // _NGRP
_CPT = 4
_W = 6272
_PAD_COLS = 100096
_TAIL_OFF = _PAD_COLS - _W


def _gather_body(memt_hbm, idx_hbm, outt_hbm, idx_v, buf_a, buf_b, outp_v,
                 locb, bcolb, shared, sem_a, sem_b):
    c = lax.axis_index("c")
    s = lax.axis_index("s")
    grp = c * 4 + s // 4
    cpos = s % 4
    f0 = pl.multiple_of(grp * _GF, _GF)

    pltpu.sync_copy(idx_hbm, idx_v)

    bufs = (buf_a, buf_b)
    sems = (sem_a, sem_b)

    def chunk_off(j):
        off = jnp.minimum((cpos * _CPT + j) * _W, _TAIL_OFF)
        return pl.multiple_of(off, 128)

    def fire(j):
        return pltpu.async_copy(
            memt_hbm.at[pl.ds(f0, _GF), pl.ds(chunk_off(j), _W)],
            bufs[j % 2], sems[j % 2])

    cp = fire(0)
    lane = lax.iota(jnp.int32, _L)
    zeros_f = jnp.zeros((_L,), jnp.float32)
    zeros_i = jnp.zeros((_L,), jnp.int32)

    def zbody(vb, carry):
        for f in range(_GF):
            outp_v[f, pl.ds(vb * _L, _L)] = zeros_f
        return carry

    lax.fori_loop(0, BATCH // _L, zbody, 0)

    def scalar_of(vec):
        return jnp.sum(jnp.where(lane == 0, vec, 0))

    offs = [chunk_off(j) for j in range(_CPT)]

    def bbody(vb, carry):
        iv = idx_v[pl.ds(vb * _L, _L)]
        bcols = vb * _L + lane
        new_counts = []
        for j in range(_CPT):
            n_j = carry[j]
            loc = iv - offs[j]
            valid = jnp.logical_and(loc >= 0, loc < _W)
            plsc.store_compressed(locb.at[j, pl.ds(n_j, _L)], loc,
                                  mask=valid)
            plsc.store_compressed(bcolb.at[j, pl.ds(n_j, _L)], bcols,
                                  mask=valid)
            cnt = scalar_of(plsc.all_reduce_population_count(valid))
            new_counts.append(n_j + cnt)
        return tuple(new_counts)

    counts = lax.fori_loop(0, BATCH // _L, bbody, (0, 0, 0, 0))

    for j in range(_CPT):
        locb[j, pl.ds(counts[j], _L)] = zeros_i

    for j in range(_CPT):
        buf = bufs[j % 2]
        cp.wait()
        if j + 1 < _CPT:
            cp = fire(j + 1)
        n_j = counts[j]
        nvec = jnp.full((_L,), n_j, jnp.int32)

        def gbody(i, carry, j=j, buf=buf, nvec=nvec):
            lv = locb[j, pl.ds(i * _L, _L)]
            bv = bcolb[j, pl.ds(i * _L, _L)]
            valid = (i * _L + lane) < nvec
            for f in range(_GF):
                vals = plsc.load_gather(
                    buf, [jnp.full((_L,), f, jnp.int32), lv])
                plsc.store_scatter(
                    outp_v, [jnp.full((_L,), f, jnp.int32), bv],
                    vals, mask=valid)
            return carry

        lax.fori_loop(0, (n_j + _L - 1) // _L, gbody, 0)

    pltpu.sync_copy(outp_v, shared.at[s])
    plsc.subcore_barrier()

    quarter = BATCH // 4
    q0 = pl.multiple_of(cpos * quarter, quarter)
    sbase = s - cpos
    temps = [buf_a.at[:, pl.ds(k * quarter, quarter)] for k in range(3)]
    tsems = (sem_a, sem_b, sem_a)
    cps2 = []
    for k in range(3):
        slot = sbase + lax.rem(cpos + k + 1, 4)
        cps2.append(pltpu.async_copy(
            shared.at[slot, :, pl.ds(q0, quarter)], temps[k], tsems[k]))
    for cp2 in cps2:
        cp2.wait()

    def mbody(i, carry):
        for f in range(_GF):
            sl = pl.ds(q0 + i * _L, _L)
            acc = outp_v[f, sl] + buf_a[f, pl.ds(i * _L, _L)]
            acc = acc + (buf_a[f, pl.ds(quarter + i * _L, _L)]
                         + buf_a[f, pl.ds(2 * quarter + i * _L, _L)])
            outp_v[f, sl] = acc
        return carry

    lax.fori_loop(0, quarter // _L, mbody, 0)
    pltpu.sync_copy(outp_v.at[:, pl.ds(q0, quarter)],
                    outt_hbm.at[pl.ds(f0, _GF), pl.ds(q0, quarter)])


_gather = functools.partial(
    pl.kernel,
    mesh=plsc.VectorSubcoreMesh(core_axis_name="c", subcore_axis_name="s"),
    out_type=jax.ShapeDtypeStruct((DIM, BATCH), jnp.float32),
    scratch_types=[
        pltpu.VMEM((BATCH,), jnp.int32),
        pltpu.VMEM((_GF, _W), jnp.float32),
        pltpu.VMEM((_GF, _W), jnp.float32),
        pltpu.VMEM((_GF, BATCH), jnp.float32),
        pltpu.VMEM((_CPT, BATCH + _L), jnp.int32),
        pltpu.VMEM((_CPT, BATCH + _L), jnp.int32),
        pltpu.VMEM_SHARED((_NS, _GF, BATCH), jnp.float32),
        pltpu.SemaphoreType.DMA,
        pltpu.SemaphoreType.DMA,
    ],
    compiler_params=pltpu.CompilerParams(needs_layout_passes=False),
)(_gather_body)


def kernel(mem, target, idx):
    outt = _gather(mem.T, idx.astype(jnp.int32))
    return (outt.T, target)

# --- scband reference (transcript-rebuilt; emitter-appended) ---
"""Pipeline reference for scband-mem-generator-83554293776887 (READ-ONLY COPY).

The authoritative reference and input builder live on the scoring server;
editing this copy changes nothing except your own understanding.
"""

import jax, jax.numpy as jnp
import numpy as np

DS_SIZE = 100000
NCLASSES = 1000
IN_SIZE = (64,)
DIM = int(np.prod(IN_SIZE))
BATCH = 1024

def setup_inputs(seed: int = 0) -> dict:
    key = jax.random.key(seed)
    k_mem, k_tgt, k_idx = jax.random.split(key, 3)
    # xavier_uniform init for mem [ds_size, dim]
    fan_in, fan_out = DIM, DS_SIZE
    bound = float(np.sqrt(6.0 / (fan_in + fan_out)))
    mem = jax.random.uniform(k_mem, (DS_SIZE, DIM), dtype=jnp.float32, minval=-bound, maxval=bound)
    target = jax.random.randint(k_tgt, (BATCH,), 0, NCLASSES, dtype=jnp.int64 if jax.config.jax_enable_x64 else jnp.int32)
    idx = jax.random.randint(k_idx, (BATCH,), 0, DS_SIZE, dtype=jnp.int64 if jax.config.jax_enable_x64 else jnp.int32)
    return {"mem": mem, "target": target, "idx": idx}

def reference(mem, target, idx):
    # Faithful translation of MemGenerator.forward(target=target, idx=idx):
    # build one-hot [B, ds_size], matmul with mem, reshape to [-1, *in_size].
    # (the self.part python-list bookkeeping is host-side state with no
    #  effect on the returned tensors, so it is omitted)
    B = idx.shape[0]
    idx_ = jnp.zeros((B, DS_SIZE), dtype=jnp.float32)
    idx_ = idx_.at[jnp.arange(B), idx].set(1.0)
    out = jnp.reshape(idx_ @ mem, (-1,) + IN_SIZE)
    return (out, target)

if __name__ == "__main__":
    import jax
    _d = setup_inputs()
    print(jax.jit(kernel)(*tuple(_d.values())))

</pallas_src>

<mosaic_0001>
#map = affine_map<(d0, d1) -> (0, 0)>
#map1 = affine_map<(d0, d1) -> (0)>
module attributes {stable_mosaic.version = 14 : i64} {
  func.func @_gather_body(%arg0: i32, %arg1: i32, %arg2: memref<64x100000xf32, #tpu.memory_space<hbm>>, %arg3: memref<1024xi32, #tpu.memory_space<hbm>>, %arg4: memref<64x1024xf32, #tpu.memory_space<hbm>>, %arg5: memref<1024xi32, #tpu.memory_space<vmem>>, %arg6: memref<8x6272xf32, #tpu.memory_space<vmem>>, %arg7: memref<8x6272xf32, #tpu.memory_space<vmem>>, %arg8: memref<8x1024xf32, #tpu.memory_space<vmem>>, %arg9: memref<4x1040xi32, #tpu.memory_space<vmem>>, %arg10: memref<4x1040xi32, #tpu.memory_space<vmem>>, %arg11: memref<16x8x1024xf32, #tpu.memory_space<vmem_shared>>, %arg12: memref<!tpu.dma_semaphore, #tpu.memory_space<semaphore_mem>>, %arg13: memref<!tpu.dma_semaphore, #tpu.memory_space<semaphore_mem>>) attributes {dimension_semantics = [#tpu.dimension_semantics<core_parallel>, #tpu.dimension_semantics<subcore_parallel>], iteration_bounds = array<i64: 2, 16>, scalar_prefetch = 0 : i64, scratch_operands = 9 : i64, tpu.core_type = #tpu.core_type<sc_vector_subcore>, window_params = [{transform_indices = #map}, {transform_indices = #map1}, {transform_indices = #map}]} {
    %mul3A = arith.constant 4 : i32
    %mul3A_0 = arith.muli %arg0, %mul3A : i32
    %jit3A = arith.constant 4 : i32
    %div3A = arith.divsi %arg1, %jit3A : i32
    %sign3A = arith.constant 0 : i32
    %sign3A_1 = arith.cmpi sgt, %arg1, %sign3A : i32
    %sign3A_2 = arith.extui %sign3A_1 : i1 to i32
    %sign3A_3 = arith.constant 0 : i32
    %sign3A_4 = arith.cmpi slt, %arg1, %sign3A_3 : i32
    %sign3A_5 = arith.extui %sign3A_4 : i1 to i32
    %sign3A_6 = arith.subi %sign3A_2, %sign3A_5 : i32
    %sign3A_7 = arith.constant 0 : i32
    %sign3A_8 = arith.cmpi sgt, %jit3A, %sign3A_7 : i32
    %sign3A_9 = arith.extui %sign3A_8 : i1 to i32
    %sign3A_10 = arith.constant 0 : i32
    %sign3A_11 = arith.cmpi slt, %jit3A, %sign3A_10 : i32
    %sign3A_12 = arith.extui %sign3A_11 : i1 to i32
    %sign3A_13 = arith.subi %sign3A_9, %sign3A_12 : i32
    %ne3A = arith.cmpi ne, %sign3A_6, %sign3A_13 : i32
    %rem3A = arith.remsi %arg1, %jit3A : i32
    %ne3A_14 = arith.constant 0 : i32
    %ne3A_15 = arith.cmpi ne, %rem3A, %ne3A_14 : i32
    %and3A = arith.andi %ne3A, %ne3A_15 : i1
    %sub3A = arith.constant 1 : i32
    %sub3A_16 = arith.subi %div3A, %sub3A : i32
    %select_n3A = arith.select %and3A, %sub3A_16, %div3A : i32
    %add3A = arith.addi %mul3A_0, %select_n3A : i32
    %jit3A_17 = arith.constant 4 : i32
    %eq3A = arith.constant 0 : i32
    %eq3A_18 = arith.cmpi eq, %jit3A_17, %eq3A : i32
    %jit3A_19 = arith.constant 1 : i32
    %select_n3A_20 = arith.select %eq3A_18, %jit3A_19, %jit3A_17 : i32
    %rem3A_21 = arith.remsi %arg1, %select_n3A_20 : i32
    %ne3A_22 = arith.constant 0 : i32
    %ne3A_23 = arith.cmpi ne, %rem3A_21, %ne3A_22 : i32
    %lt3A = arith.constant 0 : i32
    %lt3A_24 = arith.cmpi slt, %rem3A_21, %lt3A : i32
    %lt3A_25 = arith.constant 0 : i32
    %lt3A_26 = arith.cmpi slt, %select_n3A_20, %lt3A_25 : i32
    %ne3A_27 = arith.xori %lt3A_24, %lt3A_26 : i1
    %and3A_28 = arith.andi %ne3A_27, %ne3A_23 : i1
    %add3A_29 = arith.addi %rem3A_21, %select_n3A_20 : i32
    %select_n3A_30 = arith.select %and3A_28, %add3A_29, %rem3A_21 : i32
    %mul3A_31 = arith.constant 8 : i32
    %mul3A_32 = arith.muli %add3A, %mul3A_31 : i32
    %multiple_of3A = tpu.assume_multiple %mul3A_32, 8 : i32
    "tpu.region"() ({
      %run_scoped3A = tpu.sem_alloc : memref<!tpu.dma_semaphore, #tpu.memory_space<semaphore_mem>>
      tpu.enqueue_dma source(%arg3 : memref<1024xi32, #tpu.memory_space<hbm>>) target(%arg5 : memref<1024xi32, #tpu.memory_space<vmem>>) target_semaphore(%run_scoped3A : memref<!tpu.dma_semaphore, #tpu.memory_space<semaphore_mem>>)
      tpu.wait_dma2 semaphore(%run_scoped3A : memref<!tpu.dma_semaphore, #tpu.memory_space<semaphore_mem>>) src(%arg3 : memref<1024xi32, #tpu.memory_space<hbm>>) dst(%arg5 : memref<1024xi32, #tpu.memory_space<vmem>>)
      tpu.yield
    }) : () -> ()
    %mul3A_33 = arith.constant 4 : i32
    %mul3A_34 = arith.muli %select_n3A_30, %mul3A_33 : i32
    %add3A_35 = arith.constant 0 : i32
    %add3A_36 = arith.addi %mul3A_34, %add3A_35 : i32
    %mul3A_37 = arith.constant 6272 : i32
    %mul3A_38 = arith.muli %add3A_36, %mul3A_37 : i32
    %min3A = arith.constant 93824 : i32
    %min3A_39 = arith.minsi %mul3A_38, %min3A : i32
    %multiple_of3A_40 = tpu.assume_multiple %min3A_39, 128 : i32
    %dma_start3A = tpu.memref_slice %arg2[%multiple_of3A, %multiple_of3A_40] : memref<64x100000xf32, #tpu.memory_space<hbm>> -> memref<8x6272xf32, #tpu.memory_space<hbm>>
    %dma_start3A_41 = tpu.memref_slice %arg2[%multiple_of3A, %multiple_of3A_40] : memref<64x100000xf32, #tpu.memory_space<hbm>> -> memref<8x6272xf32, #tpu.memory_space<hbm>>
    tpu.enqueue_dma source(%dma_start3A_41 : memref<8x6272xf32, #tpu.memory_space<hbm>>) target(%arg6 : memref<8x6272xf32, #tpu.memory_space<vmem>>) target_semaphore(%arg12 : memref<!tpu.dma_semaphore, #tpu.memory_space<semaphore_mem>>)
    %iota3A = tpu.iota {dimensions = array<i32: 0>} : vector<16xi32>
    %broadcast_in_dim3A = arith.constant 0.000000e+00 : f32
    %broadcast_in_dim3A_42 = vector.broadcast %broadcast_in_dim3A : f32 to vector<16xf32>
    %broadcast_in_dim3A_43 = arith.constant 0 : i32
    %broadcast_in_dim3A_44 = vector.broadcast %broadcast_in_dim3A_43 : i32 to vector<16xi32>
    %scan3A = arith.constant 0 : i32
    %scan3A_45 = arith.constant 0 : i32
    %scan3A_46 = arith.constant 64 : i32
    %scan3A_47 = arith.addi %scan3A_45, %scan3A_46 : i32
    %scan3A_48 = arith.constant 1 : i32
    scf.for %scan3A_409 = %scan3A_45 to %scan3A_47 step %scan3A_48  : i32 {
      %mul3A_410 = arith.constant 16 : i32
      %mul3A_411 = arith.muli %scan3A_409, %mul3A_410 : i32
      %swap3A_412 = arith.constant 0 : i32
      %swap3A_413 = arith.index_cast %swap3A_412 : i32 to index
      %swap3A_414 = arith.index_cast %mul3A_411 : i32 to index
      %swap3A_415 = tpu.vector_load %arg8[%swap3A_413, %swap3A_414] {strides = array<i32>} : memref<8x1024xf32, #tpu.memory_space<vmem>>, vector<16xf32>,
      tpu.vector_store %arg8[%swap3A_413, %swap3A_414], %broadcast_in_dim3A_42 {strides = array<i32>} : memref<8x1024xf32, #tpu.memory_space<vmem>>, vector<16xf32>,
      %mul3A_416 = arith.constant 16 : i32
      %mul3A_417 = arith.muli %scan3A_409, %mul3A_416 : i32
      %swap3A_418 = arith.constant 1 : i32
      %swap3A_419 = arith.index_cast %swap3A_418 : i32 to index
      %swap3A_420 = arith.index_cast %mul3A_417 : i32 to index
      %swap3A_421 = tpu.vector_load %arg8[%swap3A_419, %swap3A_420] {strides = array<i32>} : memref<8x1024xf32, #tpu.memory_space<vmem>>, vector<16xf32>,
      tpu.vector_store %arg8[%swap3A_419, %swap3A_420], %broadcast_in_dim3A_42 {strides = array<i32>} : memref<8x1024xf32, #tpu.memory_space<vmem>>, vector<16xf32>,
      %mul3A_422 = arith.constant 16 : i32
      %mul3A_423 = arith.muli %scan3A_409, %mul3A_422 : i32
      %swap3A_424 = arith.constant 2 : i32
      %swap3A_425 = arith.index_cast %swap3A_424 : i32 to index
      %swap3A_426 = arith.index_cast %mul3A_423 : i32 to index
      %swap3A_427 = tpu.vector_load %arg8[%swap3A_425, %swap3A_426] {strides = array<i32>} : memref<8x1024xf32, #tpu.memory_space<vmem>>, vector<16xf32>,
      tpu.vector_store %arg8[%swap3A_425, %swap3A_426], %broadcast_in_dim3A_42 {strides = array<i32>} : memref<8x1024xf32, #tpu.memory_space<vmem>>, vector<16xf32>,
      %mul3A_428 = arith.constant 16 : i32
      %mul3A_429 = arith.muli %scan3A_409, %mul3A_428 : i32
      %swap3A_430 = arith.constant 3 : i32
      %swap3A_431 = arith.index_cast %swap3A_430 : i32 to index
      %swap3A_432 = arith.index_cast %mul3A_429 : i32 to index
      %swap3A_433 = tpu.vector_load %arg8[%swap3A_431, %swap3A_432] {strides = array<i32>} : memref<8x1024xf32, #tpu.memory_space<vmem>>, vector<16xf32>,
      tpu.vector_store %arg8[%swap3A_431, %swap3A_432], %broadcast_in_dim3A_42 {strides = array<i32>} : memref<8x1024xf32, #tpu.memory_space<vmem>>, vector<16xf32>,
      %mul3A_434 = arith.constant 16 : i32
      %mul3A_435 = arith.muli %scan3A_409, %mul3A_434 : i32
      %swap3A_436 = arith.constant 4 : i32
      %swap3A_437 = arith.index_cast %swap3A_436 : i32 to index
      %swap3A_438 = arith.index_cast %mul3A_435 : i32 to index
      %swap3A_439 = tpu.vector_load %arg8[%swap3A_437, %swap3A_438] {strides = array<i32>} : memref<8x1024xf32, #tpu.memory_space<vmem>>, vector<16xf32>,
      tpu.vector_store %arg8[%swap3A_437, %swap3A_438], %broadcast_in_dim3A_42 {strides = array<i32>} : memref<8x1024xf32, #tpu.memory_space<vmem>>, vector<16xf32>,
      %mul3A_440 = arith.constant 16 : i32
      %mul3A_441 = arith.muli %scan3A_409, %mul3A_440 : i32
      %swap3A_442 = arith.constant 5 : i32
      %swap3A_443 = arith.index_cast %swap3A_442 : i32 to index
      %swap3A_444 = arith.index_cast %mul3A_441 : i32 to index
      %swap3A_445 = tpu.vector_load %arg8[%swap3A_443, %swap3A_444] {strides = array<i32>} : memref<8x1024xf32, #tpu.memory_space<vmem>>, vector<16xf32>,
      tpu.vector_store %arg8[%swap3A_443, %swap3A_444], %broadcast_in_dim3A_42 {strides = array<i32>} : memref<8x1024xf32, #tpu.memory_space<vmem>>, vector<16xf32>,
      %mul3A_446 = arith.constant 16 : i32
      %mul3A_447 = arith.muli %scan3A_409, %mul3A_446 : i32
      %swap3A_448 = arith.constant 6 : i32
      %swap3A_449 = arith.index_cast %swap3A_448 : i32 to index
      %swap3A_450 = arith.index_cast %mul3A_447 : i32 to index
      %swap3A_451 = tpu.vector_load %arg8[%swap3A_449, %swap3A_450] {strides = array<i32>} : memref<8x1024xf32, #tpu.memory_space<vmem>>, vector<16xf32>,
      tpu.vector_store %arg8[%swap3A_449, %swap3A_450], %broadcast_in_dim3A_42 {strides = array<i32>} : memref<8x1024xf32, #tpu.memory_space<vmem>>, vector<16xf32>,
      %mul3A_452 = arith.constant 16 : i32
      %mul3A_453 = arith.muli %scan3A_409, %mul3A_452 : i32
      %swap3A_454 = arith.constant 7 : i32
      %swap3A_455 = arith.index_cast %swap3A_454 : i32 to index
      %swap3A_456 = arith.index_cast %mul3A_453 : i32 to index
      %swap3A_457 = tpu.vector_load %arg8[%swap3A_455, %swap3A_456] {strides = array<i32>} : memref<8x1024xf32, #tpu.memory_space<vmem>>, vector<16xf32>,
      tpu.vector_store %arg8[%swap3A_455, %swap3A_456], %broadcast_in_dim3A_42 {strides = array<i32>} : memref<8x1024xf32, #tpu.memory_space<vmem>>, vector<16xf32>,
    }
    %scan3A_49 = arith.constant 64 : i32
    %mul3A_50 = arith.constant 4 : i32
    %mul3A_51 = arith.muli %select_n3A_30, %mul3A_50 : i32
    %add3A_52 = arith.constant 0 : i32
    %add3A_53 = arith.addi %mul3A_51, %add3A_52 : i32
    %mul3A_54 = arith.constant 6272 : i32
    %mul3A_55 = arith.muli %add3A_53, %mul3A_54 : i32
    %min3A_56 = arith.constant 93824 : i32
    %min3A_57 = arith.minsi %mul3A_55, %min3A_56 : i32
    %multiple_of3A_58 = tpu.assume_multiple %min3A_57, 128 : i32
    %mul3A_59 = arith.constant 4 : i32
    %mul3A_60 = arith.muli %select_n3A_30, %mul3A_59 : i32
    %add3A_61 = arith.constant 1 : i32
    %add3A_62 = arith.addi %mul3A_60, %add3A_61 : i32
    %mul3A_63 = arith.constant 6272 : i32
    %mul3A_64 = arith.muli %add3A_62, %mul3A_63 : i32
    %min3A_65 = arith.constant 93824 : i32
    %min3A_66 = arith.minsi %mul3A_64, %min3A_65 : i32
    %multiple_of3A_67 = tpu.assume_multiple %min3A_66, 128 : i32
    %mul3A_68 = arith.constant 4 : i32
    %mul3A_69 = arith.muli %select_n3A_30, %mul3A_68 : i32
    %add3A_70 = arith.constant 2 : i32
    %add3A_71 = arith.addi %mul3A_69, %add3A_70 : i32
    %mul3A_72 = arith.constant 6272 : i32
    %mul3A_73 = arith.muli %add3A_71, %mul3A_72 : i32
    %min3A_74 = arith.constant 93824 : i32
    %min3A_75 = arith.minsi %mul3A_73, %min3A_74 : i32
    %multiple_of3A_76 = tpu.assume_multiple %min3A_75, 128 : i32
    %mul3A_77 = arith.constant 4 : i32
    %mul3A_78 = arith.muli %select_n3A_30, %mul3A_77 : i32
    %add3A_79 = arith.constant 3 : i32
    %add3A_80 = arith.addi %mul3A_78, %add3A_79 : i32
    %mul3A_81 = arith.constant 6272 : i32
    %mul3A_82 = arith.muli %add3A_80, %mul3A_81 : i32
    %min3A_83 = arith.constant 93824 : i32
    %min3A_84 = arith.minsi %mul3A_82, %min3A_83 : i32
    %multiple_of3A_85 = tpu.assume_multiple %min3A_84, 128 : i32
    %scan3A_86 = arith.constant 0 : i32
    %scan3A_87 = arith.constant 0 : i32
    %scan3A_88 = arith.constant 0 : i32
    %scan3A_89 = arith.constant 0 : i32
    %scan3A_90 = arith.constant 0 : i32
    %scan3A_91 = arith.constant 64 : i32
    %scan3A_92 = arith.addi %scan3A_90, %scan3A_91 : i32
    %scan3A_93 = arith.constant 1 : i32
    %scan3A_94:4 = scf.for %scan3A_409 = %scan3A_90 to %scan3A_92 step %scan3A_93 iter_args(%scan3A_410 = %scan3A_86, %scan3A_411 = %scan3A_87, %scan3A_412 = %scan3A_88, %scan3A_413 = %scan3A_89) -> (i32, i32, i32, i32)  : i32 {
      %mul3A_414 = arith.constant 16 : i32
      %mul3A_415 = arith.muli %scan3A_409, %mul3A_414 : i32
      %get3A = arith.index_cast %mul3A_415 : i32 to index
      %get3A_416 = tpu.vector_load %arg5[%get3A] {strides = array<i32>} : memref<1024xi32, #tpu.memory_space<vmem>>, vector<16xi32>,
      %mul3A_417 = arith.constant 16 : i32
      %mul3A_418 = arith.muli %scan3A_409, %mul3A_417 : i32
      %add3A_419 = vector.broadcast %mul3A_418 : i32 to vector<16xi32>
      %add3A_420 = arith.addi %add3A_419, %iota3A : vector<16xi32>
      %sub3A_421 = vector.broadcast %multiple_of3A_58 : i32 to vector<16xi32>
      %sub3A_422 = arith.subi %get3A_416, %sub3A_421 : vector<16xi32>
      %ge3A = arith.constant 0 : i32
      %ge3A_423 = vector.broadcast %ge3A : i32 to vector<16xi32>
      %ge3A_424 = arith.cmpi sge, %sub3A_422, %ge3A_423 : vector<16xi32>
      %lt3A_425 = arith.constant 6272 : i32
      %lt3A_426 = vector.broadcast %lt3A_425 : i32 to vector<16xi32>
      %lt3A_427 = arith.cmpi slt, %sub3A_422, %lt3A_426 : vector<16xi32>
      %and3A_428 = arith.andi %ge3A_424, %lt3A_427 : vector<16xi1>
      %swap3A_429 = arith.constant 0 : i32
      %swap3A_430 = arith.index_cast %swap3A_429 : i32 to index
      %swap3A_431 = arith.index_cast %scan3A_410 : i32 to index
      %swap3A_432 = tpu.vector_load %arg9[%swap3A_430, %swap3A_431] masked %and3A_428 {strides = array<i32>} : memref<4x1040xi32, #tpu.memory_space<vmem>>, vector<16xi32>, vector<16xi1>
      tpu.vector_store %arg9[%swap3A_430, %swap3A_431], %sub3A_422 masked %and3A_428 {strides = array<i32>} : memref<4x1040xi32, #tpu.memory_space<vmem>>, vector<16xi32>, vector<16xi1>
      %swap3A_433 = arith.constant 0 : i32
      %swap3A_434 = arith.index_cast %swap3A_433 : i32 to index
      %swap3A_435 = arith.index_cast %scan3A_410 : i32 to index
      %swap3A_436 = tpu.vector_load %arg10[%swap3A_434, %swap3A_435] masked %and3A_428 {strides = array<i32>} : memref<4x1040xi32, #tpu.memory_space<vmem>>, vector<16xi32>, vector<16xi1>
      tpu.vector_store %arg10[%swap3A_434, %swap3A_435], %add3A_420 masked %and3A_428 {strides = array<i32>} : memref<4x1040xi32, #tpu.memory_space<vmem>>, vector<16xi32>, vector<16xi1>
      %all_reduce_population_count3A = tpu.all_reduce %and3A_428 {dim = 0 : i64, kind = #tpu.reduction_kind<sum>} : vector<16xi1> -> vector<16xi32>
      %eq3A_437 = arith.constant 0 : i32
      %eq3A_438 = vector.broadcast %eq3A_437 : i32 to vector<16xi32>
      %eq3A_439 = arith.cmpi eq, %iota3A, %eq3A_438 : vector<16xi32>
      %jit3A_440 = arith.constant 0 : i32
      %broadcast_in_dim3A_441 = vector.broadcast %jit3A_440 : i32 to vector<16xi32>
      %select_n3A_442 = arith.select %eq3A_439, %all_reduce_population_count3A, %broadcast_in_dim3A_441 : vector<16xi1>, vector<16xi32>
      %reduce_sum3A = arith.constant true
      %reduce_sum3A_443 = vector.broadcast %reduce_sum3A : i1 to vector<16xi1>
      %reduce_sum3A_444 = tpu.scan <sum>, %select_n3A_442 masked %reduce_sum3A_443 : vector<16xi32>, vector<16xi1> -> vector<16xi32>
      %reduce_sum3A_445 = vector.extract %reduce_sum3A_444[15] : i32 from vector<16xi32>
      %add3A_446 = arith.addi %scan3A_410, %reduce_sum3A_445 : i32
      %sub3A_447 = vector.broadcast %multiple_of3A_67 : i32 to vector<16xi32>
      %sub3A_448 = arith.subi %get3A_416, %sub3A_447 : vector<16xi32>
      %ge3A_449 = arith.constant 0 : i32
      %ge3A_450 = vector.broadcast %ge3A_449 : i32 to vector<16xi32>
      %ge3A_451 = arith.cmpi sge, %sub3A_448, %ge3A_450 : vector<16xi32>
      %lt3A_452 = arith.constant 6272 : i32
      %lt3A_453 = vector.broadcast %lt3A_452 : i32 to vector<16xi32>
      %lt3A_454 = arith.cmpi slt, %sub3A_448, %lt3A_453 : vector<16xi32>
      %and3A_455 = arith.andi %ge3A_451, %lt3A_454 : vector<16xi1>
      %swap3A_456 = arith.constant 1 : i32
      %swap3A_457 = arith.index_cast %swap3A_456 : i32 to index
      %swap3A_458 = arith.index_cast %scan3A_411 : i32 to index
      %swap3A_459 = tpu.vector_load %arg9[%swap3A_457, %swap3A_458] masked %and3A_455 {strides = array<i32>} : memref<4x1040xi32, #tpu.memory_space<vmem>>, vector<16xi32>, vector<16xi1>
      tpu.vector_store %arg9[%swap3A_457, %swap3A_458], %sub3A_448 masked %and3A_455 {strides = array<i32>} : memref<4x1040xi32, #tpu.memory_space<vmem>>, vector<16xi32>, vector<16xi1>
      %swap3A_460 = arith.constant 1 : i32
      %swap3A_461 = arith.index_cast %swap3A_460 : i32 to index
      %swap3A_462 = arith.index_cast %scan3A_411 : i32 to index
      %swap3A_463 = tpu.vector_load %arg10[%swap3A_461, %swap3A_462] masked %and3A_455 {strides = array<i32>} : memref<4x1040xi32, #tpu.memory_space<vmem>>, vector<16xi32>, vector<16xi1>
      tpu.vector_store %arg10[%swap3A_461, %swap3A_462], %add3A_420 masked %and3A_455 {strides = array<i32>} : memref<4x1040xi32, #tpu.memory_space<vmem>>, vector<16xi32>, vector<16xi1>
      %all_reduce_population_count3A_464 = tpu.all_reduce %and3A_455 {dim = 0 : i64, kind = #tpu.reduction_kind<sum>} : vector<16xi1> -> vector<16xi32>
      %eq3A_465 = arith.constant 0 : i32
      %eq3A_466 = vector.broadcast %eq3A_465 : i32 to vector<16xi32>
      %eq3A_467 = arith.cmpi eq, %iota3A, %eq3A_466 : vector<16xi32>
      %jit3A_468 = arith.constant 0 : i32
      %broadcast_in_dim3A_469 = vector.broadcast %jit3A_468 : i32 to vector<16xi32>
      %select_n3A_470 = arith.select %eq3A_467, %all_reduce_population_count3A_464, %broadcast_in_dim3A_469 : vector<16xi1>, vector<16xi32>
      %reduce_sum3A_471 = arith.constant true
      %reduce_sum3A_472 = vector.broadcast %reduce_sum3A_471 : i1 to vector<16xi1>
      %reduce_sum3A_473 = tpu.scan <sum>, %select_n3A_470 masked %reduce_sum3A_472 : vector<16xi32>, vector<16xi1> -> vector<16xi32>
      %reduce_sum3A_474 = vector.extract %reduce_sum3A_473[15] : i32 from vector<16xi32>
      %add3A_475 = arith.addi %scan3A_411, %reduce_sum3A_474 : i32
      %sub3A_476 = vector.broadcast %multiple_of3A_76 : i32 to vector<16xi32>
      %sub3A_477 = arith.subi %get3A_416, %sub3A_476 : vector<16xi32>
      %ge3A_478 = arith.constant 0 : i32
      %ge3A_479 = vector.broadcast %ge3A_478 : i32 to vector<16xi32>
      %ge3A_480 = arith.cmpi sge, %sub3A_477, %ge3A_479 : vector<16xi32>
      %lt3A_481 = arith.constant 6272 : i32
      %lt3A_482 = vector.broadcast %lt3A_481 : i32 to vector<16xi32>
      %lt3A_483 = arith.cmpi slt, %sub3A_477, %lt3A_482 : vector<16xi32>
      %and3A_484 = arith.andi %ge3A_480, %lt3A_483 : vector<16xi1>
      %swap3A_485 = arith.constant 2 : i32
      %swap3A_486 = arith.index_cast %swap3A_485 : i32 to index
      %swap3A_487 = arith.index_cast %scan3A_412 : i32 to index
      %swap3A_488 = tpu.vector_load %arg9[%swap3A_486, %swap3A_487] masked %and3A_484 {strides = array<i32>} : memref<4x1040xi32, #tpu.memory_space<vmem>>, vector<16xi32>, vector<16xi1>
      tpu.vector_store %arg9[%swap3A_486, %swap3A_487], %sub3A_477 masked %and3A_484 {strides = array<i32>} : memref<4x1040xi32, #tpu.memory_space<vmem>>, vector<16xi32>, vector<16xi1>
      %swap3A_489 = arith.constant 2 : i32
      %swap3A_490 = arith.index_cast %swap3A_489 : i32 to index
      %swap3A_491 = arith.index_cast %scan3A_412 : i32 to index
      %swap3A_492 = tpu.vector_load %arg10[%swap3A_490, %swap3A_491] masked %and3A_484 {strides = array<i32>} : memref<4x1040xi32, #tpu.memory_space<vmem>>, vector<16xi32>, vector<16xi1>
      tpu.vector_store %arg10[%swap3A_490, %swap3A_491], %add3A_420 masked %and3A_484 {strides = array<i32>} : memref<4x1040xi32, #tpu.memory_space<vmem>>, vector<16xi32>, vector<16xi1>
      %all_reduce_population_count3A_493 = tpu.all_reduce %and3A_484 {dim = 0 : i64, kind = #tpu.reduction_kind<sum>} : vector<16xi1> -> vector<16xi32>
      %eq3A_494 = arith.constant 0 : i32
      %eq3A_495 = vector.broadcast %eq3A_494 : i32 to vector<16xi32>
      %eq3A_496 = arith.cmpi eq, %iota3A, %eq3A_495 : vector<16xi32>
      %jit3A_497 = arith.constant 0 : i32
      %broadcast_in_dim3A_498 = vector.broadcast %jit3A_497 : i32 to vector<16xi32>
      %select_n3A_499 = arith.select %eq3A_496, %all_reduce_population_count3A_493, %broadcast_in_dim3A_498 : vector<16xi1>, vector<16xi32>
      %reduce_sum3A_500 = arith.constant true
      %reduce_sum3A_501 = vector.broadcast %reduce_sum3A_500 : i1 to vector<16xi1>
      %reduce_sum3A_502 = tpu.scan <sum>, %select_n3A_499 masked %reduce_sum3A_501 : vector<16xi32>, vector<16xi1> -> vector<16xi32>
      %reduce_sum3A_503 = vector.extract %reduce_sum3A_502[15] : i32 from vector<16xi32>
      %add3A_504 = arith.addi %scan3A_412, %reduce_sum3A_503 : i32
      %sub3A_505 = vector.broadcast %multiple_of3A_85 : i32 to vector<16xi32>
      %sub3A_506 = arith.subi %get3A_416, %sub3A_505 : vector<16xi32>
      %ge3A_507 = arith.constant 0 : i32
      %ge3A_508 = vector.broadcast %ge3A_507 : i32 to vector<16xi32>
      %ge3A_509 = arith.cmpi sge, %sub3A_506, %ge3A_508 : vector<16xi32>
      %lt3A_510 = arith.constant 6272 : i32
      %lt3A_511 = vector.broadcast %lt3A_510 : i32 to vector<16xi32>
      %lt3A_512 = arith.cmpi slt, %sub3A_506, %lt3A_511 : vector<16xi32>
      %and3A_513 = arith.andi %ge3A_509, %lt3A_512 : vector<16xi1>
      %swap3A_514 = arith.constant 3 : i32
      %swap3A_515 = arith.index_cast %swap3A_514 : i32 to index
      %swap3A_516 = arith.index_cast %scan3A_413 : i32 to index
      %swap3A_517 = tpu.vector_load %arg9[%swap3A_515, %swap3A_516] masked %and3A_513 {strides = array<i32>} : memref<4x1040xi32, #tpu.memory_space<vmem>>, vector<16xi32>, vector<16xi1>
      tpu.vector_store %arg9[%swap3A_515, %swap3A_516], %sub3A_506 masked %and3A_513 {strides = array<i32>} : memref<4x1040xi32, #tpu.memory_space<vmem>>, vector<16xi32>, vector<16xi1>
      %swap3A_518 = arith.constant 3 : i32
      %swap3A_519 = arith.index_cast %swap3A_518 : i32 to index
      %swap3A_520 = arith.index_cast %scan3A_413 : i32 to index
      %swap3A_521 = tpu.vector_load %arg10[%swap3A_519, %swap3A_520] masked %and3A_513 {strides = array<i32>} : memref<4x1040xi32, #tpu.memory_space<vmem>>, vector<16xi32>, vector<16xi1>
      tpu.vector_store %arg10[%swap3A_519, %swap3A_520], %add3A_420 masked %and3A_513 {strides = array<i32>} : memref<4x1040xi32, #tpu.memory_space<vmem>>, vector<16xi32>, vector<16xi1>
      %all_reduce_population_count3A_522 = tpu.all_reduce %and3A_513 {dim = 0 : i64, kind = #tpu.reduction_kind<sum>} : vector<16xi1> -> vector<16xi32>
      %eq3A_523 = arith.constant 0 : i32
      %eq3A_524 = vector.broadcast %eq3A_523 : i32 to vector<16xi32>
      %eq3A_525 = arith.cmpi eq, %iota3A, %eq3A_524 : vector<16xi32>
      %jit3A_526 = arith.constant 0 : i32
      %broadcast_in_dim3A_527 = vector.broadcast %jit3A_526 : i32 to vector<16xi32>
      %select_n3A_528 = arith.select %eq3A_525, %all_reduce_population_count3A_522, %broadcast_in_dim3A_527 : vector<16xi1>, vector<16xi32>
      %reduce_sum3A_529 = arith.constant true
      %reduce_sum3A_530 = vector.broadcast %reduce_sum3A_529 : i1 to vector<16xi1>
      %reduce_sum3A_531 = tpu.scan <sum>, %select_n3A_528 masked %reduce_sum3A_530 : vector<16xi32>, vector<16xi1> -> vector<16xi32>
      %reduce_sum3A_532 = vector.extract %reduce_sum3A_531[15] : i32 from vector<16xi32>
      %add3A_533 = arith.addi %scan3A_413, %reduce_sum3A_532 : i32
      scf.yield %add3A_446, %add3A_475, %add3A_504, %add3A_533 : i32, i32, i32, i32
    }
    %scan3A_95 = arith.constant 64 : i32
    %swap3A = arith.constant 0 : i32
    %swap3A_96 = arith.index_cast %swap3A : i32 to index
    %swap3A_97 = arith.index_cast %scan3A_94#0 : i32 to index
    %swap3A_98 = tpu.vector_load %arg9[%swap3A_96, %swap3A_97] {strides = array<i32>} : memref<4x1040xi32, #tpu.memory_space<vmem>>, vector<16xi32>,
    tpu.vector_store %arg9[%swap3A_96, %swap3A_97], %broadcast_in_dim3A_44 {strides = array<i32>} : memref<4x1040xi32, #tpu.memory_space<vmem>>, vector<16xi32>,
    %swap3A_99 = arith.constant 1 : i32
    %swap3A_100 = arith.index_cast %swap3A_99 : i32 to index
    %swap3A_101 = arith.index_cast %scan3A_94#1 : i32 to index
    %swap3A_102 = tpu.vector_load %arg9[%swap3A_100, %swap3A_101] {strides = array<i32>} : memref<4x1040xi32, #tpu.memory_space<vmem>>, vector<16xi32>,
    tpu.vector_store %arg9[%swap3A_100, %swap3A_101], %broadcast_in_dim3A_44 {strides = array<i32>} : memref<4x1040xi32, #tpu.memory_space<vmem>>, vector<16xi32>,
    %swap3A_103 = arith.constant 2 : i32
    %swap3A_104 = arith.index_cast %swap3A_103 : i32 to index
    %swap3A_105 = arith.index_cast %scan3A_94#2 : i32 to index
    %swap3A_106 = tpu.vector_load %arg9[%swap3A_104, %swap3A_105] {strides = array<i32>} : memref<4x1040xi32, #tpu.memory_space<vmem>>, vector<16xi32>,
    tpu.vector_store %arg9[%swap3A_104, %swap3A_105], %broadcast_in_dim3A_44 {strides = array<i32>} : memref<4x1040xi32, #tpu.memory_space<vmem>>, vector<16xi32>,
    %swap3A_107 = arith.constant 3 : i32
    %swap3A_108 = arith.index_cast %swap3A_107 : i32 to index
    %swap3A_109 = arith.index_cast %scan3A_94#3 : i32 to index
    %swap3A_110 = tpu.vector_load %arg9[%swap3A_108, %swap3A_109] {strides = array<i32>} : memref<4x1040xi32, #tpu.memory_space<vmem>>, vector<16xi32>,
    tpu.vector_store %arg9[%swap3A_108, %swap3A_109], %broadcast_in_dim3A_44 {strides = array<i32>} : memref<4x1040xi32, #tpu.memory_space<vmem>>, vector<16xi32>,
    %dma_wait3A = tpu.memref_slice %arg2[%multiple_of3A, %multiple_of3A_40] : memref<64x100000xf32, #tpu.memory_space<hbm>> -> memref<8x6272xf32, #tpu.memory_space<hbm>>
    %dma_wait3A_111 = tpu.memref_slice %arg2[%multiple_of3A, %multiple_of3A_40] : memref<64x100000xf32, #tpu.memory_space<hbm>> -> memref<8x6272xf32, #tpu.memory_space<hbm>>
    tpu.wait_dma2 semaphore(%arg12 : memref<!tpu.dma_semaphore, #tpu.memory_space<semaphore_mem>>) src(%dma_wait3A_111 : memref<8x6272xf32, #tpu.memory_space<hbm>>) dst(%arg6 : memref<8x6272xf32, #tpu.memory_space<vmem>>)
    %mul3A_112 = arith.constant 4 : i32
    %mul3A_113 = arith.muli %select_n3A_30, %mul3A_112 : i32
    %add3A_114 = arith.constant 1 : i32
    %add3A_115 = arith.addi %mul3A_113, %add3A_114 : i32
    %mul3A_116 = arith.constant 6272 : i32
    %mul3A_117 = arith.muli %add3A_115, %mul3A_116 : i32
    %min3A_118 = arith.constant 93824 : i32
    %min3A_119 = arith.minsi %mul3A_117, %min3A_118 : i32
    %multiple_of3A_120 = tpu.assume_multiple %min3A_119, 128 : i32
    %dma_start3A_121 = tpu.memref_slice %arg2[%multiple_of3A, %multiple_of3A_120] : memref<64x100000xf32, #tpu.memory_space<hbm>> -> memref<8x6272xf32, #tpu.memory_space<hbm>>
    %dma_start3A_122 = tpu.memref_slice %arg2[%multiple_of3A, %multiple_of3A_120] : memref<64x100000xf32, #tpu.memory_space<hbm>> -> memref<8x6272xf32, #tpu.memory_space<hbm>>
    tpu.enqueue_dma source(%dma_start3A_122 : memref<8x6272xf32, #tpu.memory_space<hbm>>) target(%arg7 : memref<8x6272xf32, #tpu.memory_space<vmem>>) target_semaphore(%arg13 : memref<!tpu.dma_semaphore, #tpu.memory_space<semaphore_mem>>)
    %broadcast_in_dim3A_123 = vector.broadcast %scan3A_94#0 : i32 to vector<16xi32>
    %add3A_124 = arith.constant 16 : i32
    %add3A_125 = arith.addi %scan3A_94#0, %add3A_124 : i32
    %sub3A_126 = arith.constant 1 : i32
    %sub3A_127 = arith.subi %add3A_125, %sub3A_126 : i32
    %jit3A_128 = arith.constant 16 : i32
    %div3A_129 = arith.divsi %sub3A_127, %jit3A_128 : i32
    %sign3A_130 = arith.constant 0 : i32
    %sign3A_131 = arith.cmpi sgt, %sub3A_127, %sign3A_130 : i32
    %sign3A_132 = arith.extui %sign3A_131 : i1 to i32
    %sign3A_133 = arith.constant 0 : i32
    %sign3A_134 = arith.cmpi slt, %sub3A_127, %sign3A_133 : i32
    %sign3A_135 = arith.extui %sign3A_134 : i1 to i32
    %sign3A_136 = arith.subi %sign3A_132, %sign3A_135 : i32
    %sign3A_137 = arith.constant 0 : i32
    %sign3A_138 = arith.cmpi sgt, %jit3A_128, %sign3A_137 : i32
    %sign3A_139 = arith.extui %sign3A_138 : i1 to i32
    %sign3A_140 = arith.constant 0 : i32
    %sign3A_141 = arith.cmpi slt, %jit3A_128, %sign3A_140 : i32
    %sign3A_142 = arith.extui %sign3A_141 : i1 to i32
    %sign3A_143 = arith.subi %sign3A_139, %sign3A_142 : i32
    %ne3A_144 = arith.cmpi ne, %sign3A_136, %sign3A_143 : i32
    %rem3A_145 = arith.remsi %sub3A_127, %jit3A_128 : i32
    %ne3A_146 = arith.constant 0 : i32
    %ne3A_147 = arith.cmpi ne, %rem3A_145, %ne3A_146 : i32
    %and3A_148 = arith.andi %ne3A_144, %ne3A_147 : i1
    %sub3A_149 = arith.constant 1 : i32
    %sub3A_150 = arith.subi %div3A_129, %sub3A_149 : i32
    %select_n3A_151 = arith.select %and3A_148, %sub3A_150, %div3A_129 : i32
    %while3A = arith.constant 0 : i32
    %while3A_152 = arith.constant 0 : i32
    %while3A_153 = arith.subi %select_n3A_151, %while3A_152 : i32
    %while3A_154 = arith.addi %while3A_152, %while3A_153 : i32
    %while3A_155 = arith.constant 1 : i32
    %while3A_156 = arith.divsi %while3A_153, %while3A_155 : i32
    %while3A_157 = arith.muli %while3A_156, %while3A_155 : i32
    %while3A_158 = arith.addi %while3A_152, %while3A_157 : i32
    %while3A_159 = arith.constant 1 : i32
    scf.for %while3A_409 = %while3A_152 to %while3A_158 step %while3A_159  : i32 {
      %mul3A_410 = arith.constant 16 : i32
      %mul3A_411 = arith.muli %while3A_409, %mul3A_410 : i32
      %get3A = arith.constant 0 : i32
      %get3A_412 = arith.index_cast %get3A : i32 to index
      %get3A_413 = arith.index_cast %mul3A_411 : i32 to index
      %get3A_414 = tpu.vector_load %arg9[%get3A_412, %get3A_413] {strides = array<i32>} : memref<4x1040xi32, #tpu.memory_space<vmem>>, vector<16xi32>,
      %mul3A_415 = arith.constant 16 : i32
      %mul3A_416 = arith.muli %while3A_409, %mul3A_415 : i32
      %get3A_417 = arith.constant 0 : i32
      %get3A_418 = arith.index_cast %get3A_417 : i32 to index
      %get3A_419 = arith.index_cast %mul3A_416 : i32 to index
      %get3A_420 = tpu.vector_load %arg10[%get3A_418, %get3A_419] {strides = array<i32>} : memref<4x1040xi32, #tpu.memory_space<vmem>>, vector<16xi32>,
      %mul3A_421 = arith.constant 16 : i32
      %mul3A_422 = arith.muli %while3A_409, %mul3A_421 : i32
      %add3A_423 = vector.broadcast %mul3A_422 : i32 to vector<16xi32>
      %add3A_424 = arith.addi %add3A_423, %iota3A : vector<16xi32>
      %lt3A_425 = arith.cmpi slt, %add3A_424, %broadcast_in_dim3A_123 : vector<16xi32>
      %broadcast_in_dim3A_426 = arith.constant 0 : i32
      %broadcast_in_dim3A_427 = vector.broadcast %broadcast_in_dim3A_426 : i32 to vector<16xi32>
      %gather3A = tpu.vector_load_idx %arg6[%broadcast_in_dim3A_427, %get3A_414] : memref<8x6272xf32, #tpu.memory_space<vmem>>[vector<16xi32>, vector<16xi32>], vector<16xf32>,
      %broadcast_in_dim3A_428 = arith.constant 0 : i32
      %broadcast_in_dim3A_429 = vector.broadcast %broadcast_in_dim3A_428 : i32 to vector<16xi32>
      tpu.vector_store_idx %arg8[%broadcast_in_dim3A_429, %get3A_420], %gather3A masked %lt3A_425 : memref<8x1024xf32, #tpu.memory_space<vmem>>[vector<16xi32>, vector<16xi32>], vector<16xf32>, vector<16xi1>
      %broadcast_in_dim3A_430 = arith.constant 1 : i32
      %broadcast_in_dim3A_431 = vector.broadcast %broadcast_in_dim3A_430 : i32 to vector<16xi32>
      %gather3A_432 = tpu.vector_load_idx %arg6[%broadcast_in_dim3A_431, %get3A_414] : memref<8x6272xf32, #tpu.memory_space<vmem>>[vector<16xi32>, vector<16xi32>], vector<16xf32>,
      %broadcast_in_dim3A_433 = arith.constant 1 : i32
      %broadcast_in_dim3A_434 = vector.broadcast %broadcast_in_dim3A_433 : i32 to vector<16xi32>
      tpu.vector_store_idx %arg8[%broadcast_in_dim3A_434, %get3A_420], %gather3A_432 masked %lt3A_425 : memref<8x1024xf32, #tpu.memory_space<vmem>>[vector<16xi32>, vector<16xi32>], vector<16xf32>, vector<16xi1>
      %broadcast_in_dim3A_435 = arith.constant 2 : i32
      %broadcast_in_dim3A_436 = vector.broadcast %broadcast_in_dim3A_435 : i32 to vector<16xi32>
      %gather3A_437 = tpu.vector_load_idx %arg6[%broadcast_in_dim3A_436, %get3A_414] : memref<8x6272xf32, #tpu.memory_space<vmem>>[vector<16xi32>, vector<16xi32>], vector<16xf32>,
      %broadcast_in_dim3A_438 = arith.constant 2 : i32
      %broadcast_in_dim3A_439 = vector.broadcast %broadcast_in_dim3A_438 : i32 to vector<16xi32>
      tpu.vector_store_idx %arg8[%broadcast_in_dim3A_439, %get3A_420], %gather3A_437 masked %lt3A_425 : memref<8x1024xf32, #tpu.memory_space<vmem>>[vector<16xi32>, vector<16xi32>], vector<16xf32>, vector<16xi1>
      %broadcast_in_dim3A_440 = arith.constant 3 : i32
      %broadcast_in_dim3A_441 = vector.broadcast %broadcast_in_dim3A_440 : i32 to vector<16xi32>
      %gather3A_442 = tpu.vector_load_idx %arg6[%broadcast_in_dim3A_441, %get3A_414] : memref<8x6272xf32, #tpu.memory_space<vmem>>[vector<16xi32>, vector<16xi32>], vector<16xf32>,
      %broadcast_in_dim3A_443 = arith.constant 3 : i32
      %broadcast_in_dim3A_444 = vector.broadcast %broadcast_in_dim3A_443 : i32 to vector<16xi32>
      tpu.vector_store_idx %arg8[%broadcast_in_dim3A_444, %get3A_420], %gather3A_442 masked %lt3A_425 : memref<8x1024xf32, #tpu.memory_space<vmem>>[vector<16xi32>, vector<16xi32>], vector<16xf32>, vector<16xi1>
      %broadcast_in_dim3A_445 = arith.constant 4 : i32
      %broadcast_in_dim3A_446 = vector.broadcast %broadcast_in_dim3A_445 : i32 to vector<16xi32>
      %gather3A_447 = tpu.vector_load_idx %arg6[%broadcast_in_dim3A_446, %get3A_414] : memref<8x6272xf32, #tpu.memory_space<vmem>>[vector<16xi32>, vector<16xi32>], vector<16xf32>,
      %broadcast_in_dim3A_448 = arith.constant 4 : i32
      %broadcast_in_dim3A_449 = vector.broadcast %broadcast_in_dim3A_448 : i32 to vector<16xi32>
      tpu.vector_store_idx %arg8[%broadcast_in_dim3A_449, %get3A_420], %gather3A_447 masked %lt3A_425 : memref<8x1024xf32, #tpu.memory_space<vmem>>[vector<16xi32>, vector<16xi32>], vector<16xf32>, vector<16xi1>
      %broadcast_in_dim3A_450 = arith.constant 5 : i32
      %broadcast_in_dim3A_451 = vector.broadcast %broadcast_in_dim3A_450 : i32 to vector<16xi32>
      %gather3A_452 = tpu.vector_load_idx %arg6[%broadcast_in_dim3A_451, %get3A_414] : memref<8x6272xf32, #tpu.memory_space<vmem>>[vector<16xi32>, vector<16xi32>], vector<16xf32>,
      %broadcast_in_dim3A_453 = arith.constant 5 : i32
      %broadcast_in_dim3A_454 = vector.broadcast %broadcast_in_dim3A_453 : i32 to vector<16xi32>
      tpu.vector_store_idx %arg8[%broadcast_in_dim3A_454, %get3A_420], %gather3A_452 masked %lt3A_425 : memref<8x1024xf32, #tpu.memory_space<vmem>>[vector<16xi32>, vector<16xi32>], vector<16xf32>, vector<16xi1>
      %broadcast_in_dim3A_455 = arith.constant 6 : i32
      %broadcast_in_dim3A_456 = vector.broadcast %broadcast_in_dim3A_455 : i32 to vector<16xi32>
      %gather3A_457 = tpu.vector_load_idx %arg6[%broadcast_in_dim3A_456, %get3A_414] : memref<8x6272xf32, #tpu.memory_space<vmem>>[vector<16xi32>, vector<16xi32>], vector<16xf32>,
      %broadcast_in_dim3A_458 = arith.constant 6 : i32
      %broadcast_in_dim3A_459 = vector.broadcast %broadcast_in_dim3A_458 : i32 to vector<16xi32>
      tpu.vector_store_idx %arg8[%broadcast_in_dim3A_459, %get3A_420], %gather3A_457 masked %lt3A_425 : memref<8x1024xf32, #tpu.memory_space<vmem>>[vector<16xi32>, vector<16xi32>], vector<16xf32>, vector<16xi1>
      %broadcast_in_dim3A_460 = arith.constant 7 : i32
      %broadcast_in_dim3A_461 = vector.broadcast %broadcast_in_dim3A_460 : i32 to vector<16xi32>
      %gather3A_462 = tpu.vector_load_idx %arg6[%broadcast_in_dim3A_461, %get3A_414] : memref<8x6272xf32, #tpu.memory_space<vmem>>[vector<16xi32>, vector<16xi32>], vector<16xf32>,
      %broadcast_in_dim3A_463 = arith.constant 7 : i32
      %broadcast_in_dim3A_464 = vector.broadcast %broadcast_in_dim3A_463 : i32 to vector<16xi32>
      tpu.vector_store_idx %arg8[%broadcast_in_dim3A_464, %get3A_420], %gather3A_462 masked %lt3A_425 : memref<8x1024xf32, #tpu.memory_space<vmem>>[vector<16xi32>, vector<16xi32>], vector<16xf32>, vector<16xi1>
    }
    %while3A_160 = arith.constant 1 : i32
    scf.for %while3A_409 = %while3A_158 to %while3A_154 step %while3A_160  : i32 {
      %mul3A_410 = arith.constant 16 : i32
      %mul3A_411 = arith.muli %while3A_409, %mul3A_410 : i32
      %get3A = arith.constant 0 : i32
      %get3A_412 = arith.index_cast %get3A : i32 to index
      %get3A_413 = arith.index_cast %mul3A_411 : i32 to index
      %get3A_414 = tpu.vector_load %arg9[%get3A_412, %get3A_413] {strides = array<i32>} : memref<4x1040xi32, #tpu.memory_space<vmem>>, vector<16xi32>,
      %mul3A_415 = arith.constant 16 : i32
      %mul3A_416 = arith.muli %while3A_409, %mul3A_415 : i32
      %get3A_417 = arith.constant 0 : i32
      %get3A_418 = arith.index_cast %get3A_417 : i32 to index
      %get3A_419 = arith.index_cast %mul3A_416 : i32 to index
      %get3A_420 = tpu.vector_load %arg10[%get3A_418, %get3A_419] {strides = array<i32>} : memref<4x1040xi32, #tpu.memory_space<vmem>>, vector<16xi32>,
      %mul3A_421 = arith.constant 16 : i32
      %mul3A_422 = arith.muli %while3A_409, %mul3A_421 : i32
      %add3A_423 = vector.broadcast %mul3A_422 : i32 to vector<16xi32>
      %add3A_424 = arith.addi %add3A_423, %iota3A : vector<16xi32>
      %lt3A_425 = arith.cmpi slt, %add3A_424, %broadcast_in_dim3A_123 : vector<16xi32>
      %broadcast_in_dim3A_426 = arith.constant 0 : i32
      %broadcast_in_dim3A_427 = vector.broadcast %broadcast_in_dim3A_426 : i32 to vector<16xi32>
      %gather3A = tpu.vector_load_idx %arg6[%broadcast_in_dim3A_427, %get3A_414] : memref<8x6272xf32, #tpu.memory_space<vmem>>[vector<16xi32>, vector<16xi32>], vector<16xf32>,
      %broadcast_in_dim3A_428 = arith.constant 0 : i32
      %broadcast_in_dim3A_429 = vector.broadcast %broadcast_in_dim3A_428 : i32 to vector<16xi32>
      tpu.vector_store_idx %arg8[%broadcast_in_dim3A_429, %get3A_420], %gather3A masked %lt3A_425 : memref<8x1024xf32, #tpu.memory_space<vmem>>[vector<16xi32>, vector<16xi32>], vector<16xf32>, vector<16xi1>
      %broadcast_in_dim3A_430 = arith.constant 1 : i32
      %broadcast_in_dim3A_431 = vector.broadcast %broadcast_in_dim3A_430 : i32 to vector<16xi32>
      %gather3A_432 = tpu.vector_load_idx %arg6[%broadcast_in_dim3A_431, %get3A_414] : memref<8x6272xf32, #tpu.memory_space<vmem>>[vector<16xi32>, vector<16xi32>], vector<16xf32>,
      %broadcast_in_dim3A_433 = arith.constant 1 : i32
      %broadcast_in_dim3A_434 = vector.broadcast %broadcast_in_dim3A_433 : i32 to vector<16xi32>
      tpu.vector_store_idx %arg8[%broadcast_in_dim3A_434, %get3A_420], %gather3A_432 masked %lt3A_425 : memref<8x1024xf32, #tpu.memory_space<vmem>>[vector<16xi32>, vector<16xi32>], vector<16xf32>, vector<16xi1>
      %broadcast_in_dim3A_435 = arith.constant 2 : i32
      %broadcast_in_dim3A_436 = vector.broadcast %broadcast_in_dim3A_435 : i32 to vector<16xi32>
      %gather3A_437 = tpu.vector_load_idx %arg6[%broadcast_in_dim3A_436, %get3A_414] : memref<8x6272xf32, #tpu.memory_space<vmem>>[vector<16xi32>, vector<16xi32>], vector<16xf32>,
      %broadcast_in_dim3A_438 = arith.constant 2 : i32
      %broadcast_in_dim3A_439 = vector.broadcast %broadcast_in_dim3A_438 : i32 to vector<16xi32>
      tpu.vector_store_idx %arg8[%broadcast_in_dim3A_439, %get3A_420], %gather3A_437 masked %lt3A_425 : memref<8x1024xf32, #tpu.memory_space<vmem>>[vector<16xi32>, vector<16xi32>], vector<16xf32>, vector<16xi1>
      %broadcast_in_dim3A_440 = arith.constant 3 : i32
      %broadcast_in_dim3A_441 = vector.broadcast %broadcast_in_dim3A_440 : i32 to vector<16xi32>
      %gather3A_442 = tpu.vector_load_idx %arg6[%broadcast_in_dim3A_441, %get3A_414] : memref<8x6272xf32, #tpu.memory_space<vmem>>[vector<16xi32>, vector<16xi32>], vector<16xf32>,
      %broadcast_in_dim3A_443 = arith.constant 3 : i32
      %broadcast_in_dim3A_444 = vector.broadcast %broadcast_in_dim3A_443 : i32 to vector<16xi32>
      tpu.vector_store_idx %arg8[%broadcast_in_dim3A_444, %get3A_420], %gather3A_442 masked %lt3A_425 : memref<8x1024xf32, #tpu.memory_space<vmem>>[vector<16xi32>, vector<16xi32>], vector<16xf32>, vector<16xi1>
      %broadcast_in_dim3A_445 = arith.constant 4 : i32
      %broadcast_in_dim3A_446 = vector.broadcast %broadcast_in_dim3A_445 : i32 to vector<16xi32>
      %gather3A_447 = tpu.vector_load_idx %arg6[%broadcast_in_dim3A_446, %get3A_414] : memref<8x6272xf32, #tpu.memory_space<vmem>>[vector<16xi32>, vector<16xi32>], vector<16xf32>,
      %broadcast_in_dim3A_448 = arith.constant 4 : i32
      %broadcast_in_dim3A_449 = vector.broadcast %broadcast_in_dim3A_448 : i32 to vector<16xi32>
      tpu.vector_store_idx %arg8[%broadcast_in_dim3A_449, %get3A_420], %gather3A_447 masked %lt3A_425 : memref<8x1024xf32, #tpu.memory_space<vmem>>[vector<16xi32>, vector<16xi32>], vector<16xf32>, vector<16xi1>
      %broadcast_in_dim3A_450 = arith.constant 5 : i32
      %broadcast_in_dim3A_451 = vector.broadcast %broadcast_in_dim3A_450 : i32 to vector<16xi32>
      %gather3A_452 = tpu.vector_load_idx %arg6[%broadcast_in_dim3A_451, %get3A_414] : memref<8x6272xf32, #tpu.memory_space<vmem>>[vector<16xi32>, vector<16xi32>], vector<16xf32>,
      %broadcast_in_dim3A_453 = arith.constant 5 : i32
      %broadcast_in_dim3A_454 = vector.broadcast %broadcast_in_dim3A_453 : i32 to vector<16xi32>
      tpu.vector_store_idx %arg8[%broadcast_in_dim3A_454, %get3A_420], %gather3A_452 masked %lt3A_425 : memref<8x1024xf32, #tpu.memory_space<vmem>>[vector<16xi32>, vector<16xi32>], vector<16xf32>, vector<16xi1>
      %broadcast_in_dim3A_455 = arith.constant 6 : i32
      %broadcast_in_dim3A_456 = vector.broadcast %broadcast_in_dim3A_455 : i32 to vector<16xi32>
      %gather3A_457 = tpu.vector_load_idx %arg6[%broadcast_in_dim3A_456, %get3A_414] : memref<8x6272xf32, #tpu.memory_space<vmem>>[vector<16xi32>, vector<16xi32>], vector<16xf32>,
      %broadcast_in_dim3A_458 = arith.constant 6 : i32
      %broadcast_in_dim3A_459 = vector.broadcast %broadcast_in_dim3A_458 : i32 to vector<16xi32>
      tpu.vector_store_idx %arg8[%broadcast_in_dim3A_459, %get3A_420], %gather3A_457 masked %lt3A_425 : memref<8x1024xf32, #tpu.memory_space<vmem>>[vector<16xi32>, vector<16xi32>], vector<16xf32>, vector<16xi1>
      %broadcast_in_dim3A_460 = arith.constant 7 : i32
      %broadcast_in_dim3A_461 = vector.broadcast %broadcast_in_dim3A_460 : i32 to vector<16xi32>
      %gather3A_462 = tpu.vector_load_idx %arg6[%broadcast_in_dim3A_461, %get3A_414] : memref<8x6272xf32, #tpu.memory_space<vmem>>[vector<16xi32>, vector<16xi32>], vector<16xf32>,
      %broadcast_in_dim3A_463 = arith.constant 7 : i32
      %broadcast_in_dim3A_464 = vector.broadcast %broadcast_in_dim3A_463 : i32 to vector<16xi32>
      tpu.vector_store_idx %arg8[%broadcast_in_dim3A_464, %get3A_420], %gather3A_462 masked %lt3A_425 : memref<8x1024xf32, #tpu.memory_space<vmem>>[vector<16xi32>, vector<16xi32>], vector<16xf32>, vector<16xi1>
    }
    %dma_wait3A_161 = tpu.memref_slice %arg2[%multiple_of3A, %multiple_of3A_120] : memref<64x100000xf32, #tpu.memory_space<hbm>> -> memref<8x6272xf32, #tpu.memory_space<hbm>>
    %dma_wait3A_162 = tpu.memref_slice %arg2[%multiple_of3A, %multiple_of3A_120] : memref<64x100000xf32, #tpu.memory_space<hbm>> -> memref<8x6272xf32, #tpu.memory_space<hbm>>
    tpu.wait_dma2 semaphore(%arg13 : memref<!tpu.dma_semaphore, #tpu.memory_space<semaphore_mem>>) src(%dma_wait3A_162 : memref<8x6272xf32, #tpu.memory_space<hbm>>) dst(%arg7 : memref<8x6272xf32, #tpu.memory_space<vmem>>)
    %mul3A_163 = arith.constant 4 : i32
    %mul3A_164 = arith.muli %select_n3A_30, %mul3A_163 : i32
    %add3A_165 = arith.constant 2 : i32
    %add3A_166 = arith.addi %mul3A_164, %add3A_165 : i32
    %mul3A_167 = arith.constant 6272 : i32
    %mul3A_168 = arith.muli %add3A_166, %mul3A_167 : i32
    %min3A_169 = arith.constant 93824 : i32
    %min3A_170 = arith.minsi %mul3A_168, %min3A_169 : i32
    %multiple_of3A_171 = tpu.assume_multiple %min3A_170, 128 : i32
    %dma_start3A_172 = tpu.memref_slice %arg2[%multiple_of3A, %multiple_of3A_171] : memref<64x100000xf32, #tpu.memory_space<hbm>> -> memref<8x6272xf32, #tpu.memory_space<hbm>>
    %dma_start3A_173 = tpu.memref_slice %arg2[%multiple_of3A, %multiple_of3A_171] : memref<64x100000xf32, #tpu.memory_space<hbm>> -> memref<8x6272xf32, #tpu.memory_space<hbm>>
    tpu.enqueue_dma source(%dma_start3A_173 : memref<8x6272xf32, #tpu.memory_space<hbm>>) target(%arg6 : memref<8x6272xf32, #tpu.memory_space<vmem>>) target_semaphore(%arg12 : memref<!tpu.dma_semaphore, #tpu.memory_space<semaphore_mem>>)
    %broadcast_in_dim3A_174 = vector.broadcast %scan3A_94#1 : i32 to vector<16xi32>
    %add3A_175 = arith.constant 16 : i32
    %add3A_176 = arith.addi %scan3A_94#1, %add3A_175 : i32
    %sub3A_177 = arith.constant 1 : i32
    %sub3A_178 = arith.subi %add3A_176, %sub3A_177 : i32
    %jit3A_179 = arith.constant 16 : i32
    %div3A_180 = arith.divsi %sub3A_178, %jit3A_179 : i32
    %sign3A_181 = arith.constant 0 : i32
    %sign3A_182 = arith.cmpi sgt, %sub3A_178, %sign3A_181 : i32
    %sign3A_183 = arith.extui %sign3A_182 : i1 to i32
    %sign3A_184 = arith.constant 0 : i32
    %sign3A_185 = arith.cmpi slt, %sub3A_178, %sign3A_184 : i32
    %sign3A_186 = arith.extui %sign3A_185 : i1 to i32
    %sign3A_187 = arith.subi %sign3A_183, %sign3A_186 : i32
    %sign3A_188 = arith.constant 0 : i32
    %sign3A_189 = arith.cmpi sgt, %jit3A_179, %sign3A_188 : i32
    %sign3A_190 = arith.extui %sign3A_189 : i1 to i32
    %sign3A_191 = arith.constant 0 : i32
    %sign3A_192 = arith.cmpi slt, %jit3A_179, %sign3A_191 : i32
    %sign3A_193 = arith.extui %sign3A_192 : i1 to i32
    %sign3A_194 = arith.subi %sign3A_190, %sign3A_193 : i32
    %ne3A_195 = arith.cmpi ne, %sign3A_187, %sign3A_194 : i32
    %rem3A_196 = arith.remsi %sub3A_178, %jit3A_179 : i32
    %ne3A_197 = arith.constant 0 : i32
    %ne3A_198 = arith.cmpi ne, %rem3A_196, %ne3A_197 : i32
    %and3A_199 = arith.andi %ne3A_195, %ne3A_198 : i1
    %sub3A_200 = arith.constant 1 : i32
    %sub3A_201 = arith.subi %div3A_180, %sub3A_200 : i32
    %select_n3A_202 = arith.select %and3A_199, %sub3A_201, %div3A_180 : i32
    %while3A_203 = arith.constant 0 : i32
    %while3A_204 = arith.constant 0 : i32
    %while3A_205 = arith.subi %select_n3A_202, %while3A_204 : i32
    %while3A_206 = arith.addi %while3A_204, %while3A_205 : i32
    %while3A_207 = arith.constant 1 : i32
    %while3A_208 = arith.divsi %while3A_205, %while3A_207 : i32
    %while3A_209 = arith.muli %while3A_208, %while3A_207 : i32
    %while3A_210 = arith.addi %while3A_204, %while3A_209 : i32
    %while3A_211 = arith.constant 1 : i32
    scf.for %while3A_409 = %while3A_204 to %while3A_210 step %while3A_211  : i32 {
      %mul3A_410 = arith.constant 16 : i32
      %mul3A_411 = arith.muli %while3A_409, %mul3A_410 : i32
      %get3A = arith.constant 1 : i32
      %get3A_412 = arith.index_cast %get3A : i32 to index
      %get3A_413 = arith.index_cast %mul3A_411 : i32 to index
      %get3A_414 = tpu.vector_load %arg9[%get3A_412, %get3A_413] {strides = array<i32>} : memref<4x1040xi32, #tpu.memory_space<vmem>>, vector<16xi32>,
      %mul3A_415 = arith.constant 16 : i32
      %mul3A_416 = arith.muli %while3A_409, %mul3A_415 : i32
      %get3A_417 = arith.constant 1 : i32
      %get3A_418 = arith.index_cast %get3A_417 : i32 to index
      %get3A_419 = arith.index_cast %mul3A_416 : i32 to index
      %get3A_420 = tpu.vector_load %arg10[%get3A_418, %get3A_419] {strides = array<i32>} : memref<4x1040xi32, #tpu.memory_space<vmem>>, vector<16xi32>,
      %mul3A_421 = arith.constant 16 : i32
      %mul3A_422 = arith.muli %while3A_409, %mul3A_421 : i32
      %add3A_423 = vector.broadcast %mul3A_422 : i32 to vector<16xi32>
      %add3A_424 = arith.addi %add3A_423, %iota3A : vector<16xi32>
      %lt3A_425 = arith.cmpi slt, %add3A_424, %broadcast_in_dim3A_174 : vector<16xi32>
      %broadcast_in_dim3A_426 = arith.constant 0 : i32
      %broadcast_in_dim3A_427 = vector.broadcast %broadcast_in_dim3A_426 : i32 to vector<16xi32>
      %gather3A = tpu.vector_load_idx %arg7[%broadcast_in_dim3A_427, %get3A_414] : memref<8x6272xf32, #tpu.memory_space<vmem>>[vector<16xi32>, vector<16xi32>], vector<16xf32>,
      %broadcast_in_dim3A_428 = arith.constant 0 : i32
      %broadcast_in_dim3A_429 = vector.broadcast %broadcast_in_dim3A_428 : i32 to vector<16xi32>
      tpu.vector_store_idx %arg8[%broadcast_in_dim3A_429, %get3A_420], %gather3A masked %lt3A_425 : memref<8x1024xf32, #tpu.memory_space<vmem>>[vector<16xi32>, vector<16xi32>], vector<16xf32>, vector<16xi1>
      %broadcast_in_dim3A_430 = arith.constant 1 : i32
      %broadcast_in_dim3A_431 = vector.broadcast %broadcast_in_dim3A_430 : i32 to vector<16xi32>
      %gather3A_432 = tpu.vector_load_idx %arg7[%broadcast_in_dim3A_431, %get3A_414] : memref<8x6272xf32, #tpu.memory_space<vmem>>[vector<16xi32>, vector<16xi32>], vector<16xf32>,
      %broadcast_in_dim3A_433 = arith.constant 1 : i32
      %broadcast_in_dim3A_434 = vector.broadcast %broadcast_in_dim3A_433 : i32 to vector<16xi32>
      tpu.vector_store_idx %arg8[%broadcast_in_dim3A_434, %get3A_420], %gather3A_432 masked %lt3A_425 : memref<8x1024xf32, #tpu.memory_space<vmem>>[vector<16xi32>, vector<16xi32>], vector<16xf32>, vector<16xi1>
      %broadcast_in_dim3A_435 = arith.constant 2 : i32
      %broadcast_in_dim3A_436 = vector.broadcast %broadcast_in_dim3A_435 : i32 to vector<16xi32>
      %gather3A_437 = tpu.vector_load_idx %arg7[%broadcast_in_dim3A_436, %get3A_414] : memref<8x6272xf32, #tpu.memory_space<vmem>>[vector<16xi32>, vector<16xi32>], vector<16xf32>,
      %broadcast_in_dim3A_438 = arith.constant 2 : i32
      %broadcast_in_dim3A_439 = vector.broadcast %broadcast_in_dim3A_438 : i32 to vector<16xi32>
      tpu.vector_store_idx %arg8[%broadcast_in_dim3A_439, %get3A_420], %gather3A_437 masked %lt3A_425 : memref<8x1024xf32, #tpu.memory_space<vmem>>[vector<16xi32>, vector<16xi32>], vector<16xf32>, vector<16xi1>
      %broadcast_in_dim3A_440 = arith.constant 3 : i32
      %broadcast_in_dim3A_441 = vector.broadcast %broadcast_in_dim3A_440 : i32 to vector<16xi32>
      %gather3A_442 = tpu.vector_load_idx %arg7[%broadcast_in_dim3A_441, %get3A_414] : memref<8x6272xf32, #tpu.memory_space<vmem>>[vector<16xi32>, vector<16xi32>], vector<16xf32>,
      %broadcast_in_dim3A_443 = arith.constant 3 : i32
      %broadcast_in_dim3A_444 = vector.broadcast %broadcast_in_dim3A_443 : i32 to vector<16xi32>
      tpu.vector_store_idx %arg8[%broadcast_in_dim3A_444, %get3A_420], %gather3A_442 masked %lt3A_425 : memref<8x1024xf32, #tpu.memory_space<vmem>>[vector<16xi32>, vector<16xi32>], vector<16xf32>, vector<16xi1>
      %broadcast_in_dim3A_445 = arith.constant 4 : i32
      %broadcast_in_dim3A_446 = vector.broadcast %broadcast_in_dim3A_445 : i32 to vector<16xi32>
      %gather3A_447 = tpu.vector_load_idx %arg7[%broadcast_in_dim3A_446, %get3A_414] : memref<8x6272xf32, #tpu.memory_space<vmem>>[vector<16xi32>, vector<16xi32>], vector<16xf32>,
      %broadcast_in_dim3A_448 = arith.constant 4 : i32
      %broadcast_in_dim3A_449 = vector.broadcast %broadcast_in_dim3A_448 : i32 to vector<16xi32>
      tpu.vector_store_idx %arg8[%broadcast_in_dim3A_449, %get3A_420], %gather3A_447 masked %lt3A_425 : memref<8x1024xf32, #tpu.memory_space<vmem>>[vector<16xi32>, vector<16xi32>], vector<16xf32>, vector<16xi1>
      %broadcast_in_dim3A_450 = arith.constant 5 : i32
      %broadcast_in_dim3A_451 = vector.broadcast %broadcast_in_dim3A_450 : i32 to vector<16xi32>
      %gather3A_452 = tpu.vector_load_idx %arg7[%broadcast_in_dim3A_451, %get3A_414] : memref<8x6272xf32, #tpu.memory_space<vmem>>[vector<16xi32>, vector<16xi32>], vector<16xf32>,
      %broadcast_in_dim3A_453 = arith.constant 5 : i32
      %broadcast_in_dim3A_454 = vector.broadcast %broadcast_in_dim3A_453 : i32 to vector<16xi32>
      tpu.vector_store_idx %arg8[%broadcast_in_dim3A_454, %get3A_420], %gather3A_452 masked %lt3A_425 : memref<8x1024xf32, #tpu.memory_space<vmem>>[vector<16xi32>, vector<16xi32>], vector<16xf32>, vector<16xi1>
      %broadcast_in_dim3A_455 = arith.constant 6 : i32
      %broadcast_in_dim3A_456 = vector.broadcast %broadcast_in_dim3A_455 : i32 to vector<16xi32>
      %gather3A_457 = tpu.vector_load_idx %arg7[%broadcast_in_dim3A_456, %get3A_414] : memref<8x6272xf32, #tpu.memory_space<vmem>>[vector<16xi32>, vector<16xi32>], vector<16xf32>,
      %broadcast_in_dim3A_458 = arith.constant 6 : i32
      %broadcast_in_dim3A_459 = vector.broadcast %broadcast_in_dim3A_458 : i32 to vector<16xi32>
      tpu.vector_store_idx %arg8[%broadcast_in_dim3A_459, %get3A_420], %gather3A_457 masked %lt3A_425 : memref<8x1024xf32, #tpu.memory_space<vmem>>[vector<16xi32>, vector<16xi32>], vector<16xf32>, vector<16xi1>
      %broadcast_in_dim3A_460 = arith.constant 7 : i32
      %broadcast_in_dim3A_461 = vector.broadcast %broadcast_in_dim3A_460 : i32 to vector<16xi32>
      %gather3A_462 = tpu.vector_load_idx %arg7[%broadcast_in_dim3A_461, %get3A_414] : memref<8x6272xf32, #tpu.memory_space<vmem>>[vector<16xi32>, vector<16xi32>], vector<16xf32>,
      %broadcast_in_dim3A_463 = arith.constant 7 : i32
      %broadcast_in_dim3A_464 = vector.broadcast %broadcast_in_dim3A_463 : i32 to vector<16xi32>
      tpu.vector_store_idx %arg8[%broadcast_in_dim3A_464, %get3A_420], %gather3A_462 masked %lt3A_425 : memref<8x1024xf32, #tpu.memory_space<vmem>>[vector<16xi32>, vector<16xi32>], vector<16xf32>, vector<16xi1>
    }
    %while3A_212 = arith.constant 1 : i32
    scf.for %while3A_409 = %while3A_210 to %while3A_206 step %while3A_212  : i32 {
      %mul3A_410 = arith.constant 16 : i32
      %mul3A_411 = arith.muli %while3A_409, %mul3A_410 : i32
      %get3A = arith.constant 1 : i32
      %get3A_412 = arith.index_cast %get3A : i32 to index
      %get3A_413 = arith.index_cast %mul3A_411 : i32 to index
      %get3A_414 = tpu.vector_load %arg9[%get3A_412, %get3A_413] {strides = array<i32>} : memref<4x1040xi32, #tpu.memory_space<vmem>>, vector<16xi32>,
      %mul3A_415 = arith.constant 16 : i32
      %mul3A_416 = arith.muli %while3A_409, %mul3A_415 : i32
      %get3A_417 = arith.constant 1 : i32
      %get3A_418 = arith.index_cast %get3A_417 : i32 to index
      %get3A_419 = arith.index_cast %mul3A_416 : i32 to index
      %get3A_420 = tpu.vector_load %arg10[%get3A_418, %get3A_419] {strides = array<i32>} : memref<4x1040xi32, #tpu.memory_space<vmem>>, vector<16xi32>,
      %mul3A_421 = arith.constant 16 : i32
      %mul3A_422 = arith.muli %while3A_409, %mul3A_421 : i32
      %add3A_423 = vector.broadcast %mul3A_422 : i32 to vector<16xi32>
      %add3A_424 = arith.addi %add3A_423, %iota3A : vector<16xi32>
      %lt3A_425 = arith.cmpi slt, %add3A_424, %broadcast_in_dim3A_174 : vector<16xi32>
      %broadcast_in_dim3A_426 = arith.constant 0 : i32
      %broadcast_in_dim3A_427 = vector.broadcast %broadcast_in_dim3A_426 : i32 to vector<16xi32>
      %gather3A = tpu.vector_load_idx %arg7[%broadcast_in_dim3A_427, %get3A_414] : memref<8x6272xf32, #tpu.memory_space<vmem>>[vector<16xi32>, vector<16xi32>], vector<16xf32>,
      %broadcast_in_dim3A_428 = arith.constant 0 : i32
      %broadcast_in_dim3A_429 = vector.broadcast %broadcast_in_dim3A_428 : i32 to vector<16xi32>
      tpu.vector_store_idx %arg8[%broadcast_in_dim3A_429, %get3A_420], %gather3A masked %lt3A_425 : memref<8x1024xf32, #tpu.memory_space<vmem>>[vector<16xi32>, vector<16xi32>], vector<16xf32>, vector<16xi1>
      %broadcast_in_dim3A_430 = arith.constant 1 : i32
      %broadcast_in_dim3A_431 = vector.broadcast %broadcast_in_dim3A_430 : i32 to vector<16xi32>
      %gather3A_432 = tpu.vector_load_idx %arg7[%broadcast_in_dim3A_431, %get3A_414] : memref<8x6272xf32, #tpu.memory_space<vmem>>[vector<16xi32>, vector<16xi32>], vector<16xf32>,
      %broadcast_in_dim3A_433 = arith.constant 1 : i32
      %broadcast_in_dim3A_434 = vector.broadcast %broadcast_in_dim3A_433 : i32 to vector<16xi32>
      tpu.vector_store_idx %arg8[%broadcast_in_dim3A_434, %get3A_420], %gather3A_432 masked %lt3A_425 : memref<8x1024xf32, #tpu.memory_space<vmem>>[vector<16xi32>, vector<16xi32>], vector<16xf32>, vector<16xi1>
      %broadcast_in_dim3A_435 = arith.constant 2 : i32
      %broadcast_in_dim3A_436 = vector.broadcast %broadcast_in_dim3A_435 : i32 to vector<16xi32>
      %gather3A_437 = tpu.vector_load_idx %arg7[%broadcast_in_dim3A_436, %get3A_414] : memref<8x6272xf32, #tpu.memory_space<vmem>>[vector<16xi32>, vector<16xi32>], vector<16xf32>,
      %broadcast_in_dim3A_438 = arith.constant 2 : i32
      %broadcast_in_dim3A_439 = vector.broadcast %broadcast_in_dim3A_438 : i32 to vector<16xi32>
      tpu.vector_store_idx %arg8[%broadcast_in_dim3A_439, %get3A_420], %gather3A_437 masked %lt3A_425 : memref<8x1024xf32, #tpu.memory_space<vmem>>[vector<16xi32>, vector<16xi32>], vector<16xf32>, vector<16xi1>
      %broadcast_in_dim3A_440 = arith.constant 3 : i32
      %broadcast_in_dim3A_441 = vector.broadcast %broadcast_in_dim3A_440 : i32 to vector<16xi32>
      %gather3A_442 = tpu.vector_load_idx %arg7[%broadcast_in_dim3A_441, %get3A_414] : memref<8x6272xf32, #tpu.memory_space<vmem>>[vector<16xi32>, vector<16xi32>], vector<16xf32>,
      %broadcast_in_dim3A_443 = arith.constant 3 : i32
      %broadcast_in_dim3A_444 = vector.broadcast %broadcast_in_dim3A_443 : i32 to vector<16xi32>
      tpu.vector_store_idx %arg8[%broadcast_in_dim3A_444, %get3A_420], %gather3A_442 masked %lt3A_425 : memref<8x1024xf32, #tpu.memory_space<vmem>>[vector<16xi32>, vector<16xi32>], vector<16xf32>, vector<16xi1>
      %broadcast_in_dim3A_445 = arith.constant 4 : i32
      %broadcast_in_dim3A_446 = vector.broadcast %broadcast_in_dim3A_445 : i32 to vector<16xi32>
      %gather3A_447 = tpu.vector_load_idx %arg7[%broadcast_in_dim3A_446, %get3A_414] : memref<8x6272xf32, #tpu.memory_space<vmem>>[vector<16xi32>, vector<16xi32>], vector<16xf32>,
      %broadcast_in_dim3A_448 = arith.constant 4 : i32
      %broadcast_in_dim3A_449 = vector.broadcast %broadcast_in_dim3A_448 : i32 to vector<16xi32>
      tpu.vector_store_idx %arg8[%broadcast_in_dim3A_449, %get3A_420], %gather3A_447 masked %lt3A_425 : memref<8x1024xf32, #tpu.memory_space<vmem>>[vector<16xi32>, vector<16xi32>], vector<16xf32>, vector<16xi1>
      %broadcast_in_dim3A_450 = arith.constant 5 : i32
      %broadcast_in_dim3A_451 = vector.broadcast %broadcast_in_dim3A_450 : i32 to vector<16xi32>
      %gather3A_452 = tpu.vector_load_idx %arg7[%broadcast_in_dim3A_451, %get3A_414] : memref<8x6272xf32, #tpu.memory_space<vmem>>[vector<16xi32>, vector<16xi32>], vector<16xf32>,
      %broadcast_in_dim3A_453 = arith.constant 5 : i32
      %broadcast_in_dim3A_454 = vector.broadcast %broadcast_in_dim3A_453 : i32 to vector<16xi32>
      tpu.vector_store_idx %arg8[%broadcast_in_dim3A_454, %get3A_420], %gather3A_452 masked %lt3A_425 : memref<8x1024xf32, #tpu.memory_space<vmem>>[vector<16xi32>, vector<16xi32>], vector<16xf32>, vector<16xi1>
      %broadcast_in_dim3A_455 = arith.constant 6 : i32
      %broadcast_in_dim3A_456 = vector.broadcast %broadcast_in_dim3A_455 : i32 to vector<16xi32>
      %gather3A_457 = tpu.vector_load_idx %arg7[%broadcast_in_dim3A_456, %get3A_414] : memref<8x6272xf32, #tpu.memory_space<vmem>>[vector<16xi32>, vector<16xi32>], vector<16xf32>,
      %broadcast_in_dim3A_458 = arith.constant 6 : i32
      %broadcast_in_dim3A_459 = vector.broadcast %broadcast_in_dim3A_458 : i32 to vector<16xi32>
      tpu.vector_store_idx %arg8[%broadcast_in_dim3A_459, %get3A_420], %gather3A_457 masked %lt3A_425 : memref<8x1024xf32, #tpu.memory_space<vmem>>[vector<16xi32>, vector<16xi32>], vector<16xf32>, vector<16xi1>
      %broadcast_in_dim3A_460 = arith.constant 7 : i32
      %broadcast_in_dim3A_461 = vector.broadcast %broadcast_in_dim3A_460 : i32 to vector<16xi32>
      %gather3A_462 = tpu.vector_load_idx %arg7[%broadcast_in_dim3A_461, %get3A_414] : memref<8x6272xf32, #tpu.memory_space<vmem>>[vector<16xi32>, vector<16xi32>], vector<16xf32>,
      %broadcast_in_dim3A_463 = arith.constant 7 : i32
      %broadcast_in_dim3A_464 = vector.broadcast %broadcast_in_dim3A_463 : i32 to vector<16xi32>
      tpu.vector_store_idx %arg8[%broadcast_in_dim3A_464, %get3A_420], %gather3A_462 masked %lt3A_425 : memref<8x1024xf32, #tpu.memory_space<vmem>>[vector<16xi32>, vector<16xi32>], vector<16xf32>, vector<16xi1>
    }
    %dma_wait3A_213 = tpu.memref_slice %arg2[%multiple_of3A, %multiple_of3A_171] : memref<64x100000xf32, #tpu.memory_space<hbm>> -> memref<8x6272xf32, #tpu.memory_space<hbm>>
    %dma_wait3A_214 = tpu.memref_slice %arg2[%multiple_of3A, %multiple_of3A_171] : memref<64x100000xf32, #tpu.memory_space<hbm>> -> memref<8x6272xf32, #tpu.memory_space<hbm>>
    tpu.wait_dma2 semaphore(%arg12 : memref<!tpu.dma_semaphore, #tpu.memory_space<semaphore_mem>>) src(%dma_wait3A_214 : memref<8x6272xf32, #tpu.memory_space<hbm>>) dst(%arg6 : memref<8x6272xf32, #tpu.memory_space<vmem>>)
    %mul3A_215 = arith.constant 4 : i32
    %mul3A_216 = arith.muli %select_n3A_30, %mul3A_215 : i32
    %add3A_217 = arith.constant 3 : i32
    %add3A_218 = arith.addi %mul3A_216, %add3A_217 : i32
    %mul3A_219 = arith.constant 6272 : i32
    %mul3A_220 = arith.muli %add3A_218, %mul3A_219 : i32
    %min3A_221 = arith.constant 93824 : i32
    %min3A_222 = arith.minsi %mul3A_220, %min3A_221 : i32
    %multiple_of3A_223 = tpu.assume_multiple %min3A_222, 128 : i32
    %dma_start3A_224 = tpu.memref_slice %arg2[%multiple_of3A, %multiple_of3A_223] : memref<64x100000xf32, #tpu.memory_space<hbm>> -> memref<8x6272xf32, #tpu.memory_space<hbm>>
    %dma_start3A_225 = tpu.memref_slice %arg2[%multiple_of3A, %multiple_of3A_223] : memref<64x100000xf32, #tpu.memory_space<hbm>> -> memref<8x6272xf32, #tpu.memory_space<hbm>>
    tpu.enqueue_dma source(%dma_start3A_225 : memref<8x6272xf32, #tpu.memory_space<hbm>>) target(%arg7 : memref<8x6272xf32, #tpu.memory_space<vmem>>) target_semaphore(%arg13 : memref<!tpu.dma_semaphore, #tpu.memory_space<semaphore_mem>>)
    %broadcast_in_dim3A_226 = vector.broadcast %scan3A_94#2 : i32 to vector<16xi32>
    %add3A_227 = arith.constant 16 : i32
    %add3A_228 = arith.addi %scan3A_94#2, %add3A_227 : i32
    %sub3A_229 = arith.constant 1 : i32
    %sub3A_230 = arith.subi %add3A_228, %sub3A_229 : i32
    %jit3A_231 = arith.constant 16 : i32
    %div3A_232 = arith.divsi %sub3A_230, %jit3A_231 : i32
    %sign3A_233 = arith.constant 0 : i32
    %sign3A_234 = arith.cmpi sgt, %sub3A_230, %sign3A_233 : i32
    %sign3A_235 = arith.extui %sign3A_234 : i1 to i32
    %sign3A_236 = arith.constant 0 : i32
    %sign3A_237 = arith.cmpi slt, %sub3A_230, %sign3A_236 : i32
    %sign3A_238 = arith.extui %sign3A_237 : i1 to i32
    %sign3A_239 = arith.subi %sign3A_235, %sign3A_238 : i32
    %sign3A_240 = arith.constant 0 : i32
    %sign3A_241 = arith.cmpi sgt, %jit3A_231, %sign3A_240 : i32
    %sign3A_242 = arith.extui %sign3A_241 : i1 to i32
    %sign3A_243 = arith.constant 0 : i32
    %sign3A_244 = arith.cmpi slt, %jit3A_231, %sign3A_243 : i32
    %sign3A_245 = arith.extui %sign3A_244 : i1 to i32
    %sign3A_246 = arith.subi %sign3A_242, %sign3A_245 : i32
    %ne3A_247 = arith.cmpi ne, %sign3A_239, %sign3A_246 : i32
    %rem3A_248 = arith.remsi %sub3A_230, %jit3A_231 : i32
    %ne3A_249 = arith.constant 0 : i32
    %ne3A_250 = arith.cmpi ne, %rem3A_248, %ne3A_249 : i32
    %and3A_251 = arith.andi %ne3A_247, %ne3A_250 : i1
    %sub3A_252 = arith.constant 1 : i32
    %sub3A_253 = arith.subi %div3A_232, %sub3A_252 : i32
    %select_n3A_254 = arith.select %and3A_251, %sub3A_253, %div3A_232 : i32
    %while3A_255 = arith.constant 0 : i32
    %while3A_256 = arith.constant 0 : i32
    %while3A_257 = arith.subi %select_n3A_254, %while3A_256 : i32
    %while3A_258 = arith.addi %while3A_256, %while3A_257 : i32
    %while3A_259 = arith.constant 1 : i32
    %while3A_260 = arith.divsi %while3A_257, %while3A_259 : i32
    %while3A_261 = arith.muli %while3A_260, %while3A_259 : i32
    %while3A_262 = arith.addi %while3A_256, %while3A_261 : i32
    %while3A_263 = arith.constant 1 : i32
    scf.for %while3A_409 = %while3A_256 to %while3A_262 step %while3A_263  : i32 {
      %mul3A_410 = arith.constant 16 : i32
      %mul3A_411 = arith.muli %while3A_409, %mul3A_410 : i32
      %get3A = arith.constant 2 : i32
      %get3A_412 = arith.index_cast %get3A : i32 to index
      %get3A_413 = arith.index_cast %mul3A_411 : i32 to index
      %get3A_414 = tpu.vector_load %arg9[%get3A_412, %get3A_413] {strides = array<i32>} : memref<4x1040xi32, #tpu.memory_space<vmem>>, vector<16xi32>,
      %mul3A_415 = arith.constant 16 : i32
      %mul3A_416 = arith.muli %while3A_409, %mul3A_415 : i32
      %get3A_417 = arith.constant 2 : i32
      %get3A_418 = arith.index_cast %get3A_417 : i32 to index
      %get3A_419 = arith.index_cast %mul3A_416 : i32 to index
      %get3A_420 = tpu.vector_load %arg10[%get3A_418, %get3A_419] {strides = array<i32>} : memref<4x1040xi32, #tpu.memory_space<vmem>>, vector<16xi32>,
      %mul3A_421 = arith.constant 16 : i32
      %mul3A_422 = arith.muli %while3A_409, %mul3A_421 : i32
      %add3A_423 = vector.broadcast %mul3A_422 : i32 to vector<16xi32>
      %add3A_424 = arith.addi %add3A_423, %iota3A : vector<16xi32>
      %lt3A_425 = arith.cmpi slt, %add3A_424, %broadcast_in_dim3A_226 : vector<16xi32>
      %broadcast_in_dim3A_426 = arith.constant 0 : i32
      %broadcast_in_dim3A_427 = vector.broadcast %broadcast_in_dim3A_426 : i32 to vector<16xi32>
      %gather3A = tpu.vector_load_idx %arg6[%broadcast_in_dim3A_427, %get3A_414] : memref<8x6272xf32, #tpu.memory_space<vmem>>[vector<16xi32>, vector<16xi32>], vector<16xf32>,
      %broadcast_in_dim3A_428 = arith.constant 0 : i32
      %broadcast_in_dim3A_429 = vector.broadcast %broadcast_in_dim3A_428 : i32 to vector<16xi32>
      tpu.vector_store_idx %arg8[%broadcast_in_dim3A_429, %get3A_420], %gather3A masked %lt3A_425 : memref<8x1024xf32, #tpu.memory_space<vmem>>[vector<16xi32>, vector<16xi32>], vector<16xf32>, vector<16xi1>
      %broadcast_in_dim3A_430 = arith.constant 1 : i32
      %broadcast_in_dim3A_431 = vector.broadcast %broadcast_in_dim3A_430 : i32 to vector<16xi32>
      %gather3A_432 = tpu.vector_load_idx %arg6[%broadcast_in_dim3A_431, %get3A_414] : memref<8x6272xf32, #tpu.memory_space<vmem>>[vector<16xi32>, vector<16xi32>], vector<16xf32>,
      %broadcast_in_dim3A_433 = arith.constant 1 : i32
      %broadcast_in_dim3A_434 = vector.broadcast %broadcast_in_dim3A_433 : i32 to vector<16xi32>
      tpu.vector_store_idx %arg8[%broadcast_in_dim3A_434, %get3A_420], %gather3A_432 masked %lt3A_425 : memref<8x1024xf32, #tpu.memory_space<vmem>>[vector<16xi32>, vector<16xi32>], vector<16xf32>, vector<16xi1>
      %broadcast_in_dim3A_435 = arith.constant 2 : i32
      %broadcast_in_dim3A_436 = vector.broadcast %broadcast_in_dim3A_435 : i32 to vector<16xi32>
      %gather3A_437 = tpu.vector_load_idx %arg6[%broadcast_in_dim3A_436, %get3A_414] : memref<8x6272xf32, #tpu.memory_space<vmem>>[vector<16xi32>, vector<16xi32>], vector<16xf32>,
      %broadcast_in_dim3A_438 = arith.constant 2 : i32
      %broadcast_in_dim3A_439 = vector.broadcast %broadcast_in_dim3A_438 : i32 to vector<16xi32>
      tpu.vector_store_idx %arg8[%broadcast_in_dim3A_439, %get3A_420], %gather3A_437 masked %lt3A_425 : memref<8x1024xf32, #tpu.memory_space<vmem>>[vector<16xi32>, vector<16xi32>], vector<16xf32>, vector<16xi1>
      %broadcast_in_dim3A_440 = arith.constant 3 : i32
      %broadcast_in_dim3A_441 = vector.broadcast %broadcast_in_dim3A_440 : i32 to vector<16xi32>
      %gather3A_442 = tpu.vector_load_idx %arg6[%broadcast_in_dim3A_441, %get3A_414] : memref<8x6272xf32, #tpu.memory_space<vmem>>[vector<16xi32>, vector<16xi32>], vector<16xf32>,
      %broadcast_in_dim3A_443 = arith.constant 3 : i32
      %broadcast_in_dim3A_444 = vector.broadcast %broadcast_in_dim3A_443 : i32 to vector<16xi32>
      tpu.vector_store_idx %arg8[%broadcast_in_dim3A_444, %get3A_420], %gather3A_442 masked %lt3A_425 : memref<8x1024xf32, #tpu.memory_space<vmem>>[vector<16xi32>, vector<16xi32>], vector<16xf32>, vector<16xi1>
      %broadcast_in_dim3A_445 = arith.constant 4 : i32
      %broadcast_in_dim3A_446 = vector.broadcast %broadcast_in_dim3A_445 : i32 to vector<16xi32>
      %gather3A_447 = tpu.vector_load_idx %arg6[%broadcast_in_dim3A_446, %get3A_414] : memref<8x6272xf32, #tpu.memory_space<vmem>>[vector<16xi32>, vector<16xi32>], vector<16xf32>,
      %broadcast_in_dim3A_448 = arith.constant 4 : i32
      %broadcast_in_dim3A_449 = vector.broadcast %broadcast_in_dim3A_448 : i32 to vector<16xi32>
      tpu.vector_store_idx %arg8[%broadcast_in_dim3A_449, %get3A_420], %gather3A_447 masked %lt3A_425 : memref<8x1024xf32, #tpu.memory_space<vmem>>[vector<16xi32>, vector<16xi32>], vector<16xf32>, vector<16xi1>
      %broadcast_in_dim3A_450 = arith.constant 5 : i32
      %broadcast_in_dim3A_451 = vector.broadcast %broadcast_in_dim3A_450 : i32 to vector<16xi32>
      %gather3A_452 = tpu.vector_load_idx %arg6[%broadcast_in_dim3A_451, %get3A_414] : memref<8x6272xf32, #tpu.memory_space<vmem>>[vector<16xi32>, vector<16xi32>], vector<16xf32>,
      %broadcast_in_dim3A_453 = arith.constant 5 : i32
      %broadcast_in_dim3A_454 = vector.broadcast %broadcast_in_dim3A_453 : i32 to vector<16xi32>
      tpu.vector_store_idx %arg8[%broadcast_in_dim3A_454, %get3A_420], %gather3A_452 masked %lt3A_425 : memref<8x1024xf32, #tpu.memory_space<vmem>>[vector<16xi32>, vector<16xi32>], vector<16xf32>, vector<16xi1>
      %broadcast_in_dim3A_455 = arith.constant 6 : i32
      %broadcast_in_dim3A_456 = vector.broadcast %broadcast_in_dim3A_455 : i32 to vector<16xi32>
      %gather3A_457 = tpu.vector_load_idx %arg6[%broadcast_in_dim3A_456, %get3A_414] : memref<8x6272xf32, #tpu.memory_space<vmem>>[vector<16xi32>, vector<16xi32>], vector<16xf32>,
      %broadcast_in_dim3A_458 = arith.constant 6 : i32
      %broadcast_in_dim3A_459 = vector.broadcast %broadcast_in_dim3A_458 : i32 to vector<16xi32>
      tpu.vector_store_idx %arg8[%broadcast_in_dim3A_459, %get3A_420], %gather3A_457 masked %lt3A_425 : memref<8x1024xf32, #tpu.memory_space<vmem>>[vector<16xi32>, vector<16xi32>], vector<16xf32>, vector<16xi1>
      %broadcast_in_dim3A_460 = arith.constant 7 : i32
      %broadcast_in_dim3A_461 = vector.broadcast %broadcast_in_dim3A_460 : i32 to vector<16xi32>
      %gather3A_462 = tpu.vector_load_idx %arg6[%broadcast_in_dim3A_461, %get3A_414] : memref<8x6272xf32, #tpu.memory_space<vmem>>[vector<16xi32>, vector<16xi32>], vector<16xf32>,
      %broadcast_in_dim3A_463 = arith.constant 7 : i32
      %broadcast_in_dim3A_464 = vector.broadcast %broadcast_in_dim3A_463 : i32 to vector<16xi32>
      tpu.vector_store_idx %arg8[%broadcast_in_dim3A_464, %get3A_420], %gather3A_462 masked %lt3A_425 : memref<8x1024xf32, #tpu.memory_space<vmem>>[vector<16xi32>, vector<16xi32>], vector<16xf32>, vector<16xi1>
    }
    %while3A_264 = arith.constant 1 : i32
    scf.for %while3A_409 = %while3A_262 to %while3A_258 step %while3A_264  : i32 {
      %mul3A_410 = arith.constant 16 : i32
      %mul3A_411 = arith.muli %while3A_409, %mul3A_410 : i32
      %get3A = arith.constant 2 : i32
      %get3A_412 = arith.index_cast %get3A : i32 to index
      %get3A_413 = arith.index_cast %mul3A_411 : i32 to index
      %get3A_414 = tpu.vector_load %arg9[%get3A_412, %get3A_413] {strides = array<i32>} : memref<4x1040xi32, #tpu.memory_space<vmem>>, vector<16xi32>,
      %mul3A_415 = arith.constant 16 : i32
      %mul3A_416 = arith.muli %while3A_409, %mul3A_415 : i32
      %get3A_417 = arith.constant 2 : i32
      %get3A_418 = arith.index_cast %get3A_417 : i32 to index
      %get3A_419 = arith.index_cast %mul3A_416 : i32 to index
      %get3A_420 = tpu.vector_load %arg10[%get3A_418, %get3A_419] {strides = array<i32>} : memref<4x1040xi32, #tpu.memory_space<vmem>>, vector<16xi32>,
      %mul3A_421 = arith.constant 16 : i32
      %mul3A_422 = arith.muli %while3A_409, %mul3A_421 : i32
      %add3A_423 = vector.broadcast %mul3A_422 : i32 to vector<16xi32>
      %add3A_424 = arith.addi %add3A_423, %iota3A : vector<16xi32>
      %lt3A_425 = arith.cmpi slt, %add3A_424, %broadcast_in_dim3A_226 : vector<16xi32>
      %broadcast_in_dim3A_426 = arith.constant 0 : i32
      %broadcast_in_dim3A_427 = vector.broadcast %broadcast_in_dim3A_426 : i32 to vector<16xi32>
      %gather3A = tpu.vector_load_idx %arg6[%broadcast_in_dim3A_427, %get3A_414] : memref<8x6272xf32, #tpu.memory_space<vmem>>[vector<16xi32>, vector<16xi32>], vector<16xf32>,
      %broadcast_in_dim3A_428 = arith.constant 0 : i32
      %broadcast_in_dim3A_429 = vector.broadcast %broadcast_in_dim3A_428 : i32 to vector<16xi32>
      tpu.vector_store_idx %arg8[%broadcast_in_dim3A_429, %get3A_420], %gather3A masked %lt3A_425 : memref<8x1024xf32, #tpu.memory_space<vmem>>[vector<16xi32>, vector<16xi32>], vector<16xf32>, vector<16xi1>
      %broadcast_in_dim3A_430 = arith.constant 1 : i32
      %broadcast_in_dim3A_431 = vector.broadcast %broadcast_in_dim3A_430 : i32 to vector<16xi32>
      %gather3A_432 = tpu.vector_load_idx %arg6[%broadcast_in_dim3A_431, %get3A_414] : memref<8x6272xf32, #tpu.memory_space<vmem>>[vector<16xi32>, vector<16xi32>], vector<16xf32>,
      %broadcast_in_dim3A_433 = arith.constant 1 : i32
      %broadcast_in_dim3A_434 = vector.broadcast %broadcast_in_dim3A_433 : i32 to vector<16xi32>
      tpu.vector_store_idx %arg8[%broadcast_in_dim3A_434, %get3A_420], %gather3A_432 masked %lt3A_425 : memref<8x1024xf32, #tpu.memory_space<vmem>>[vector<16xi32>, vector<16xi32>], vector<16xf32>, vector<16xi1>
      %broadcast_in_dim3A_435 = arith.constant 2 : i32
      %broadcast_in_dim3A_436 = vector.broadcast %broadcast_in_dim3A_435 : i32 to vector<16xi32>
      %gather3A_437 = tpu.vector_load_idx %arg6[%broadcast_in_dim3A_436, %get3A_414] : memref<8x6272xf32, #tpu.memory_space<vmem>>[vector<16xi32>, vector<16xi32>], vector<16xf32>,
      %broadcast_in_dim3A_438 = arith.constant 2 : i32
      %broadcast_in_dim3A_439 = vector.broadcast %broadcast_in_dim3A_438 : i32 to vector<16xi32>
      tpu.vector_store_idx %arg8[%broadcast_in_dim3A_439, %get3A_420], %gather3A_437 masked %lt3A_425 : memref<8x1024xf32, #tpu.memory_space<vmem>>[vector<16xi32>, vector<16xi32>], vector<16xf32>, vector<16xi1>
      %broadcast_in_dim3A_440 = arith.constant 3 : i32
      %broadcast_in_dim3A_441 = vector.broadcast %broadcast_in_dim3A_440 : i32 to vector<16xi32>
      %gather3A_442 = tpu.vector_load_idx %arg6[%broadcast_in_dim3A_441, %get3A_414] : memref<8x6272xf32, #tpu.memory_space<vmem>>[vector<16xi32>, vector<16xi32>], vector<16xf32>,
      %broadcast_in_dim3A_443 = arith.constant 3 : i32
      %broadcast_in_dim3A_444 = vector.broadcast %broadcast_in_dim3A_443 : i32 to vector<16xi32>
      tpu.vector_store_idx %arg8[%broadcast_in_dim3A_444, %get3A_420], %gather3A_442 masked %lt3A_425 : memref<8x1024xf32, #tpu.memory_space<vmem>>[vector<16xi32>, vector<16xi32>], vector<16xf32>, vector<16xi1>
      %broadcast_in_dim3A_445 = arith.constant 4 : i32
      %broadcast_in_dim3A_446 = vector.broadcast %broadcast_in_dim3A_445 : i32 to vector<16xi32>
      %gather3A_447 = tpu.vector_load_idx %arg6[%broadcast_in_dim3A_446, %get3A_414] : memref<8x6272xf32, #tpu.memory_space<vmem>>[vector<16xi32>, vector<16xi32>], vector<16xf32>,
      %broadcast_in_dim3A_448 = arith.constant 4 : i32
      %broadcast_in_dim3A_449 = vector.broadcast %broadcast_in_dim3A_448 : i32 to vector<16xi32>
      tpu.vector_store_idx %arg8[%broadcast_in_dim3A_449, %get3A_420], %gather3A_447 masked %lt3A_425 : memref<8x1024xf32, #tpu.memory_space<vmem>>[vector<16xi32>, vector<16xi32>], vector<16xf32>, vector<16xi1>
      %broadcast_in_dim3A_450 = arith.constant 5 : i32
      %broadcast_in_dim3A_451 = vector.broadcast %broadcast_in_dim3A_450 : i32 to vector<16xi32>
      %gather3A_452 = tpu.vector_load_idx %arg6[%broadcast_in_dim3A_451, %get3A_414] : memref<8x6272xf32, #tpu.memory_space<vmem>>[vector<16xi32>, vector<16xi32>], vector<16xf32>,
      %broadcast_in_dim3A_453 = arith.constant 5 : i32
      %broadcast_in_dim3A_454 = vector.broadcast %broadcast_in_dim3A_453 : i32 to vector<16xi32>
      tpu.vector_store_idx %arg8[%broadcast_in_dim3A_454, %get3A_420], %gather3A_452 masked %lt3A_425 : memref<8x1024xf32, #tpu.memory_space<vmem>>[vector<16xi32>, vector<16xi32>], vector<16xf32>, vector<16xi1>
      %broadcast_in_dim3A_455 = arith.constant 6 : i32
      %broadcast_in_dim3A_456 = vector.broadcast %broadcast_in_dim3A_455 : i32 to vector<16xi32>
      %gather3A_457 = tpu.vector_load_idx %arg6[%broadcast_in_dim3A_456, %get3A_414] : memref<8x6272xf32, #tpu.memory_space<vmem>>[vector<16xi32>, vector<16xi32>], vector<16xf32>,
      %broadcast_in_dim3A_458 = arith.constant 6 : i32
      %broadcast_in_dim3A_459 = vector.broadcast %broadcast_in_dim3A_458 : i32 to vector<16xi32>
      tpu.vector_store_idx %arg8[%broadcast_in_dim3A_459, %get3A_420], %gather3A_457 masked %lt3A_425 : memref<8x1024xf32, #tpu.memory_space<vmem>>[vector<16xi32>, vector<16xi32>], vector<16xf32>, vector<16xi1>
      %broadcast_in_dim3A_460 = arith.constant 7 : i32
      %broadcast_in_dim3A_461 = vector.broadcast %broadcast_in_dim3A_460 : i32 to vector<16xi32>
      %gather3A_462 = tpu.vector_load_idx %arg6[%broadcast_in_dim3A_461, %get3A_414] : memref<8x6272xf32, #tpu.memory_space<vmem>>[vector<16xi32>, vector<16xi32>], vector<16xf32>,
      %broadcast_in_dim3A_463 = arith.constant 7 : i32
      %broadcast_in_dim3A_464 = vector.broadcast %broadcast_in_dim3A_463 : i32 to vector<16xi32>
      tpu.vector_store_idx %arg8[%broadcast_in_dim3A_464, %get3A_420], %gather3A_462 masked %lt3A_425 : memref<8x1024xf32, #tpu.memory_space<vmem>>[vector<16xi32>, vector<16xi32>], vector<16xf32>, vector<16xi1>
    }
    %dma_wait3A_265 = tpu.memref_slice %arg2[%multiple_of3A, %multiple_of3A_223] : memref<64x100000xf32, #tpu.memory_space<hbm>> -> memref<8x6272xf32, #tpu.memory_space<hbm>>
    %dma_wait3A_266 = tpu.memref_slice %arg2[%multiple_of3A, %multiple_of3A_223] : memref<64x100000xf32, #tpu.memory_space<hbm>> -> memref<8x6272xf32, #tpu.memory_space<hbm>>
    tpu.wait_dma2 semaphore(%arg13 : memref<!tpu.dma_semaphore, #tpu.memory_space<semaphore_mem>>) src(%dma_wait3A_266 : memref<8x6272xf32, #tpu.memory_space<hbm>>) dst(%arg7 : memref<8x6272xf32, #tpu.memory_space<vmem>>)
    %broadcast_in_dim3A_267 = vector.broadcast %scan3A_94#3 : i32 to vector<16xi32>
    %add3A_268 = arith.constant 16 : i32
    %add3A_269 = arith.addi %scan3A_94#3, %add3A_268 : i32
    %sub3A_270 = arith.constant 1 : i32
    %sub3A_271 = arith.subi %add3A_269, %sub3A_270 : i32
    %jit3A_272 = arith.constant 16 : i32
    %div3A_273 = arith.divsi %sub3A_271, %jit3A_272 : i32
    %sign3A_274 = arith.constant 0 : i32
    %sign3A_275 = arith.cmpi sgt, %sub3A_271, %sign3A_274 : i32
    %sign3A_276 = arith.extui %sign3A_275 : i1 to i32
    %sign3A_277 = arith.constant 0 : i32
    %sign3A_278 = arith.cmpi slt, %sub3A_271, %sign3A_277 : i32
    %sign3A_279 = arith.extui %sign3A_278 : i1 to i32
    %sign3A_280 = arith.subi %sign3A_276, %sign3A_279 : i32
    %sign3A_281 = arith.constant 0 : i32
    %sign3A_282 = arith.cmpi sgt, %jit3A_272, %sign3A_281 : i32
    %sign3A_283 = arith.extui %sign3A_282 : i1 to i32
    %sign3A_284 = arith.constant 0 : i32
    %sign3A_285 = arith.cmpi slt, %jit3A_272, %sign3A_284 : i32
    %sign3A_286 = arith.extui %sign3A_285 : i1 to i32
    %sign3A_287 = arith.subi %sign3A_283, %sign3A_286 : i32
    %ne3A_288 = arith.cmpi ne, %sign3A_280, %sign3A_287 : i32
    %rem3A_289 = arith.remsi %sub3A_271, %jit3A_272 : i32
    %ne3A_290 = arith.constant 0 : i32
    %ne3A_291 = arith.cmpi ne, %rem3A_289, %ne3A_290 : i32
    %and3A_292 = arith.andi %ne3A_288, %ne3A_291 : i1
    %sub3A_293 = arith.constant 1 : i32
    %sub3A_294 = arith.subi %div3A_273, %sub3A_293 : i32
    %select_n3A_295 = arith.select %and3A_292, %sub3A_294, %div3A_273 : i32
    %while3A_296 = arith.constant 0 : i32
    %while3A_297 = arith.constant 0 : i32
    %while3A_298 = arith.subi %select_n3A_295, %while3A_297 : i32
    %while3A_299 = arith.addi %while3A_297, %while3A_298 : i32
    %while3A_300 = arith.constant 1 : i32
    %while3A_301 = arith.divsi %while3A_298, %while3A_300 : i32
    %while3A_302 = arith.muli %while3A_301, %while3A_300 : i32
    %while3A_303 = arith.addi %while3A_297, %while3A_302 : i32
    %while3A_304 = arith.constant 1 : i32
    scf.for %while3A_409 = %while3A_297 to %while3A_303 step %while3A_304  : i32 {
      %mul3A_410 = arith.constant 16 : i32
      %mul3A_411 = arith.muli %while3A_409, %mul3A_410 : i32
      %get3A = arith.constant 3 : i32
      %get3A_412 = arith.index_cast %get3A : i32 to index
      %get3A_413 = arith.index_cast %mul3A_411 : i32 to index
      %get3A_414 = tpu.vector_load %arg9[%get3A_412, %get3A_413] {strides = array<i32>} : memref<4x1040xi32, #tpu.memory_space<vmem>>, vector<16xi32>,
      %mul3A_415 = arith.constant 16 : i32
      %mul3A_416 = arith.muli %while3A_409, %mul3A_415 : i32
      %get3A_417 = arith.constant 3 : i32
      %get3A_418 = arith.index_cast %get3A_417 : i32 to index
      %get3A_419 = arith.index_cast %mul3A_416 : i32 to index
      %get3A_420 = tpu.vector_load %arg10[%get3A_418, %get3A_419] {strides = array<i32>} : memref<4x1040xi32, #tpu.memory_space<vmem>>, vector<16xi32>,
      %mul3A_421 = arith.constant 16 : i32
      %mul3A_422 = arith.muli %while3A_409, %mul3A_421 : i32
      %add3A_423 = vector.broadcast %mul3A_422 : i32 to vector<16xi32>
      %add3A_424 = arith.addi %add3A_423, %iota3A : vector<16xi32>
      %lt3A_425 = arith.cmpi slt, %add3A_424, %broadcast_in_dim3A_267 : vector<16xi32>
      %broadcast_in_dim3A_426 = arith.constant 0 : i32
      %broadcast_in_dim3A_427 = vector.broadcast %broadcast_in_dim3A_426 : i32 to vector<16xi32>
      %gather3A = tpu.vector_load_idx %arg7[%broadcast_in_dim3A_427, %get3A_414] : memref<8x6272xf32, #tpu.memory_space<vmem>>[vector<16xi32>, vector<16xi32>], vector<16xf32>,
      %broadcast_in_dim3A_428 = arith.constant 0 : i32
      %broadcast_in_dim3A_429 = vector.broadcast %broadcast_in_dim3A_428 : i32 to vector<16xi32>
      tpu.vector_store_idx %arg8[%broadcast_in_dim3A_429, %get3A_420], %gather3A masked %lt3A_425 : memref<8x1024xf32, #tpu.memory_space<vmem>>[vector<16xi32>, vector<16xi32>], vector<16xf32>, vector<16xi1>
      %broadcast_in_dim3A_430 = arith.constant 1 : i32
      %broadcast_in_dim3A_431 = vector.broadcast %broadcast_in_dim3A_430 : i32 to vector<16xi32>
      %gather3A_432 = tpu.vector_load_idx %arg7[%broadcast_in_dim3A_431, %get3A_414] : memref<8x6272xf32, #tpu.memory_space<vmem>>[vector<16xi32>, vector<16xi32>], vector<16xf32>,
      %broadcast_in_dim3A_433 = arith.constant 1 : i32
      %broadcast_in_dim3A_434 = vector.broadcast %broadcast_in_dim3A_433 : i32 to vector<16xi32>
      tpu.vector_store_idx %arg8[%broadcast_in_dim3A_434, %get3A_420], %gather3A_432 masked %lt3A_425 : memref<8x1024xf32, #tpu.memory_space<vmem>>[vector<16xi32>, vector<16xi32>], vector<16xf32>, vector<16xi1>
      %broadcast_in_dim3A_435 = arith.constant 2 : i32
      %broadcast_in_dim3A_436 = vector.broadcast %broadcast_in_dim3A_435 : i32 to vector<16xi32>
      %gather3A_437 = tpu.vector_load_idx %arg7[%broadcast_in_dim3A_436, %get3A_414] : memref<8x6272xf32, #tpu.memory_space<vmem>>[vector<16xi32>, vector<16xi32>], vector<16xf32>,
      %broadcast_in_dim3A_438 = arith.constant 2 : i32
      %broadcast_in_dim3A_439 = vector.broadcast %broadcast_in_dim3A_438 : i32 to vector<16xi32>
      tpu.vector_store_idx %arg8[%broadcast_in_dim3A_439, %get3A_420], %gather3A_437 masked %lt3A_425 : memref<8x1024xf32, #tpu.memory_space<vmem>>[vector<16xi32>, vector<16xi32>], vector<16xf32>, vector<16xi1>
      %broadcast_in_dim3A_440 = arith.constant 3 : i32
      %broadcast_in_dim3A_441 = vector.broadcast %broadcast_in_dim3A_440 : i32 to vector<16xi32>
      %gather3A_442 = tpu.vector_load_idx %arg7[%broadcast_in_dim3A_441, %get3A_414] : memref<8x6272xf32, #tpu.memory_space<vmem>>[vector<16xi32>, vector<16xi32>], vector<16xf32>,
      %broadcast_in_dim3A_443 = arith.constant 3 : i32
      %broadcast_in_dim3A_444 = vector.broadcast %broadcast_in_dim3A_443 : i32 to vector<16xi32>
      tpu.vector_store_idx %arg8[%broadcast_in_dim3A_444, %get3A_420], %gather3A_442 masked %lt3A_425 : memref<8x1024xf32, #tpu.memory_space<vmem>>[vector<16xi32>, vector<16xi32>], vector<16xf32>, vector<16xi1>
      %broadcast_in_dim3A_445 = arith.constant 4 : i32
      %broadcast_in_dim3A_446 = vector.broadcast %broadcast_in_dim3A_445 : i32 to vector<16xi32>
      %gather3A_447 = tpu.vector_load_idx %arg7[%broadcast_in_dim3A_446, %get3A_414] : memref<8x6272xf32, #tpu.memory_space<vmem>>[vector<16xi32>, vector<16xi32>], vector<16xf32>,
      %broadcast_in_dim3A_448 = arith.constant 4 : i32
      %broadcast_in_dim3A_449 = vector.broadcast %broadcast_in_dim3A_448 : i32 to vector<16xi32>
      tpu.vector_store_idx %arg8[%broadcast_in_dim3A_449, %get3A_420], %gather3A_447 masked %lt3A_425 : memref<8x1024xf32, #tpu.memory_space<vmem>>[vector<16xi32>, vector<16xi32>], vector<16xf32>, vector<16xi1>
      %broadcast_in_dim3A_450 = arith.constant 5 : i32
      %broadcast_in_dim3A_451 = vector.broadcast %broadcast_in_dim3A_450 : i32 to vector<16xi32>
      %gather3A_452 = tpu.vector_load_idx %arg7[%broadcast_in_dim3A_451, %get3A_414] : memref<8x6272xf32, #tpu.memory_space<vmem>>[vector<16xi32>, vector<16xi32>], vector<16xf32>,
      %broadcast_in_dim3A_453 = arith.constant 5 : i32
      %broadcast_in_dim3A_454 = vector.broadcast %broadcast_in_dim3A_453 : i32 to vector<16xi32>
      tpu.vector_store_idx %arg8[%broadcast_in_dim3A_454, %get3A_420], %gather3A_452 masked %lt3A_425 : memref<8x1024xf32, #tpu.memory_space<vmem>>[vector<16xi32>, vector<16xi32>], vector<16xf32>, vector<16xi1>
      %broadcast_in_dim3A_455 = arith.constant 6 : i32
      %broadcast_in_dim3A_456 = vector.broadcast %broadcast_in_dim3A_455 : i32 to vector<16xi32>
      %gather3A_457 = tpu.vector_load_idx %arg7[%broadcast_in_dim3A_456, %get3A_414] : memref<8x6272xf32, #tpu.memory_space<vmem>>[vector<16xi32>, vector<16xi32>], vector<16xf32>,
      %broadcast_in_dim3A_458 = arith.constant 6 : i32
      %broadcast_in_dim3A_459 = vector.broadcast %broadcast_in_dim3A_458 : i32 to vector<16xi32>
      tpu.vector_store_idx %arg8[%broadcast_in_dim3A_459, %get3A_420], %gather3A_457 masked %lt3A_425 : memref<8x1024xf32, #tpu.memory_space<vmem>>[vector<16xi32>, vector<16xi32>], vector<16xf32>, vector<16xi1>
      %broadcast_in_dim3A_460 = arith.constant 7 : i32
      %broadcast_in_dim3A_461 = vector.broadcast %broadcast_in_dim3A_460 : i32 to vector<16xi32>
      %gather3A_462 = tpu.vector_load_idx %arg7[%broadcast_in_dim3A_461, %get3A_414] : memref<8x6272xf32, #tpu.memory_space<vmem>>[vector<16xi32>, vector<16xi32>], vector<16xf32>,
      %broadcast_in_dim3A_463 = arith.constant 7 : i32
      %broadcast_in_dim3A_464 = vector.broadcast %broadcast_in_dim3A_463 : i32 to vector<16xi32>
      tpu.vector_store_idx %arg8[%broadcast_in_dim3A_464, %get3A_420], %gather3A_462 masked %lt3A_425 : memref<8x1024xf32, #tpu.memory_space<vmem>>[vector<16xi32>, vector<16xi32>], vector<16xf32>, vector<16xi1>
    }
    %while3A_305 = arith.constant 1 : i32
    scf.for %while3A_409 = %while3A_303 to %while3A_299 step %while3A_305  : i32 {
      %mul3A_410 = arith.constant 16 : i32
      %mul3A_411 = arith.muli %while3A_409, %mul3A_410 : i32
      %get3A = arith.constant 3 : i32
      %get3A_412 = arith.index_cast %get3A : i32 to index
      %get3A_413 = arith.index_cast %mul3A_411 : i32 to index
      %get3A_414 = tpu.vector_load %arg9[%get3A_412, %get3A_413] {strides = array<i32>} : memref<4x1040xi32, #tpu.memory_space<vmem>>, vector<16xi32>,
      %mul3A_415 = arith.constant 16 : i32
      %mul3A_416 = arith.muli %while3A_409, %mul3A_415 : i32
      %get3A_417 = arith.constant 3 : i32
      %get3A_418 = arith.index_cast %get3A_417 : i32 to index
      %get3A_419 = arith.index_cast %mul3A_416 : i32 to index
      %get3A_420 = tpu.vector_load %arg10[%get3A_418, %get3A_419] {strides = array<i32>} : memref<4x1040xi32, #tpu.memory_space<vmem>>, vector<16xi32>,
      %mul3A_421 = arith.constant 16 : i32
      %mul3A_422 = arith.muli %while3A_409, %mul3A_421 : i32
      %add3A_423 = vector.broadcast %mul3A_422 : i32 to vector<16xi32>
      %add3A_424 = arith.addi %add3A_423, %iota3A : vector<16xi32>
      %lt3A_425 = arith.cmpi slt, %add3A_424, %broadcast_in_dim3A_267 : vector<16xi32>
      %broadcast_in_dim3A_426 = arith.constant 0 : i32
      %broadcast_in_dim3A_427 = vector.broadcast %broadcast_in_dim3A_426 : i32 to vector<16xi32>
      %gather3A = tpu.vector_load_idx %arg7[%broadcast_in_dim3A_427, %get3A_414] : memref<8x6272xf32, #tpu.memory_space<vmem>>[vector<16xi32>, vector<16xi32>], vector<16xf32>,
      %broadcast_in_dim3A_428 = arith.constant 0 : i32
      %broadcast_in_dim3A_429 = vector.broadcast %broadcast_in_dim3A_428 : i32 to vector<16xi32>
      tpu.vector_store_idx %arg8[%broadcast_in_dim3A_429, %get3A_420], %gather3A masked %lt3A_425 : memref<8x1024xf32, #tpu.memory_space<vmem>>[vector<16xi32>, vector<16xi32>], vector<16xf32>, vector<16xi1>
      %broadcast_in_dim3A_430 = arith.constant 1 : i32
      %broadcast_in_dim3A_431 = vector.broadcast %broadcast_in_dim3A_430 : i32 to vector<16xi32>
      %gather3A_432 = tpu.vector_load_idx %arg7[%broadcast_in_dim3A_431, %get3A_414] : memref<8x6272xf32, #tpu.memory_space<vmem>>[vector<16xi32>, vector<16xi32>], vector<16xf32>,
      %broadcast_in_dim3A_433 = arith.constant 1 : i32
      %broadcast_in_dim3A_434 = vector.broadcast %broadcast_in_dim3A_433 : i32 to vector<16xi32>
      tpu.vector_store_idx %arg8[%broadcast_in_dim3A_434, %get3A_420], %gather3A_432 masked %lt3A_425 : memref<8x1024xf32, #tpu.memory_space<vmem>>[vector<16xi32>, vector<16xi32>], vector<16xf32>, vector<16xi1>
      %broadcast_in_dim3A_435 = arith.constant 2 : i32
      %broadcast_in_dim3A_436 = vector.broadcast %broadcast_in_dim3A_435 : i32 to vector<16xi32>
      %gather3A_437 = tpu.vector_load_idx %arg7[%broadcast_in_dim3A_436, %get3A_414] : memref<8x6272xf32, #tpu.memory_space<vmem>>[vector<16xi32>, vector<16xi32>], vector<16xf32>,
      %broadcast_in_dim3A_438 = arith.constant 2 : i32
      %broadcast_in_dim3A_439 = vector.broadcast %broadcast_in_dim3A_438 : i32 to vector<16xi32>
      tpu.vector_store_idx %arg8[%broadcast_in_dim3A_439, %get3A_420], %gather3A_437 masked %lt3A_425 : memref<8x1024xf32, #tpu.memory_space<vmem>>[vector<16xi32>, vector<16xi32>], vector<16xf32>, vector<16xi1>
      %broadcast_in_dim3A_440 = arith.constant 3 : i32
      %broadcast_in_dim3A_441 = vector.broadcast %broadcast_in_dim3A_440 : i32 to vector<16xi32>
      %gather3A_442 = tpu.vector_load_idx %arg7[%broadcast_in_dim3A_441, %get3A_414] : memref<8x6272xf32, #tpu.memory_space<vmem>>[vector<16xi32>, vector<16xi32>], vector<16xf32>,
      %broadcast_in_dim3A_443 = arith.constant 3 : i32
      %broadcast_in_dim3A_444 = vector.broadcast %broadcast_in_dim3A_443 : i32 to vector<16xi32>
      tpu.vector_store_idx %arg8[%broadcast_in_dim3A_444, %get3A_420], %gather3A_442 masked %lt3A_425 : memref<8x1024xf32, #tpu.memory_space<vmem>>[vector<16xi32>, vector<16xi32>], vector<16xf32>, vector<16xi1>
      %broadcast_in_dim3A_445 = arith.constant 4 : i32
      %broadcast_in_dim3A_446 = vector.broadcast %broadcast_in_dim3A_445 : i32 to vector<16xi32>
      %gather3A_447 = tpu.vector_load_idx %arg7[%broadcast_in_dim3A_446, %get3A_414] : memref<8x6272xf32, #tpu.memory_space<vmem>>[vector<16xi32>, vector<16xi32>], vector<16xf32>,
      %broadcast_in_dim3A_448 = arith.constant 4 : i32
      %broadcast_in_dim3A_449 = vector.broadcast %broadcast_in_dim3A_448 : i32 to vector<16xi32>
      tpu.vector_store_idx %arg8[%broadcast_in_dim3A_449, %get3A_420], %gather3A_447 masked %lt3A_425 : memref<8x1024xf32, #tpu.memory_space<vmem>>[vector<16xi32>, vector<16xi32>], vector<16xf32>, vector<16xi1>
      %broadcast_in_dim3A_450 = arith.constant 5 : i32
      %broadcast_in_dim3A_451 = vector.broadcast %broadcast_in_dim3A_450 : i32 to vector<16xi32>
      %gather3A_452 = tpu.vector_load_idx %arg7[%broadcast_in_dim3A_451, %get3A_414] : memref<8x6272xf32, #tpu.memory_space<vmem>>[vector<16xi32>, vector<16xi32>], vector<16xf32>,
      %broadcast_in_dim3A_453 = arith.constant 5 : i32
      %broadcast_in_dim3A_454 = vector.broadcast %broadcast_in_dim3A_453 : i32 to vector<16xi32>
      tpu.vector_store_idx %arg8[%broadcast_in_dim3A_454, %get3A_420], %gather3A_452 masked %lt3A_425 : memref<8x1024xf32, #tpu.memory_space<vmem>>[vector<16xi32>, vector<16xi32>], vector<16xf32>, vector<16xi1>
      %broadcast_in_dim3A_455 = arith.constant 6 : i32
      %broadcast_in_dim3A_456 = vector.broadcast %broadcast_in_dim3A_455 : i32 to vector<16xi32>
      %gather3A_457 = tpu.vector_load_idx %arg7[%broadcast_in_dim3A_456, %get3A_414] : memref<8x6272xf32, #tpu.memory_space<vmem>>[vector<16xi32>, vector<16xi32>], vector<16xf32>,
      %broadcast_in_dim3A_458 = arith.constant 6 : i32
      %broadcast_in_dim3A_459 = vector.broadcast %broadcast_in_dim3A_458 : i32 to vector<16xi32>
      tpu.vector_store_idx %arg8[%broadcast_in_dim3A_459, %get3A_420], %gather3A_457 masked %lt3A_425 : memref<8x1024xf32, #tpu.memory_space<vmem>>[vector<16xi32>, vector<16xi32>], vector<16xf32>, vector<16xi1>
      %broadcast_in_dim3A_460 = arith.constant 7 : i32
      %broadcast_in_dim3A_461 = vector.broadcast %broadcast_in_dim3A_460 : i32 to vector<16xi32>
      %gather3A_462 = tpu.vector_load_idx %arg7[%broadcast_in_dim3A_461, %get3A_414] : memref<8x6272xf32, #tpu.memory_space<vmem>>[vector<16xi32>, vector<16xi32>], vector<16xf32>,
      %broadcast_in_dim3A_463 = arith.constant 7 : i32
      %broadcast_in_dim3A_464 = vector.broadcast %broadcast_in_dim3A_463 : i32 to vector<16xi32>
      tpu.vector_store_idx %arg8[%broadcast_in_dim3A_464, %get3A_420], %gather3A_462 masked %lt3A_425 : memref<8x1024xf32, #tpu.memory_space<vmem>>[vector<16xi32>, vector<16xi32>], vector<16xf32>, vector<16xi1>
    }
    "tpu.region"() ({
      %run_scoped3A = tpu.sem_alloc : memref<!tpu.dma_semaphore, #tpu.memory_space<semaphore_mem>>
      %dma_start3A_409 = arith.constant 0 : i32
      %dma_start3A_410 = arith.constant 0 : i32
      %dma_start3A_411 = tpu.memref_slice %arg11[%arg1, %dma_start3A_409, %dma_start3A_410] : memref<16x8x1024xf32, #tpu.memory_space<vmem_shared>> -> memref<1x8x1024xf32, #tpu.memory_space<vmem_shared>>
      %dma_start3A_412 = tpu.memref_squeeze %dma_start3A_411 : memref<1x8x1024xf32, #tpu.memory_space<vmem_shared>> -> memref<8x1024xf32, #tpu.memory_space<vmem_shared>>
      %dma_start3A_413 = arith.constant 0 : i32
      %dma_start3A_414 = arith.constant 0 : i32
      %dma_start3A_415 = tpu.memref_slice %arg11[%arg1, %dma_start3A_413, %dma_start3A_414] : memref<16x8x1024xf32, #tpu.memory_space<vmem_shared>> -> memref<1x8x1024xf32, #tpu.memory_space<vmem_shared>>
      %dma_start3A_416 = tpu.memref_squeeze %dma_start3A_415 : memref<1x8x1024xf32, #tpu.memory_space<vmem_shared>> -> memref<8x1024xf32, #tpu.memory_space<vmem_shared>>
      tpu.enqueue_dma source(%arg8 : memref<8x1024xf32, #tpu.memory_space<vmem>>) target(%dma_start3A_416 : memref<8x1024xf32, #tpu.memory_space<vmem_shared>>) target_semaphore(%run_scoped3A : memref<!tpu.dma_semaphore, #tpu.memory_space<semaphore_mem>>)
      %dma_wait3A_417 = arith.constant 0 : i32
      %dma_wait3A_418 = arith.constant 0 : i32
      %dma_wait3A_419 = tpu.memref_slice %arg11[%arg1, %dma_wait3A_417, %dma_wait3A_418] : memref<16x8x1024xf32, #tpu.memory_space<vmem_shared>> -> memref<1x8x1024xf32, #tpu.memory_space<vmem_shared>>
      %dma_wait3A_420 = tpu.memref_squeeze %dma_wait3A_419 : memref<1x8x1024xf32, #tpu.memory_space<vmem_shared>> -> memref<8x1024xf32, #tpu.memory_space<vmem_shared>>
      %dma_wait3A_421 = arith.constant 0 : i32
      %dma_wait3A_422 = arith.constant 0 : i32
      %dma_wait3A_423 = tpu.memref_slice %arg11[%arg1, %dma_wait3A_421, %dma_wait3A_422] : memref<16x8x1024xf32, #tpu.memory_space<vmem_shared>> -> memref<1x8x1024xf32, #tpu.memory_space<vmem_shared>>
      %dma_wait3A_424 = tpu.memref_squeeze %dma_wait3A_423 : memref<1x8x1024xf32, #tpu.memory_space<vmem_shared>> -> memref<8x1024xf32, #tpu.memory_space<vmem_shared>>
      tpu.wait_dma2 semaphore(%run_scoped3A : memref<!tpu.dma_semaphore, #tpu.memory_space<semaphore_mem>>) src(%arg8 : memref<8x1024xf32, #tpu.memory_space<vmem>>) dst(%dma_wait3A_424 : memref<8x1024xf32, #tpu.memory_space<vmem_shared>>)
      tpu.yield
    }) : () -> ()
    %barrier3A = arith.constant 0 : index
    tpu.barrier barrier_id(%barrier3A)
    %mul3A_306 = arith.constant 256 : i32
    %mul3A_307 = arith.muli %select_n3A_30, %mul3A_306 : i32
    %multiple_of3A_308 = tpu.assume_multiple %mul3A_307, 256 : i32
    %sub3A_309 = arith.subi %arg1, %select_n3A_30 : i32
    %add3A_310 = arith.constant 0 : i32
    %add3A_311 = arith.addi %select_n3A_30, %add3A_310 : i32
    %add3A_312 = arith.constant 1 : i32
    %add3A_313 = arith.addi %add3A_311, %add3A_312 : i32
    %rem3A_314 = arith.constant 4 : i32
    %rem3A_315 = arith.remsi %add3A_313, %rem3A_314 : i32
    %add3A_316 = arith.addi %sub3A_309, %rem3A_315 : i32
    %dma_start3A_317 = arith.constant 0 : i32
    %dma_start3A_318 = arith.constant 0 : i32
    %dma_start3A_319 = tpu.memref_slice %arg6[%dma_start3A_317, %dma_start3A_318] : memref<8x6272xf32, #tpu.memory_space<vmem>> -> memref<8x256xf32, #tpu.memory_space<vmem>>
    %dma_start3A_320 = arith.constant 0 : i32
    %dma_start3A_321 = tpu.memref_slice %arg11[%add3A_316, %dma_start3A_320, %multiple_of3A_308] : memref<16x8x1024xf32, #tpu.memory_space<vmem_shared>> -> memref<1x8x256xf32, #tpu.memory_space<vmem_shared>>
    %dma_start3A_322 = tpu.memref_squeeze %dma_start3A_321 : memref<1x8x256xf32, #tpu.memory_space<vmem_shared>> -> memref<8x256xf32, #tpu.memory_space<vmem_shared>>
    %dma_start3A_323 = arith.constant 0 : i32
    %dma_start3A_324 = arith.constant 0 : i32
    %dma_start3A_325 = tpu.memref_slice %arg6[%dma_start3A_323, %dma_start3A_324] : memref<8x6272xf32, #tpu.memory_space<vmem>> -> memref<8x256xf32, #tpu.memory_space<vmem>>
    %dma_start3A_326 = arith.constant 0 : i32
    %dma_start3A_327 = tpu.memref_slice %arg11[%add3A_316, %dma_start3A_326, %multiple_of3A_308] : memref<16x8x1024xf32, #tpu.memory_space<vmem_shared>> -> memref<1x8x256xf32, #tpu.memory_space<vmem_shared>>
    %dma_start3A_328 = tpu.memref_squeeze %dma_start3A_327 : memref<1x8x256xf32, #tpu.memory_space<vmem_shared>> -> memref<8x256xf32, #tpu.memory_space<vmem_shared>>
    tpu.enqueue_dma source(%dma_start3A_328 : memref<8x256xf32, #tpu.memory_space<vmem_shared>>) target(%dma_start3A_325 : memref<8x256xf32, #tpu.memory_space<vmem>>) target_semaphore(%arg12 : memref<!tpu.dma_semaphore, #tpu.memory_space<semaphore_mem>>)
    %add3A_329 = arith.constant 1 : i32
    %add3A_330 = arith.addi %select_n3A_30, %add3A_329 : i32
    %add3A_331 = arith.constant 1 : i32
    %add3A_332 = arith.addi %add3A_330, %add3A_331 : i32
    %rem3A_333 = arith.constant 4 : i32
    %rem3A_334 = arith.remsi %add3A_332, %rem3A_333 : i32
    %add3A_335 = arith.addi %sub3A_309, %rem3A_334 : i32
    %dma_start3A_336 = arith.constant 0 : i32
    %dma_start3A_337 = arith.constant 256 : i32
    %dma_start3A_338 = tpu.memref_slice %arg6[%dma_start3A_336, %dma_start3A_337] : memref<8x6272xf32, #tpu.memory_space<vmem>> -> memref<8x256xf32, #tpu.memory_space<vmem>>
    %dma_start3A_339 = arith.constant 0 : i32
    %dma_start3A_340 = tpu.memref_slice %arg11[%add3A_335, %dma_start3A_339, %multiple_of3A_308] : memref<16x8x1024xf32, #tpu.memory_space<vmem_shared>> -> memref<1x8x256xf32, #tpu.memory_space<vmem_shared>>
    %dma_start3A_341 = tpu.memref_squeeze %dma_start3A_340 : memref<1x8x256xf32, #tpu.memory_space<vmem_shared>> -> memref<8x256xf32, #tpu.memory_space<vmem_shared>>
    %dma_start3A_342 = arith.constant 0 : i32
    %dma_start3A_343 = arith.constant 256 : i32
    %dma_start3A_344 = tpu.memref_slice %arg6[%dma_start3A_342, %dma_start3A_343] : memref<8x6272xf32, #tpu.memory_space<vmem>> -> memref<8x256xf32, #tpu.memory_space<vmem>>
    %dma_start3A_345 = arith.constant 0 : i32
    %dma_start3A_346 = tpu.memref_slice %arg11[%add3A_335, %dma_start3A_345, %multiple_of3A_308] : memref<16x8x1024xf32, #tpu.memory_space<vmem_shared>> -> memref<1x8x256xf32, #tpu.memory_space<vmem_shared>>
    %dma_start3A_347 = tpu.memref_squeeze %dma_start3A_346 : memref<1x8x256xf32, #tpu.memory_space<vmem_shared>> -> memref<8x256xf32, #tpu.memory_space<vmem_shared>>
    tpu.enqueue_dma source(%dma_start3A_347 : memref<8x256xf32, #tpu.memory_space<vmem_shared>>) target(%dma_start3A_344 : memref<8x256xf32, #tpu.memory_space<vmem>>) target_semaphore(%arg13 : memref<!tpu.dma_semaphore, #tpu.memory_space<semaphore_mem>>)
    %add3A_348 = arith.constant 2 : i32
    %add3A_349 = arith.addi %select_n3A_30, %add3A_348 : i32
    %add3A_350 = arith.constant 1 : i32
    %add3A_351 = arith.addi %add3A_349, %add3A_350 : i32
    %rem3A_352 = arith.constant 4 : i32
    %rem3A_353 = arith.remsi %add3A_351, %rem3A_352 : i32
    %add3A_354 = arith.addi %sub3A_309, %rem3A_353 : i32
    %dma_start3A_355 = arith.constant 0 : i32
    %dma_start3A_356 = arith.constant 512 : i32
    %dma_start3A_357 = tpu.memref_slice %arg6[%dma_start3A_355, %dma_start3A_356] : memref<8x6272xf32, #tpu.memory_space<vmem>> -> memref<8x256xf32, #tpu.memory_space<vmem>>
    %dma_start3A_358 = arith.constant 0 : i32
    %dma_start3A_359 = tpu.memref_slice %arg11[%add3A_354, %dma_start3A_358, %multiple_of3A_308] : memref<16x8x1024xf32, #tpu.memory_space<vmem_shared>> -> memref<1x8x256xf32, #tpu.memory_space<vmem_shared>>
    %dma_start3A_360 = tpu.memref_squeeze %dma_start3A_359 : memref<1x8x256xf32, #tpu.memory_space<vmem_shared>> -> memref<8x256xf32, #tpu.memory_space<vmem_shared>>
    %dma_start3A_361 = arith.constant 0 : i32
    %dma_start3A_362 = arith.constant 512 : i32
    %dma_start3A_363 = tpu.memref_slice %arg6[%dma_start3A_361, %dma_start3A_362] : memref<8x6272xf32, #tpu.memory_space<vmem>> -> memref<8x256xf32, #tpu.memory_space<vmem>>
    %dma_start3A_364 = arith.constant 0 : i32
    %dma_start3A_365 = tpu.memref_slice %arg11[%add3A_354, %dma_start3A_364, %multiple_of3A_308] : memref<16x8x1024xf32, #tpu.memory_space<vmem_shared>> -> memref<1x8x256xf32, #tpu.memory_space<vmem_shared>>
    %dma_start3A_366 = tpu.memref_squeeze %dma_start3A_365 : memref<1x8x256xf32, #tpu.memory_space<vmem_shared>> -> memref<8x256xf32, #tpu.memory_space<vmem_shared>>
    tpu.enqueue_dma source(%dma_start3A_366 : memref<8x256xf32, #tpu.memory_space<vmem_shared>>) target(%dma_start3A_363 : memref<8x256xf32, #tpu.memory_space<vmem>>) target_semaphore(%arg12 : memref<!tpu.dma_semaphore, #tpu.memory_space<semaphore_mem>>)
    %dma_wait3A_367 = arith.constant 0 : i32
    %dma_wait3A_368 = arith.constant 0 : i32
    %dma_wait3A_369 = tpu.memref_slice %arg6[%dma_wait3A_367, %dma_wait3A_368] : memref<8x6272xf32, #tpu.memory_space<vmem>> -> memref<8x256xf32, #tpu.memory_space<vmem>>
    %dma_wait3A_370 = arith.constant 0 : i32
    %dma_wait3A_371 = tpu.memref_slice %arg11[%add3A_316, %dma_wait3A_370, %multiple_of3A_308] : memref<16x8x1024xf32, #tpu.memory_space<vmem_shared>> -> memref<1x8x256xf32, #tpu.memory_space<vmem_shared>>
    %dma_wait3A_372 = tpu.memref_squeeze %dma_wait3A_371 : memref<1x8x256xf32, #tpu.memory_space<vmem_shared>> -> memref<8x256xf32, #tpu.memory_space<vmem_shared>>
    %dma_wait3A_373 = arith.constant 0 : i32
    %dma_wait3A_374 = arith.constant 0 : i32
    %dma_wait3A_375 = tpu.memref_slice %arg6[%dma_wait3A_373, %dma_wait3A_374] : memref<8x6272xf32, #tpu.memory_space<vmem>> -> memref<8x256xf32, #tpu.memory_space<vmem>>
    %dma_wait3A_376 = arith.constant 0 : i32
    %dma_wait3A_377 = tpu.memref_slice %arg11[%add3A_316, %dma_wait3A_376, %multiple_of3A_308] : memref<16x8x1024xf32, #tpu.memory_space<vmem_shared>> -> memref<1x8x256xf32, #tpu.memory_space<vmem_shared>>
    %dma_wait3A_378 = tpu.memref_squeeze %dma_wait3A_377 : memref<1x8x256xf32, #tpu.memory_space<vmem_shared>> -> memref<8x256xf32, #tpu.memory_space<vmem_shared>>
    tpu.wait_dma2 semaphore(%arg12 : memref<!tpu.dma_semaphore, #tpu.memory_space<semaphore_mem>>) src(%dma_wait3A_378 : memref<8x256xf32, #tpu.memory_space<vmem_shared>>) dst(%dma_wait3A_375 : memref<8x256xf32, #tpu.memory_space<vmem>>)
    %dma_wait3A_379 = arith.constant 0 : i32
    %dma_wait3A_380 = arith.constant 256 : i32
    %dma_wait3A_381 = tpu.memref_slice %arg6[%dma_wait3A_379, %dma_wait3A_380] : memref<8x6272xf32, #tpu.memory_space<vmem>> -> memref<8x256xf32, #tpu.memory_space<vmem>>
    %dma_wait3A_382 = arith.constant 0 : i32
    %dma_wait3A_383 = tpu.memref_slice %arg11[%add3A_335, %dma_wait3A_382, %multiple_of3A_308] : memref<16x8x1024xf32, #tpu.memory_space<vmem_shared>> -> memref<1x8x256xf32, #tpu.memory_space<vmem_shared>>
    %dma_wait3A_384 = tpu.memref_squeeze %dma_wait3A_383 : memref<1x8x256xf32, #tpu.memory_space<vmem_shared>> -> memref<8x256xf32, #tpu.memory_space<vmem_shared>>
    %dma_wait3A_385 = arith.constant 0 : i32
    %dma_wait3A_386 = arith.constant 256 : i32
    %dma_wait3A_387 = tpu.memref_slice %arg6[%dma_wait3A_385, %dma_wait3A_386] : memref<8x6272xf32, #tpu.memory_space<vmem>> -> memref<8x256xf32, #tpu.memory_space<vmem>>
    %dma_wait3A_388 = arith.constant 0 : i32
    %dma_wait3A_389 = tpu.memref_slice %arg11[%add3A_335, %dma_wait3A_388, %multiple_of3A_308] : memref<16x8x1024xf32, #tpu.memory_space<vmem_shared>> -> memref<1x8x256xf32, #tpu.memory_space<vmem_shared>>
    %dma_wait3A_390 = tpu.memref_squeeze %dma_wait3A_389 : memref<1x8x256xf32, #tpu.memory_space<vmem_shared>> -> memref<8x256xf32, #tpu.memory_space<vmem_shared>>
    tpu.wait_dma2 semaphore(%arg13 : memref<!tpu.dma_semaphore, #tpu.memory_space<semaphore_mem>>) src(%dma_wait3A_390 : memref<8x256xf32, #tpu.memory_space<vmem_shared>>) dst(%dma_wait3A_387 : memref<8x256xf32, #tpu.memory_space<vmem>>)
    %dma_wait3A_391 = arith.constant 0 : i32
    %dma_wait3A_392 = arith.constant 512 : i32
    %dma_wait3A_393 = tpu.memref_slice %arg6[%dma_wait3A_391, %dma_wait3A_392] : memref<8x6272xf32, #tpu.memory_space<vmem>> -> memref<8x256xf32, #tpu.memory_space<vmem>>
    %dma_wait3A_394 = arith.constant 0 : i32
    %dma_wait3A_395 = tpu.memref_slice %arg11[%add3A_354, %dma_wait3A_394, %multiple_of3A_308] : memref<16x8x1024xf32, #tpu.memory_space<vmem_shared>> -> memref<1x8x256xf32, #tpu.memory_space<vmem_shared>>
    %dma_wait3A_396 = tpu.memref_squeeze %dma_wait3A_395 : memref<1x8x256xf32, #tpu.memory_space<vmem_shared>> -> memref<8x256xf32, #tpu.memory_space<vmem_shared>>
    %dma_wait3A_397 = arith.constant 0 : i32
    %dma_wait3A_398 = arith.constant 512 : i32
    %dma_wait3A_399 = tpu.memref_slice %arg6[%dma_wait3A_397, %dma_wait3A_398] : memref<8x6272xf32, #tpu.memory_space<vmem>> -> memref<8x256xf32, #tpu.memory_space<vmem>>
    %dma_wait3A_400 = arith.constant 0 : i32
    %dma_wait3A_401 = tpu.memref_slice %arg11[%add3A_354, %dma_wait3A_400, %multiple_of3A_308] : memref<16x8x1024xf32, #tpu.memory_space<vmem_shared>> -> memref<1x8x256xf32, #tpu.memory_space<vmem_shared>>
    %dma_wait3A_402 = tpu.memref_squeeze %dma_wait3A_401 : memref<1x8x256xf32, #tpu.memory_space<vmem_shared>> -> memref<8x256xf32, #tpu.memory_space<vmem_shared>>
    tpu.wait_dma2 semaphore(%arg12 : memref<!tpu.dma_semaphore, #tpu.memory_space<semaphore_mem>>) src(%dma_wait3A_402 : memref<8x256xf32, #tpu.memory_space<vmem_shared>>) dst(%dma_wait3A_399 : memref<8x256xf32, #tpu.memory_space<vmem>>)
    %scan3A_403 = arith.constant 0 : i32
    %scan3A_404 = arith.constant 0 : i32
    %scan3A_405 = arith.constant 16 : i32
    %scan3A_406 = arith.addi %scan3A_404, %scan3A_405 : i32
    %scan3A_407 = arith.constant 1 : i32
    scf.for %scan3A_409 = %scan3A_404 to %scan3A_406 step %scan3A_407  : i32 {
      %mul3A_410 = arith.constant 16 : i32
      %mul3A_411 = arith.muli %scan3A_409, %mul3A_410 : i32
      %add3A_412 = arith.addi %multiple_of3A_308, %mul3A_411 : i32
      %get3A = arith.constant 0 : i32
      %get3A_413 = arith.index_cast %get3A : i32 to index
      %get3A_414 = arith.index_cast %add3A_412 : i32 to index
      %get3A_415 = tpu.vector_load %arg8[%get3A_413, %get3A_414] {strides = array<i32>} : memref<8x1024xf32, #tpu.memory_space<vmem>>, vector<16xf32>,
      %mul3A_416 = arith.constant 16 : i32
      %mul3A_417 = arith.muli %scan3A_409, %mul3A_416 : i32
      %get3A_418 = arith.constant 0 : i32
      %get3A_419 = arith.index_cast %get3A_418 : i32 to index
      %get3A_420 = arith.index_cast %mul3A_417 : i32 to index
      %get3A_421 = tpu.vector_load %arg6[%get3A_419, %get3A_420] {strides = array<i32>} : memref<8x6272xf32, #tpu.memory_space<vmem>>, vector<16xf32>,
      %add3A_422 = arith.addf %get3A_415, %get3A_421 : vector<16xf32>
      %mul3A_423 = arith.constant 16 : i32
      %mul3A_424 = arith.muli %scan3A_409, %mul3A_423 : i32
      %add3A_425 = arith.constant 256 : i32
      %add3A_426 = arith.addi %add3A_425, %mul3A_424 : i32
      %get3A_427 = arith.constant 0 : i32
      %get3A_428 = arith.index_cast %get3A_427 : i32 to index
      %get3A_429 = arith.index_cast %add3A_426 : i32 to index
      %get3A_430 = tpu.vector_load %arg6[%get3A_428, %get3A_429] {strides = array<i32>} : memref<8x6272xf32, #tpu.memory_space<vmem>>, vector<16xf32>,
      %mul3A_431 = arith.constant 16 : i32
      %mul3A_432 = arith.muli %scan3A_409, %mul3A_431 : i32
      %add3A_433 = arith.constant 512 : i32
      %add3A_434 = arith.addi %add3A_433, %mul3A_432 : i32
      %get3A_435 = arith.constant 0 : i32
      %get3A_436 = arith.index_cast %get3A_435 : i32 to index
      %get3A_437 = arith.index_cast %add3A_434 : i32 to index
      %get3A_438 = tpu.vector_load %arg6[%get3A_436, %get3A_437] {strides = array<i32>} : memref<8x6272xf32, #tpu.memory_space<vmem>>, vector<16xf32>,
      %add3A_439 = arith.addf %get3A_430, %get3A_438 : vector<16xf32>
      %add3A_440 = arith.addf %add3A_422, %add3A_439 : vector<16xf32>
      %swap3A_441 = arith.constant 0 : i32
      %swap3A_442 = arith.index_cast %swap3A_441 : i32 to index
      %swap3A_443 = arith.index_cast %add3A_412 : i32 to index
      %swap3A_444 = tpu.vector_load %arg8[%swap3A_442, %swap3A_443] {strides = array<i32>} : memref<8x1024xf32, #tpu.memory_space<vmem>>, vector<16xf32>,
      tpu.vector_store %arg8[%swap3A_442, %swap3A_443], %add3A_440 {strides = array<i32>} : memref<8x1024xf32, #tpu.memory_space<vmem>>, vector<16xf32>,
      %mul3A_445 = arith.constant 16 : i32
      %mul3A_446 = arith.muli %scan3A_409, %mul3A_445 : i32
      %add3A_447 = arith.addi %multiple_of3A_308, %mul3A_446 : i32
      %get3A_448 = arith.constant 1 : i32
      %get3A_449 = arith.index_cast %get3A_448 : i32 to index
      %get3A_450 = arith.index_cast %add3A_447 : i32 to index
      %get3A_451 = tpu.vector_load %arg8[%get3A_449, %get3A_450] {strides = array<i32>} : memref<8x1024xf32, #tpu.memory_space<vmem>>, vector<16xf32>,
      %mul3A_452 = arith.constant 16 : i32
      %mul3A_453 = arith.muli %scan3A_409, %mul3A_452 : i32
      %get3A_454 = arith.constant 1 : i32
      %get3A_455 = arith.index_cast %get3A_454 : i32 to index
      %get3A_456 = arith.index_cast %mul3A_453 : i32 to index
      %get3A_457 = tpu.vector_load %arg6[%get3A_455, %get3A_456] {strides = array<i32>} : memref<8x6272xf32, #tpu.memory_space<vmem>>, vector<16xf32>,
      %add3A_458 = arith.addf %get3A_451, %get3A_457 : vector<16xf32>
      %mul3A_459 = arith.constant 16 : i32
      %mul3A_460 = arith.muli %scan3A_409, %mul3A_459 : i32
      %add3A_461 = arith.constant 256 : i32
      %add3A_462 = arith.addi %add3A_461, %mul3A_460 : i32
      %get3A_463 = arith.constant 1 : i32
      %get3A_464 = arith.index_cast %get3A_463 : i32 to index
      %get3A_465 = arith.index_cast %add3A_462 : i32 to index
      %get3A_466 = tpu.vector_load %arg6[%get3A_464, %get3A_465] {strides = array<i32>} : memref<8x6272xf32, #tpu.memory_space<vmem>>, vector<16xf32>,
      %mul3A_467 = arith.constant 16 : i32
      %mul3A_468 = arith.muli %scan3A_409, %mul3A_467 : i32
      %add3A_469 = arith.constant 512 : i32
      %add3A_470 = arith.addi %add3A_469, %mul3A_468 : i32
      %get3A_471 = arith.constant 1 : i32
      %get3A_472 = arith.index_cast %get3A_471 : i32 to index
      %get3A_473 = arith.index_cast %add3A_470 : i32 to index
      %get3A_474 = tpu.vector_load %arg6[%get3A_472, %get3A_473] {strides = array<i32>} : memref<8x6272xf32, #tpu.memory_space<vmem>>, vector<16xf32>,
      %add3A_475 = arith.addf %get3A_466, %get3A_474 : vector<16xf32>
      %add3A_476 = arith.addf %add3A_458, %add3A_475 : vector<16xf32>
      %swap3A_477 = arith.constant 1 : i32
      %swap3A_478 = arith.index_cast %swap3A_477 : i32 to index
      %swap3A_479 = arith.index_cast %add3A_447 : i32 to index
      %swap3A_480 = tpu.vector_load %arg8[%swap3A_478, %swap3A_479] {strides = array<i32>} : memref<8x1024xf32, #tpu.memory_space<vmem>>, vector<16xf32>,
      tpu.vector_store %arg8[%swap3A_478, %swap3A_479], %add3A_476 {strides = array<i32>} : memref<8x1024xf32, #tpu.memory_space<vmem>>, vector<16xf32>,
      %mul3A_481 = arith.constant 16 : i32
      %mul3A_482 = arith.muli %scan3A_409, %mul3A_481 : i32
      %add3A_483 = arith.addi %multiple_of3A_308, %mul3A_482 : i32
      %get3A_484 = arith.constant 2 : i32
      %get3A_485 = arith.index_cast %get3A_484 : i32 to index
      %get3A_486 = arith.index_cast %add3A_483 : i32 to index
      %get3A_487 = tpu.vector_load %arg8[%get3A_485, %get3A_486] {strides = array<i32>} : memref<8x1024xf32, #tpu.memory_space<vmem>>, vector<16xf32>,
      %mul3A_488 = arith.constant 16 : i32
      %mul3A_489 = arith.muli %scan3A_409, %mul3A_488 : i32
      %get3A_490 = arith.constant 2 : i32
      %get3A_491 = arith.index_cast %get3A_490 : i32 to index
      %get3A_492 = arith.index_cast %mul3A_489 : i32 to index
      %get3A_493 = tpu.vector_load %arg6[%get3A_491, %get3A_492] {strides = array<i32>} : memref<8x6272xf32, #tpu.memory_space<vmem>>, vector<16xf32>,
      %add3A_494 = arith.addf %get3A_487, %get3A_493 : vector<16xf32>
      %mul3A_495 = arith.constant 16 : i32
      %mul3A_496 = arith.muli %scan3A_409, %mul3A_495 : i32
      %add3A_497 = arith.constant 256 : i32
      %add3A_498 = arith.addi %add3A_497, %mul3A_496 : i32
      %get3A_499 = arith.constant 2 : i32
      %get3A_500 = arith.index_cast %get3A_499 : i32 to index
      %get3A_501 = arith.index_cast %add3A_498 : i32 to index
      %get3A_502 = tpu.vector_load %arg6[%get3A_500, %get3A_501] {strides = array<i32>} : memref<8x6272xf32, #tpu.memory_space<vmem>>, vector<16xf32>,
      %mul3A_503 = arith.constant 16 : i32
      %mul3A_504 = arith.muli %scan3A_409, %mul3A_503 : i32
      %add3A_505 = arith.constant 512 : i32
      %add3A_506 = arith.addi %add3A_505, %mul3A_504 : i32
      %get3A_507 = arith.constant 2 : i32
      %get3A_508 = arith.index_cast %get3A_507 : i32 to index
      %get3A_509 = arith.index_cast %add3A_506 : i32 to index
      %get3A_510 = tpu.vector_load %arg6[%get3A_508, %get3A_509] {strides = array<i32>} : memref<8x6272xf32, #tpu.memory_space<vmem>>, vector<16xf32>,
      %add3A_511 = arith.addf %get3A_502, %get3A_510 : vector<16xf32>
      %add3A_512 = arith.addf %add3A_494, %add3A_511 : vector<16xf32>
      %swap3A_513 = arith.constant 2 : i32
      %swap3A_514 = arith.index_cast %swap3A_513 : i32 to index
      %swap3A_515 = arith.index_cast %add3A_483 : i32 to index
      %swap3A_516 = tpu.vector_load %arg8[%swap3A_514, %swap3A_515] {strides = array<i32>} : memref<8x1024xf32, #tpu.memory_space<vmem>>, vector<16xf32>,
      tpu.vector_store %arg8[%swap3A_514, %swap3A_515], %add3A_512 {strides = array<i32>} : memref<8x1024xf32, #tpu.memory_space<vmem>>, vector<16xf32>,
      %mul3A_517 = arith.constant 16 : i32
      %mul3A_518 = arith.muli %scan3A_409, %mul3A_517 : i32
      %add3A_519 = arith.addi %multiple_of3A_308, %mul3A_518 : i32
      %get3A_520 = arith.constant 3 : i32
      %get3A_521 = arith.index_cast %get3A_520 : i32 to index
      %get3A_522 = arith.index_cast %add3A_519 : i32 to index
      %get3A_523 = tpu.vector_load %arg8[%get3A_521, %get3A_522] {strides = array<i32>} : memref<8x1024xf32, #tpu.memory_space<vmem>>, vector<16xf32>,
      %mul3A_524 = arith.constant 16 : i32
      %mul3A_525 = arith.muli %scan3A_409, %mul3A_524 : i32
      %get3A_526 = arith.constant 3 : i32
      %get3A_527 = arith.index_cast %get3A_526 : i32 to index
      %get3A_528 = arith.index_cast %mul3A_525 : i32 to index
      %get3A_529 = tpu.vector_load %arg6[%get3A_527, %get3A_528] {strides = array<i32>} : memref<8x6272xf32, #tpu.memory_space<vmem>>, vector<16xf32>,
      %add3A_530 = arith.addf %get3A_523, %get3A_529 : vector<16xf32>
      %mul3A_531 = arith.constant 16 : i32
      %mul3A_532 = arith.muli %scan3A_409, %mul3A_531 : i32
      %add3A_533 = arith.constant 256 : i32
      %add3A_534 = arith.addi %add3A_533, %mul3A_532 : i32
      %get3A_535 = arith.constant 3 : i32
      %get3A_536 = arith.index_cast %get3A_535 : i32 to index
      %get3A_537 = arith.index_cast %add3A_534 : i32 to index
      %get3A_538 = tpu.vector_load %arg6[%get3A_536, %get3A_537] {strides = array<i32>} : memref<8x6272xf32, #tpu.memory_space<vmem>>, vector<16xf32>,
      %mul3A_539 = arith.constant 16 : i32
      %mul3A_540 = arith.muli %scan3A_409, %mul3A_539 : i32
      %add3A_541 = arith.constant 512 : i32
      %add3A_542 = arith.addi %add3A_541, %mul3A_540 : i32
      %get3A_543 = arith.constant 3 : i32
      %get3A_544 = arith.index_cast %get3A_543 : i32 to index
      %get3A_545 = arith.index_cast %add3A_542 : i32 to index
      %get3A_546 = tpu.vector_load %arg6[%get3A_544, %get3A_545] {strides = array<i32>} : memref<8x6272xf32, #tpu.memory_space<vmem>>, vector<16xf32>,
      %add3A_547 = arith.addf %get3A_538, %get3A_546 : vector<16xf32>
      %add3A_548 = arith.addf %add3A_530, %add3A_547 : vector<16xf32>
      %swap3A_549 = arith.constant 3 : i32
      %swap3A_550 = arith.index_cast %swap3A_549 : i32 to index
      %swap3A_551 = arith.index_cast %add3A_519 : i32 to index
      %swap3A_552 = tpu.vector_load %arg8[%swap3A_550, %swap3A_551] {strides = array<i32>} : memref<8x1024xf32, #tpu.memory_space<vmem>>, vector<16xf32>,
      tpu.vector_store %arg8[%swap3A_550, %swap3A_551], %add3A_548 {strides = array<i32>} : memref<8x1024xf32, #tpu.memory_space<vmem>>, vector<16xf32>,
      %mul3A_553 = arith.constant 16 : i32
      %mul3A_554 = arith.muli %scan3A_409, %mul3A_553 : i32
      %add3A_555 = arith.addi %multiple_of3A_308, %mul3A_554 : i32
      %get3A_556 = arith.constant 4 : i32
      %get3A_557 = arith.index_cast %get3A_556 : i32 to index
      %get3A_558 = arith.index_cast %add3A_555 : i32 to index
      %get3A_559 = tpu.vector_load %arg8[%get3A_557, %get3A_558] {strides = array<i32>} : memref<8x1024xf32, #tpu.memory_space<vmem>>, vector<16xf32>,
      %mul3A_560 = arith.constant 16 : i32
      %mul3A_561 = arith.muli %scan3A_409, %mul3A_560 : i32
      %get3A_562 = arith.constant 4 : i32
      %get3A_563 = arith.index_cast %get3A_562 : i32 to index
      %get3A_564 = arith.index_cast %mul3A_561 : i32 to index
      %get3A_565 = tpu.vector_load %arg6[%get3A_563, %get3A_564] {strides = array<i32>} : memref<8x6272xf32, #tpu.memory_space<vmem>>, vector<16xf32>,
      %add3A_566 = arith.addf %get3A_559, %get3A_565 : vector<16xf32>
      %mul3A_567 = arith.constant 16 : i32
      %mul3A_568 = arith.muli %scan3A_409, %mul3A_567 : i32
      %add3A_569 = arith.constant 256 : i32
      %add3A_570 = arith.addi %add3A_569, %mul3A_568 : i32
      %get3A_571 = arith.constant 4 : i32
      %get3A_572 = arith.index_cast %get3A_571 : i32 to index
      %get3A_573 = arith.index_cast %add3A_570 : i32 to index
      %get3A_574 = tpu.vector_load %arg6[%get3A_572, %get3A_573] {strides = array<i32>} : memref<8x6272xf32, #tpu.memory_space<vmem>>, vector<16xf32>,
      %mul3A_575 = arith.constant 16 : i32
      %mul3A_576 = arith.muli %scan3A_409, %mul3A_575 : i32
      %add3A_577 = arith.constant 512 : i32
      %add3A_578 = arith.addi %add3A_577, %mul3A_576 : i32
      %get3A_579 = arith.constant 4 : i32
      %get3A_580 = arith.index_cast %get3A_579 : i32 to index
      %get3A_581 = arith.index_cast %add3A_578 : i32 to index
      %get3A_582 = tpu.vector_load %arg6[%get3A_580, %get3A_581] {strides = array<i32>} : memref<8x6272xf32, #tpu.memory_space<vmem>>, vector<16xf32>,
      %add3A_583 = arith.addf %get3A_574, %get3A_582 : vector<16xf32>
      %add3A_584 = arith.addf %add3A_566, %add3A_583 : vector<16xf32>
      %swap3A_585 = arith.constant 4 : i32
      %swap3A_586 = arith.index_cast %swap3A_585 : i32 to index
      %swap3A_587 = arith.index_cast %add3A_555 : i32 to index
      %swap3A_588 = tpu.vector_load %arg8[%swap3A_586, %swap3A_587] {strides = array<i32>} : memref<8x1024xf32, #tpu.memory_space<vmem>>, vector<16xf32>,
      tpu.vector_store %arg8[%swap3A_586, %swap3A_587], %add3A_584 {strides = array<i32>} : memref<8x1024xf32, #tpu.memory_space<vmem>>, vector<16xf32>,
      %mul3A_589 = arith.constant 16 : i32
      %mul3A_590 = arith.muli %scan3A_409, %mul3A_589 : i32
      %add3A_591 = arith.addi %multiple_of3A_308, %mul3A_590 : i32
      %get3A_592 = arith.constant 5 : i32
      %get3A_593 = arith.index_cast %get3A_592 : i32 to index
      %get3A_594 = arith.index_cast %add3A_591 : i32 to index
      %get3A_595 = tpu.vector_load %arg8[%get3A_593, %get3A_594] {strides = array<i32>} : memref<8x1024xf32, #tpu.memory_space<vmem>>, vector<16xf32>,
      %mul3A_596 = arith.constant 16 : i32
      %mul3A_597 = arith.muli %scan3A_409, %mul3A_596 : i32
      %get3A_598 = arith.constant 5 : i32
      %get3A_599 = arith.index_cast %get3A_598 : i32 to index
      %get3A_600 = arith.index_cast %mul3A_597 : i32 to index
      %get3A_601 = tpu.vector_load %arg6[%get3A_599, %get3A_600] {strides = array<i32>} : memref<8x6272xf32, #tpu.memory_space<vmem>>, vector<16xf32>,
      %add3A_602 = arith.addf %get3A_595, %get3A_601 : vector<16xf32>
      %mul3A_603 = arith.constant 16 : i32
      %mul3A_604 = arith.muli %scan3A_409, %mul3A_603 : i32
      %add3A_605 = arith.constant 256 : i32
      %add3A_606 = arith.addi %add3A_605, %mul3A_604 : i32
      %get3A_607 = arith.constant 5 : i32
      %get3A_608 = arith.index_cast %get3A_607 : i32 to index
      %get3A_609 = arith.index_cast %add3A_606 : i32 to index
      %get3A_610 = tpu.vector_load %arg6[%get3A_608, %get3A_609] {strides = array<i32>} : memref<8x6272xf32, #tpu.memory_space<vmem>>, vector<16xf32>,
      %mul3A_611 = arith.constant 16 : i32
      %mul3A_612 = arith.muli %scan3A_409, %mul3A_611 : i32
      %add3A_613 = arith.constant 512 : i32
      %add3A_614 = arith.addi %add3A_613, %mul3A_612 : i32
      %get3A_615 = arith.constant 5 : i32
      %get3A_616 = arith.index_cast %get3A_615 : i32 to index
      %get3A_617 = arith.index_cast %add3A_614 : i32 to index
      %get3A_618 = tpu.vector_load %arg6[%get3A_616, %get3A_617] {strides = array<i32>} : memref<8x6272xf32, #tpu.memory_space<vmem>>, vector<16xf32>,
      %add3A_619 = arith.addf %get3A_610, %get3A_618 : vector<16xf32>
      %add3A_620 = arith.addf %add3A_602, %add3A_619 : vector<16xf32>
      %swap3A_621 = arith.constant 5 : i32
      %swap3A_622 = arith.index_cast %swap3A_621 : i32 to index
      %swap3A_623 = arith.index_cast %add3A_591 : i32 to index
      %swap3A_624 = tpu.vector_load %arg8[%swap3A_622, %swap3A_623] {strides = array<i32>} : memref<8x1024xf32, #tpu.memory_space<vmem>>, vector<16xf32>,
      tpu.vector_store %arg8[%swap3A_622, %swap3A_623], %add3A_620 {strides = array<i32>} : memref<8x1024xf32, #tpu.memory_space<vmem>>, vector<16xf32>,
      %mul3A_625 = arith.constant 16 : i32
      %mul3A_626 = arith.muli %scan3A_409, %mul3A_625 : i32
      %add3A_627 = arith.addi %multiple_of3A_308, %mul3A_626 : i32
      %get3A_628 = arith.constant 6 : i32
      %get3A_629 = arith.index_cast %get3A_628 : i32 to index
      %get3A_630 = arith.index_cast %add3A_627 : i32 to index
      %get3A_631 = tpu.vector_load %arg8[%get3A_629, %get3A_630] {strides = array<i32>} : memref<8x1024xf32, #tpu.memory_space<vmem>>, vector<16xf32>,
      %mul3A_632 = arith.constant 16 : i32
      %mul3A_633 = arith.muli %scan3A_409, %mul3A_632 : i32
      %get3A_634 = arith.constant 6 : i32
      %get3A_635 = arith.index_cast %get3A_634 : i32 to index
      %get3A_636 = arith.index_cast %mul3A_633 : i32 to index
      %get3A_637 = tpu.vector_load %arg6[%get3A_635, %get3A_636] {strides = array<i32>} : memref<8x6272xf32, #tpu.memory_space<vmem>>, vector<16xf32>,
      %add3A_638 = arith.addf %get3A_631, %get3A_637 : vector<16xf32>
      %mul3A_639 = arith.constant 16 : i32
      %mul3A_640 = arith.muli %scan3A_409, %mul3A_639 : i32
      %add3A_641 = arith.constant 256 : i32
      %add3A_642 = arith.addi %add3A_641, %mul3A_640 : i32
      %get3A_643 = arith.constant 6 : i32
      %get3A_644 = arith.index_cast %get3A_643 : i32 to index
      %get3A_645 = arith.index_cast %add3A_642 : i32 to index
      %get3A_646 = tpu.vector_load %arg6[%get3A_644, %get3A_645] {strides = array<i32>} : memref<8x6272xf32, #tpu.memory_space<vmem>>, vector<16xf32>,
      %mul3A_647 = arith.constant 16 : i32
      %mul3A_648 = arith.muli %scan3A_409, %mul3A_647 : i32
      %add3A_649 = arith.constant 512 : i32
      %add3A_650 = arith.addi %add3A_649, %mul3A_648 : i32
      %get3A_651 = arith.constant 6 : i32
      %get3A_652 = arith.index_cast %get3A_651 : i32 to index
      %get3A_653 = arith.index_cast %add3A_650 : i32 to index
      %get3A_654 = tpu.vector_load %arg6[%get3A_652, %get3A_653] {strides = array<i32>} : memref<8x6272xf32, #tpu.memory_space<vmem>>, vector<16xf32>,
      %add3A_655 = arith.addf %get3A_646, %get3A_654 : vector<16xf32>
      %add3A_656 = arith.addf %add3A_638, %add3A_655 : vector<16xf32>
      %swap3A_657 = arith.constant 6 : i32
      %swap3A_658 = arith.index_cast %swap3A_657 : i32 to index
      %swap3A_659 = arith.index_cast %add3A_627 : i32 to index
      %swap3A_660 = tpu.vector_load %arg8[%swap3A_658, %swap3A_659] {strides = array<i32>} : memref<8x1024xf32, #tpu.memory_space<vmem>>, vector<16xf32>,
      tpu.vector_store %arg8[%swap3A_658, %swap3A_659], %add3A_656 {strides = array<i32>} : memref<8x1024xf32, #tpu.memory_space<vmem>>, vector<16xf32>,
      %mul3A_661 = arith.constant 16 : i32
      %mul3A_662 = arith.muli %scan3A_409, %mul3A_661 : i32
      %add3A_663 = arith.addi %multiple_of3A_308, %mul3A_662 : i32
      %get3A_664 = arith.constant 7 : i32
      %get3A_665 = arith.index_cast %get3A_664 : i32 to index
      %get3A_666 = arith.index_cast %add3A_663 : i32 to index
      %get3A_667 = tpu.vector_load %arg8[%get3A_665, %get3A_666] {strides = array<i32>} : memref<8x1024xf32, #tpu.memory_space<vmem>>, vector<16xf32>,
      %mul3A_668 = arith.constant 16 : i32
      %mul3A_669 = arith.muli %scan3A_409, %mul3A_668 : i32
      %get3A_670 = arith.constant 7 : i32
      %get3A_671 = arith.index_cast %get3A_670 : i32 to index
      %get3A_672 = arith.index_cast %mul3A_669 : i32 to index
      %get3A_673 = tpu.vector_load %arg6[%get3A_671, %get3A_672] {strides = array<i32>} : memref<8x6272xf32, #tpu.memory_space<vmem>>, vector<16xf32>,
      %add3A_674 = arith.addf %get3A_667, %get3A_673 : vector<16xf32>
      %mul3A_675 = arith.constant 16 : i32
      %mul3A_676 = arith.muli %scan3A_409, %mul3A_675 : i32
      %add3A_677 = arith.constant 256 : i32
      %add3A_678 = arith.addi %add3A_677, %mul3A_676 : i32
      %get3A_679 = arith.constant 7 : i32
      %get3A_680 = arith.index_cast %get3A_679 : i32 to index
      %get3A_681 = arith.index_cast %add3A_678 : i32 to index
      %get3A_682 = tpu.vector_load %arg6[%get3A_680, %get3A_681] {strides = array<i32>} : memref<8x6272xf32, #tpu.memory_space<vmem>>, vector<16xf32>,
      %mul3A_683 = arith.constant 16 : i32
      %mul3A_684 = arith.muli %scan3A_409, %mul3A_683 : i32
      %add3A_685 = arith.constant 512 : i32
      %add3A_686 = arith.addi %add3A_685, %mul3A_684 : i32
      %get3A_687 = arith.constant 7 : i32
      %get3A_688 = arith.index_cast %get3A_687 : i32 to index
      %get3A_689 = arith.index_cast %add3A_686 : i32 to index
      %get3A_690 = tpu.vector_load %arg6[%get3A_688, %get3A_689] {strides = array<i32>} : memref<8x6272xf32, #tpu.memory_space<vmem>>, vector<16xf32>,
      %add3A_691 = arith.addf %get3A_682, %get3A_690 : vector<16xf32>
      %add3A_692 = arith.addf %add3A_674, %add3A_691 : vector<16xf32>
      %swap3A_693 = arith.constant 7 : i32
      %swap3A_694 = arith.index_cast %swap3A_693 : i32 to index
      %swap3A_695 = arith.index_cast %add3A_663 : i32 to index
      %swap3A_696 = tpu.vector_load %arg8[%swap3A_694, %swap3A_695] {strides = array<i32>} : memref<8x1024xf32, #tpu.memory_space<vmem>>, vector<16xf32>,
      tpu.vector_store %arg8[%swap3A_694, %swap3A_695], %add3A_692 {strides = array<i32>} : memref<8x1024xf32, #tpu.memory_space<vmem>>, vector<16xf32>,
    }
    %scan3A_408 = arith.constant 16 : i32
    "tpu.region"() ({
      %run_scoped3A = tpu.sem_alloc : memref<!tpu.dma_semaphore, #tpu.memory_space<semaphore_mem>>
      %dma_start3A_409 = arith.constant 0 : i32
      %dma_start3A_410 = tpu.memref_slice %arg8[%dma_start3A_409, %multiple_of3A_308] : memref<8x1024xf32, #tpu.memory_space<vmem>> -> memref<8x256xf32, #tpu.memory_space<vmem>>
      %dma_start3A_411 = tpu.memref_slice %arg4[%multiple_of3A, %multiple_of3A_308] : memref<64x1024xf32, #tpu.memory_space<hbm>> -> memref<8x256xf32, #tpu.memory_space<hbm>>
      %dma_start3A_412 = tpu.memref_slice %arg4[%multiple_of3A, %multiple_of3A_308] : memref<64x1024xf32, #tpu.memory_space<hbm>> -> memref<8x256xf32, #tpu.memory_space<hbm>>
      %dma_start3A_413 = arith.constant 0 : i32
      %dma_start3A_414 = tpu.memref_slice %arg8[%dma_start3A_413, %multiple_of3A_308] : memref<8x1024xf32, #tpu.memory_space<vmem>> -> memref<8x256xf32, #tpu.memory_space<vmem>>
      tpu.enqueue_dma source(%dma_start3A_414 : memref<8x256xf32, #tpu.memory_space<vmem>>) target(%dma_start3A_412 : memref<8x256xf32, #tpu.memory_space<hbm>>) target_semaphore(%run_scoped3A : memref<!tpu.dma_semaphore, #tpu.memory_space<semaphore_mem>>)
      %dma_wait3A_415 = arith.constant 0 : i32
      %dma_wait3A_416 = tpu.memref_slice %arg8[%dma_wait3A_415, %multiple_of3A_308] : memref<8x1024xf32, #tpu.memory_space<vmem>> -> memref<8x256xf32, #tpu.memory_space<vmem>>
      %dma_wait3A_417 = tpu.memref_slice %arg4[%multiple_of3A, %multiple_of3A_308] : memref<64x1024xf32, #tpu.memory_space<hbm>> -> memref<8x256xf32, #tpu.memory_space<hbm>>
      %dma_wait3A_418 = tpu.memref_slice %arg4[%multiple_of3A, %multiple_of3A_308] : memref<64x1024xf32, #tpu.memory_space<hbm>> -> memref<8x256xf32, #tpu.memory_space<hbm>>
      %dma_wait3A_419 = arith.constant 0 : i32
      %dma_wait3A_420 = tpu.memref_slice %arg8[%dma_wait3A_419, %multiple_of3A_308] : memref<8x1024xf32, #tpu.memory_space<vmem>> -> memref<8x256xf32, #tpu.memory_space<vmem>>
      tpu.wait_dma2 semaphore(%run_scoped3A : memref<!tpu.dma_semaphore, #tpu.memory_space<semaphore_mem>>) src(%dma_wait3A_420 : memref<8x256xf32, #tpu.memory_space<vmem>>) dst(%dma_wait3A_418 : memref<8x256xf32, #tpu.memory_space<hbm>>)
      tpu.yield
    }) : () -> ()
    return
  }
}

</mosaic_0001>

<sc_bundles>
// kernel: kernel.3.cloned.1.call-start
scs
__scs_entry_jumppad:
0x0: {  	(pc) =	sbr.rel $0x88, $3  }
0x1: {  	(tag) =	ssettag $0x0;
	lr =	simm.s32 $0x1  }
0x2: {  	[smem:$0x3F9E] =	sst lr;
	_ =	strace $0xD0000000  }
0x3: {  	_ = 	snop  }
0x4: {  	_ = 	snop  }
0x5: {  	_ = 	snop  }
0x6: {  	_ = 	snop  }
0x7: {  	_ = 	snop  }
__scs_overlays_trampoline_lowered:
0x8: {  	[smem:$0x3FAD] =	sst s0  }
0x9: {  	[smem:$0x3FAE] =	sst s1  }
0xa: {  	[smem:$0x3FAF] =	sst s2  }
0xb: {  	[smem:$0x3FB0] =	sst s3  }
0xc: {  	[smem:$0x3FB1] =	sst s4  }
0xd: {  	[smem:$0x3FB2] =	sst s5  }
0xe: {  	[smem:$0x3FB3] =	sst s6  }
0xf: {  	[smem:$0x3FB4] =	sst s7  }
0x10: {  	[smem:$0x3FB5] =	sst s8  }
0x11: {  	[smem:$0x3FB6] =	sst s9;
	s0 =	simm.s32 @!p0 $0x0  }
0x12: {  	s1 =	sld [smem:$0x3F9C];
	s0 =	simm.s32 @p0 $0x1  }
0x13: {  	[smem:$0x3FB7] =	sst s0;
	s0 =	simm.s32 @!p1 $0x0  }
0x14: {  	s2 =	sld [smem:$0x3F9B];
	s0 =	simm.s32 @p1 $0x1  }
0x15: {  	[smem:$0x3FB8] =	sst s0;
	s0 =	simm.s32 @!p2 $0x0  }
0x16: {  	s3 =	sld [smem:$0x3FDB];
	s0 =	simm.s32 @p2 $0x1  }
0x17: {  	s4 =	simm.s32 $0x1BF5;
	[smem:$0x3FBA] =	sst s0  }
0x18: {  	s0 =	sld [smem:$0x3F9D];
	_ =	swait.ge [sflag:s4], $0x0  }
0x19: {  	s7 =	sld [smem:$0x3F9E]  }
0x1a: {  	s8 =	sadd.s32 $0xFFFFE003, lr  }
0x1b: {  	s9 =	sadd.s32 $0xFFFFFEF7, lr;
	s5 =	simm.s32 $0xFFFFFFFF;
	p2 =	slt.u32 s8, $0xFFFFF086  }
0x1c: {  	p1 =	slt.u32 s9, $0xF7A;
	s5 =	simm.s32 @!p2 $0x0  }
0x1d: {  	s5 =	simm.s32 @p1 $0x1;
	p0 =	seq.s32 s7, s2  }
0x1e: {  	s7 =	smul.u32 @!p0 $0xF7A, s2;
	p2 =	seq.s32 @!p0 s5, $0x0  }
0x1f: {  	s9 =	smul.u32 $0xF7A, s1;
	s8 =	simm.s32 @!p0 $0x1BF5;
	p2 =	por !p2, p0  }
0x20: {  	[sflag:s8] =	ssyncset.s32 @!p0 $0xFFFFF086;
	s6 =	sadd.s32 @!p0 s3, s7;
	s7 =	simm.s32 @!p0 $0x108  }
0x21: {  	s3 =	sadd.s32 s3, s9;
	s6 =	sadd.s32 @!p0 $0x88, s6;
	s7 =	simm.s32 @p2 $0x1082  }
0x22: {  	[simem:s7], [sflag:s8] =	dma.local @!p0 [hbm:s6], $0xF7A  }
0x23: {  	s9 =	sor.u32 $0xD0000000, s2;
	s6 =	simm.s32 $0x108;
	_ =	swait.ge @!p0 [sflag:s8], $0x0  }
0x24: {  	s3 =	sadd.s32 $0x88, s3;
	s6 =	simm.s32 @!p1 $0x1082;
	[sflag:s4] =	ssyncset.s32 $0xFFFFF086  }
0x25: {  	[simem:s6], [sflag:s4] =	dma.local [hbm:s3], $0xF7A  }
0x26: {  	[smem:$0x3F9E] =	sst s1;
	(tag) =	ssettag s2;
	_ =	strace s9  }
0x27: {  	s1 =	sld [smem:$0x3FAE]  }
0x28: {  	s2 =	sld [smem:$0x3FAF]  }
0x29: {  	s4 =	sld [smem:$0x3FB1]  }
0x2a: {  	p0 =	seq.s32 s5, $0x0;
	s5 =	sld [smem:$0x3FB2]  }
0x2b: {  	s6 =	sld [smem:$0x3FB3]  }
0x2c: {  	s7 =	sld [smem:$0x3FB4]  }
0x2d: {  	s3 =	simm.s32 $0x108;
	s8 =	sld [smem:$0x3FB5]  }
0x2e: {  	s3 =	simm.s32 @!p0 $0x1082;
	s9 =	sld [smem:$0x3FB6]  }
0x2f: {  	lr =	sadd.s32 s0, s3;
	s0 =	sld [smem:$0x3FAD]  }
0x30: {  	s3 =	sld [smem:$0x3FB0]  }
0x31: {  	[smem:$0x3FB9] =	sst s10  }
0x32: {  	s10 =	sld [smem:$0x3FB7];
	_ =	sdelay $0x3  }
0x33: {  	p0 =	seq.s32 s10, $0x1;
	s10 =	sld [smem:$0x3FB9];
	_ =	sdelay $0x3  }
0x34: {  	[smem:$0x3FB9] =	sst s10  }
0x35: {  	s10 =	sld [smem:$0x3FB8];
	_ =	sdelay $0x3  }
0x36: {  	p1 =	seq.s32 s10, $0x1;
	s10 =	sld [smem:$0x3FB9];
	_ =	sdelay $0x3  }
0x37: {  	[smem:$0x3FB9] =	sst s10  }
0x38: {  	s10 =	sld [smem:$0x3FBA]  }
0x39: {  	_ = 	snop;
	(pc) =	sbr.ind lr, $3  }
0x3a: {  	_ = 	snop  }
0x3b: {  	_ = 	snop  }
0x3c: {  	p2 =	seq.s32 s10, $0x1;
	s10 =	sld [smem:$0x3FB9]  }
0x3d: {  	_ =	shalt  }
0x3e: {  	_ =	shalt  }
0x3f: {  	_ =	shalt  }
0x40: {  	_ =	shalt  }
0x41: {  	_ =	shalt  }
0x42: {  	_ =	shalt  }
0x43: {  	_ =	shalt  }
0x44: {  	_ =	shalt  }
0x45: {  	_ =	shalt  }
0x46: {  	_ =	shalt  }
0x47: {  	_ =	shalt  }
0x48: {  	_ =	shalt  }
0x49: {  	_ =	shalt  }
0x4a: {  	_ =	shalt  }
0x4b: {  	_ =	shalt  }
0x4c: {  	_ =	shalt  }
0x4d: {  	_ =	shalt  }
0x4e: {  	_ =	shalt  }
0x4f: {  	_ =	shalt  }
0x50: {  	_ =	shalt  }
0x51: {  	_ =	shalt  }
0x52: {  	_ =	shalt  }
0x53: {  	_ =	shalt  }
0x54: {  	_ =	shalt  }
0x55: {  	_ =	shalt  }
0x56: {  	_ =	shalt  }
0x57: {  	_ =	shalt  }
0x58: {  	_ =	shalt  }
0x59: {  	_ =	shalt  }
0x5a: {  	_ =	shalt  }
0x5b: {  	_ =	shalt  }
0x5c: {  	_ =	shalt  }
0x5d: {  	_ =	shalt  }
0x5e: {  	_ =	shalt  }
0x5f: {  	_ =	shalt  }
0x60: {  	_ =	shalt  }
0x61: {  	_ =	shalt  }
0x62: {  	_ =	shalt  }
0x63: {  	_ =	shalt  }
0x64: {  	_ =	shalt  }
0x65: {  	_ =	shalt  }
0x66: {  	_ =	shalt  }
0x67: {  	_ =	shalt  }
0x68: {  	_ =	shalt  }
0x69: {  	_ =	shalt  }
0x6a: {  	_ =	shalt  }
0x6b: {  	_ =	shalt  }
0x6c: {  	_ =	shalt  }
0x6d: {  	_ =	shalt  }
0x6e: {  	_ =	shalt  }
0x6f: {  	_ =	shalt  }
0x70: {  	_ =	shalt  }
0x71: {  	_ =	shalt  }
0x72: {  	_ =	shalt  }
0x73: {  	_ =	shalt  }
0x74: {  	_ =	shalt  }
0x75: {  	_ =	shalt  }
0x76: {  	_ =	shalt  }
0x77: {  	_ =	shalt  }
0x78: {  	_ =	shalt  }
0x79: {  	_ =	shalt  }
0x7a: {  	_ =	shalt  }
0x7b: {  	_ =	shalt  }
0x7c: {  	_ =	shalt  }
0x7d: {  	_ =	shalt  }
0x7e: {  	_ =	shalt  }
0x7f: {  	_ =	shalt  }
0x80: {  	_ =	shalt  }
0x81: {  	_ =	shalt  }
0x82: {  	_ =	shalt  }
0x83: {  	_ =	shalt  }
0x84: {  	_ =	shalt  }
0x85: {  	_ =	shalt  }
0x86: {  	_ =	shalt  }
0x87: {  	_ =	shalt  }
.Lfunc_end0:
.L_simem_size_0:
called_computation_lowered:
.L_overlay_start_0:
0x88: {  	s2 =	sld [smem:$0x3FD9]  }
0x89: {  	s3 =	sld [smem:$0x3FFE];
	_ =	sdelay $0x1  }
0x8a: {  	s1 =	srdreg.scid  }
0x8b: {  	s0 =	sand.u32 $0x1, s1  }
0x8c: {  	s15 =	sshll.u32 s0, $0xA;
	s2 =	sadd.s32 s3, s2  }
0x8d: {  	s2 =	sadd.s32 s2, s15  }
0x8e: {  	[smem:$0x3FC5] =	sst s2  }
0x8f: {  	_ = 	snop  }
0x90: {  	s2 =	sld [smem:$0x3FD0];
	_ =	sdelay $0x1  }
0x91: {  	s16 =	sld [smem:$0x3FC9]  }
0x92: {  	s5 =	simm.s32 $0xA;
	s6 =	simm.s32 $0x10;
	s4 =	sld [smem:$0x3FC7]  }
0x93: {  	[smem:s6], [sflag:s5] =	dma.local [hbm:s2], $0x1  }
0x94: {  	_ =	swait.eq [sflag:s5], $0x1  }
0x95: {  	[sflag:s5] =	ssyncset.done $0x0  }
0x96: {  	[sflag:s5] =	ssyncadd.s32 $0xFFFFFFFF  }
0x97: {  	s17 =	sld [smem:$0x10];
	(tm) =	ssettm $0x1  }
0x98: {  	s18 =	sld [smem:$0x3FFB];
	_ =	sdelay $0x3  }
0x99: {  	_ =	strace s18  }
0x9a: {  	s5 =	sld [smem:$0x3FFC];
	_ =	sdelay $0x3  }
0x9b: {  	_ =	strace s5  }
0x9c: {  	s5 =	sld [smem:$0x3FFD];
	_ =	sdelay $0x3  }
0x9d: {  	_ =	strace s5  }
0x9e: {  	_ =	strace $0x8FFFFFFF  }
0x9f: {  	s19 =	sld [smem:$0x3FDB];
	_ =	sdelay $0x1  }
0xa0: {  	s20 =	simm.s32 $_scs_section_size  }
0xa1: {  	s7 =	simm.s32 $_size__tile_overlayer_lowered;
	s8 =	simm.s32 $_tile_overlayer_lowered  }
0xa2: {  	s23 =	simm.s32 $0x1BFF;
	s22 =	sshll.u32 s8, $0x1;
	s5 =	sadd.s32 s20, s19  }
0xa3: {  	s9 =	simm.s32 $0x0;
	s21 =	sshll.u32 s7, $0x1;
	s7 =	sadd.s32 s22, s5  }
0xa4: {  	[timem:s9], [sflag:s23] =	dma.local [hbm:s7], s21  }
0xa5: {  	_ =	swait.ge [sflag:s23], s21  }
0xa6: {  	s6 =	ssub.s32 $0x0, s21;
	[sflag:s23] =	ssyncset.done $0x0  }
0xa7: {  	[sflag:s23] =	ssyncadd.s32 s6;
	_ =	sdelay $0x1  }
0xa8: {  	s24 =	simm.s32 $0x1B8B  }
0xa9: {  	_ =	swait.ge [sflag:s24], $0x1  }
0xaa: {  	[sflag:s24] =	ssyncset.done $0x0  }
0xab: {  	s25 =	simm.s32 $0x1B8E;
	[sflag:s24] =	ssyncadd.s32 $0xFFFFFFFF  }
0xac: {  	s26 =	simm.s32 $execute0_lowered;
	[smem:$0x3FD2] =	sst s25  }
0xad: {  	s6 =	sshll.u32 s26, $0x1;
	_ =	strace $0x80000046;
	[dreg:$0x1] =	wrdreg $0xFFFFFFFF  }
0xae: {  	s28 =	simm.s32 $_size_execute0_lowered;
	s5 =	sadd.s32 s5, s6;
	[dreg:$0x0] =	wrdreg $0x0  }
0xaf: {  	s6 =	sshll.u32 s28, $0x1;
	[dreg:$0x2] =	wrdreg s5  }
0xb0: {  	[dreg:$0x3] =	wrdreg s6  }
0xb1: {  	[dreg:$0x4] =	wrdreg $0xC0  }
0xb2: {  	_ =	task [dreg:s9], $0x5FFFF  }
0xb3: {  	[dreg:$0x1] =	wrdreg $0xFFFFFFFF  }
0xb4: {  	[dreg:$0x0] =	wrdreg $0x60  }
0xb5: {  	[dreg:$0x2] =	wrdreg s16  }
0xb6: {  	[dreg:$0x3] =	wrdreg s4  }
0xb7: {  	[dreg:$0x4] =	wrdreg s17  }
0xb8: {  	[dreg:$0x5] =	wrdreg $0x1D0000  }
0xb9: {  	[dreg:$0x6] =	wrdreg $0x9  }
0xba: {  	_ =	task.clear_ibuf [dreg:s9], $0x7FFFF;
	_ =	strace $0x90000046  }
0xbb: {  	s29 =	simm.s32 $0x9;
	_ =	strace $0x80000048  }
0xbc: {  	_ =	swait.ge [sflag:s29], $0x1  }
0xbd: {  	[sflag:s29] =	ssyncadd.s32 $0xFFFFFFFF  }
0xbe: {  	_ =	strace $0x90000048  }
0xbf: {  	_ =	sfence  }
0xc0: {  	s30 =	sld [smem:$0x0];
	_ =	sdelay $0x2  }
0xc1: {  	s31 =	sshll.u32 s1, $0xD;
	s1 =	sshrl.u32 s1, $0x2  }
0xc2: {  	s3 =	sand.u32 $0x4000, s31;
	s1 =	sadd.s32 s1, s30  }
0xc3: {  	s0 =	sor.u32 s3, s0;
	s1 =	sshll.u32 s1, $0x11  }
0xc4: {  	s0 =	sor.u32 s1, s0  }
0xc5: {  	s0 =	sadd.s32 $0x8F2B, s0  }
0xc6: {  	[sflag:s0] =	ssyncadd.remote.s32 $0x1  }
0xc7: {  	_ =	sfence.sel $0xFFFF  }
0xc8: {  	[dreg:$0x0] =	wrdreg $0xFFFFFFFF;
	(pc) =	sbr.abs _section_cstart, $3  }
0xc9: {  	[dreg:$0x1] =	wrdreg $0xFFFFFFFF  }
0xca: {  	_ =	task.clear_ibuf [dreg:s9], $0x2FFFF;
	_ =	strace $0x9FFFFFFF  }
0xcb: {  	(tm) =	ssettm $0x7FFFFFFF  }
tec
execute0_lowered:
.L_overlay_start_1:
0x0: {  	(tag) =	ssettag $0x1  }
0x1: {  	s0 =	rddreg [dreg:$0x0]  }
0x2: {  	s2 =	srdreg.scid;
	s14 =	rddreg [dreg:$0x2]  }
0x3: {  	s1 =	stileid.u32;
	s11 =	rddreg [dreg:$0x3];
	s3 =	simm.s32 $0x0  }
0x4: {  	s21 =	simm.s32 $0x2;
	s2 =	sand.u32 $0x1, s2;
	s4 =	sshrl.u32 s1, $0x2  }
0x5: {  	s8 =	sand.u32 $0x3, s1;
	[smem:$0x7FF] =	sst s3;
	s6 =	sadd.s32 $0x1, s1  }
0x6: {  	s13 =	sand.u32 $0xC, s1;
	s15 =	sshll.u32 s1, $0xD;
	s26 =	sadd.s32 $0xFFFFFFFF, s1  }
0x7: {  	s5 =	sshll.u32 s2, $0x2;
	s2 =	ssub.s32 $0x2, s2;
	s16 =	smul.u32 $0x6200, s8  }
0x8: {  	_ =	strace $0x80000047;
	s9 =	sand.u32 $0x3, s6;
	s8 =	sshll.u32 s8, $0xB  }
0x9: {  	s18 =	sand.u32 $0x3, s26;
	s29 =	sxor.u32 $0x4000, s15;
	s12 =	sor.u32 s4, s5  }
0xa: {  	s23 =	sshrl.u32 s2, $0x1;
	s25 =	sor.u32 s13, s9;
	s9 =	sadd.s32 s15, s11  }
0xb: {  	s28 =	sor.u32 s13, s18;
	s13 =	sadd.s32 s29, s11;
	s18 =	simm.s32 $0x1  }
0xc: {  	s4 =	smul.u32 $0x18700, s12;
	s2 =	ssub.s32 s2, s23;
	s17 =	sadd.s32 $0x1880, s16  }
0xd: {  	s24 =	smin.u32 s16, $0x12500;
	s19 =	sadd.s32 $0x3100, s16;
	s12 =	sshll.u32 s12, $0xD  }
0xe: {  	s20 =	sadd.s32 $0x4980, s24;
	s30 =	sor.u32 s8, s12;
	s15 =	smax.u32 s2, $0x1  }
0xf: {  	s24 =	simm.s32 $0x0;
	s0 =	sadd.s32 s0, s4;
	s31 =	sshrl.u32 s30, $0x3  }
0x10: {  	s4 =	sadd.s32 s16, s0;
	s5 =	sadd.s32 s17, s0;
	s6 =	sadd.s32 s19, s0  }
0x11: {  	s7 =	sadd.s32 s20, s0;
	s0 =	sshll.u32 s25, $0xD;
	s14 =	sadd.s32 s14, s31  }
0x12: {  	v0 =	vmov s16;
	v1 =	vmov s17;
	s16 =	simm.s32 $0x3;
	s17 =	simm.s32 $0x400;
	s0 =	sadd.s32 s0, s11  }
0x13: {  	v2 =	vmov s19;
	s19 =	simm.s32 $0xC800;
	s10 =	sadd.s32 s8, s0;
	s0 =	sshll.u32 s28, $0xD  }
0x14: {  	v4 =	vimm.f32 $0.0e+00;
	v3 =	vmov s20;
	s20 =	simm.s32 $0x18C00;
	[dreg:$0x5] =	wrdreg s4;
	s0 =	sadd.s32 s0, s11  }
0x15: {  	v5 =	vlaneseq.u32;
	vm0 =	vmmov $0x1;
	v6 =	vimm.s32 $0x0;
	s11 =	sadd.s32 s8, s13;
	s13 =	sadd.s32 $0x18C00, s8;
	s12 =	sadd.s32 s8, s0  }
.LBB2_1:
0x16: {  	s0 =	rddreg [dreg:$0x1]  }
0x17: {  	[tilespmem:s3], [sflag:$0x3] =	stream.linear.gather [hbm4b:s0+s3], $0x400, $0x38;
	[tilespmem:$0x1F000] =	vst v63  }
0x18: {  	_ =	swait.ge [sflag:s16], $0x400  }
0x19: {  	s30 =	sand.u32 $0x70, s3;
	s2 =	sand.u32 $0x1C00, s3;
	[sflag:s16] =	ssyncset.done $0x0  }
0x1a: {  	s0 =	sor.u32 s30, s2;
	s29 =	rddreg [dreg:$0x5];
	[sflag:s16] =	ssyncadd.s32 $0xFFFFFC00  }
0x1b: {  	[tilespmem:s17], [sflag:$0x1] =	stream.linear.gather [hbm4b:s29+s3], $0xC400, $0x38;
	[tilespmem:$0x1F000] =	vst v63  }
0x1c: {  	s2 =	sadd.s32 $0x18C00, s0;
	[tilespmem:s0+$0x18C00] =	vst v4  }
0x1d: {  	[tilespmem:s2+$0x300] =	vst v4  }
0x1e: {  	[tilespmem:s2+$0x280] =	vst v4  }
0x1f: {  	[tilespmem:s2+$0x200] =	vst v4  }
0x20: {  	s31 =	sor.u32 s3, s3;
	[tilespmem:s2+$0x100] =	vst v4  }
0x21: {  	s26 =	simm.s32 $0x10;
	s25 =	sor.u32 $0x380, s31;
	[tilespmem:s2+$0x80] =	vst v4;
	s0 =	simm.s32 $0x80  }
.LBB2_2:
0x22: {  	s28 =	sand.u32 $0x70, s26  }
0x23: {  	s29 =	sand.u32 $0x1C00, s0;
	[tilespmem:s2+$0x180] =	vst v4;
	s30 =	smov.u32 s26;
	s31 =	sadd.s32 $0x10, s26  }
0x24: {  	p0 =	sne.s32 s26, $0x3F0;
	s28 =	sor.u32 s28, s29;
	[tilespmem:s25+$0x18C00] =	vst v4  }
0x25: {  	s2 =	sadd.s32 $0x18C00, s28;
	[tilespmem:s28+$0x18C00] =	vst v4  }
.Ltmp0:
0x26: {  	[tilespmem:s2+$0x300] =	vst v4;
	(pc) =	sbr.rel @p0 .LBB2_2-.Ltmp0, $4  }
0x27: {  	[tilespmem:s2+$0x280] =	vst v4  }
0x28: {  	[tilespmem:s2+$0x200] =	vst v4  }
0x29: {  	s25 =	sor.u32 s0, s30;
	[tilespmem:s2+$0x100] =	vst v4  }
0x2a: {  	s0 =	sadd.s32 $0x80, s0;
	s26 =	smov.u32 s31;
	s25 =	sor.u32 $0x380, s25;
	[tilespmem:s2+$0x80] =	vst v4  }
0x2b: {  	[tilespmem:s2+$0x180] =	vst v4  }
0x2c: {  	[tilespmem:s25+$0x18C00] =	vst v4;
	s25 =	simm.s32 $0x0  }
0x2d: {  	v7 =	vld [tilespmem:s25+$0x0];
	_ =	sdelay $0x4  }
0x2e: {  	v8 =	vsub.s32 v7, v0  }
0x2f: {  	vm1 =	vlt.u32 v8, $0x1880  }
0x30: {  	v9 =	vmpcnt.ones.xlane vm1;
	_ =	sdelay $0x1  }
0x31: {  	v9 =	vnsel vm0, $0x0, v9  }
0x32: {  	(xrf0) =	vadd.scan.msk.s32 $0xffff, v9;
	_ =	sdelay $0x1  }
0x33: {  	s0 =	simm.s32 $0x0  }
0x34: {  	s0 =	sand.u32 $0xFFFFFE00, s0;
	s23 =	sand.u32 $0x7F, s25  }
0x35: {  	v11 =	vor.u32 s25, v5;
	s26 =	sor.u32 s23, s0;
	v10 =	vsub.s32 v7, v2  }
0x36: {  	vm3 =	vlt.u32 v10, $0x1880;
	[tilespmem:s26+$0x1AC00] =	vst.msk vm1, v8;
	v9 =	vsub.s32 v7, v1;
	v7 =	vsub.s32 v7, v3  }
0x37: {  	s0 =	sor.u32 s0, s23;
	v12 =	vmpcnt.ones.xlane vm3;
	[tilespmem:s26+$0x1BE00] =	vst.msk vm1, v11;
	vm2 =	vlt.u32 v9, $0x1880;
	vm4 =	vlt.u32 v7, $0x1880;
	v8, _, _ =	vpop (xrf0)  }
0x38: {  	[tilespmem:s0+$0x1AC80] =	vst.msk vm2, v9;
	(v2sf) =	vpush v8, $0xF;
	v8 =	vmpcnt.ones.xlane vm4  }
0x39: {  	v9 =	vnsel vm0, $0x0, v12;
	[tilespmem:s0+$0x1BE80] =	vst.msk vm2, v11  }
0x3a: {  	[tilespmem:s0+$0x1AD00] =	vst.msk vm3, v10;
	(xrf0) =	vadd.scan.msk.s32 $0xffff, v9;
	v8 =	vnsel vm0, $0x0, v8  }
0x3b: {  	[tilespmem:s0+$0x1BF00] =	vst.msk vm3, v11;
	(xrf0) =	vadd.scan.msk.s32 $0xffff, v8;
	v8 =	vmpcnt.ones.xlane vm2  }
0x3c: {  	[tilespmem:s0+$0x1AD80] =	vst.msk vm4, v7  }
0x3d: {  	s26 =	simm.s32 $0x10;
	[tilespmem:s0+$0x1BF80] =	vst.msk vm4, v11;
	v7 =	vnsel vm0, $0x0, v8  }
0x3e: {  	v11 =	vld [tilespmem:s26+$0x0];
	(xrf0) =	vadd.scan.msk.s32 $0xffff, v7;
	_ =	sdelay $0x3  }
0x3f: {  	v7, _, _ =	vpop (xrf0)  }
0x40: {  	v10 =	vsub.s32 v11, v0;
	v9 =	vsub.s32 v11, v1;
	(v2sf) =	vpush v7, $0xF;
	v7, _, _ =	vpop (xrf0)  }
0x41: {  	v8 =	vsub.s32 v11, v2;
	(v2sf) =	vpush v7, $0xF;
	v7 =	vsub.s32 v11, v3;
	v11, _, _ =	vpop (xrf0)  }
0x42: {  	(v2sf) =	vpush v11, $0xF;
	_ =	sdelay $0x7  }
0x43: {  	vm4 =	vlt.u32 v10, $0x1880;
	vm3 =	vlt.u32 v9, $0x1880  }
0x44: {  	vm2 =	vlt.u32 v8, $0x1880;
	v13 =	vmpcnt.ones.xlane vm4;
	v15 =	vmpcnt.ones.xlane vm3  }
0x45: {  	s31 =	simm.s32 $0x20;
	s28 =	simm.s32 $0x0;
	s29 =	simm.s32 $0x0;
	v12 =	vmpcnt.ones.xlane vm2;
	vm1 =	vlt.u32 v7, $0x1880  }
0x46: {  	s30 =	simm.s32 $0x0;
	s2 =	simm.s32 $0x10;
	v14 =	vnsel vm0, $0x0, v13;
	v13 =	vmpcnt.ones.xlane vm1;
	v11 =	vnsel vm0, $0x0, v15;
	s0 =	spop (v2sf)  }
.LBB2_4:
0x47: {  	p0 =	sne.s32 s31, $0x3F0  }
0x48: {  	v12 =	vnsel vm0, $0x0, v12;
	(xrf0) =	vadd.scan.msk.s32 $0xffff, v14;
	s25 =	sadd.s32 s25, s0;
	s0 =	spop (v2sf);
	s1 =	smov.u32 s31  }
0x49: {  	s22 =	sshll.u32 s25, $0x2;
	v13 =	vnsel vm0, $0x0, v13;
	(xrf0) =	vadd.scan.msk.s32 $0xffff, v12;
	s28 =	sadd.s32 s28, s0;
	s0 =	spop (v2sf)  }
0x4a: {  	s23 =	sand.u32 $0x7F, s25;
	s22 =	sand.u32 $0xFFFFFE00, s22;
	(xrf0) =	vadd.scan.msk.s32 $0xffff, v13;
	s4 =	spop (v2sf)  }
0x4b: {  	s30 =	sadd.s32 s30, s0;
	s22 =	sor.u32 s23, s22;
	(xrf0) =	vadd.scan.msk.s32 $0xffff, v11;
	s29 =	sadd.s32 s29, s4  }
0x4c: {  	s4 =	sshll.u32 s28, $0x2;
	s23 =	sshll.u32 s30, $0x2;
	s0 =	sshll.u32 s29, $0x2  }
0x4d: {  	v11 =	vor.u32 s26, v5;
	s26 =	sand.u32 $0x7F, s29;
	s4 =	sand.u32 $0xFFFFFE00, s4;
	[tilespmem:s22+$0x1AC00] =	vst.msk vm4, v10;
	s0 =	sand.u32 $0xFFFFFE00, s0  }
0x4e: {  	s31 =	sadd.s32 $0x10, s31;
	[tilespmem:s22+$0x1BE00] =	vst.msk vm4, v11;
	s0 =	sor.u32 s0, s26;
	s22 =	sand.u32 $0xFFFFFE00, s23;
	v10, _, _ =	vpop (xrf0)  }
0x4f: {  	s23 =	sand.u32 $0x7F, s28;
	s26 =	smov.u32 s1;
	[tilespmem:s0+$0x1AC80] =	vst.msk vm3, v9;
	(v2sf) =	vpush v10, $0xF;
	v9, _, _ =	vpop (xrf0)  }
0x50: {  	[tilespmem:s0+$0x1BE80] =	vst.msk vm3, v11;
	s0 =	sor.u32 s4, s23;
	(v2sf) =	vpush v9, $0xF;
	v9, _, _ =	vpop (xrf0)  }
0x51: {  	s1 =	sand.u32 $0x7F, s30;
	[tilespmem:s0+$0x1AD00] =	vst.msk vm2, v8;
	v8, _, _ =	vpop (xrf0);
	(v2sf) =	vpush v9, $0xF  }
0x52: {  	[tilespmem:s0+$0x1BF00] =	vst.msk vm2, v11;
	s0 =	sor.u32 s22, s1;
	(v2sf) =	vpush v8, $0xF  }
0x53: {  	[tilespmem:s0+$0x1AD80] =	vst.msk vm1, v7  }
0x54: {  	s2 =	sadd.s32 $0x10, s2;
	[tilespmem:s0+$0x1BF80] =	vst.msk vm1, v11  }
0x55: {  	v7 =	vld [tilespmem:s2+$0x0];
	_ =	sdelay $0x4  }
.Ltmp1:
0x56: {  	v10 =	vsub.s32 v7, v0;
	v9 =	vsub.s32 v7, v1;
	v8 =	vsub.s32 v7, v2;
	(pc) =	sbr.rel @p0 .LBB2_4-.Ltmp1, $4  }
0x57: {  	v7 =	vsub.s32 v7, v3;
	vm4 =	vlt.u32 v10, $0x1880;
	vm3 =	vlt.u32 v9, $0x1880  }
0x58: {  	vm2 =	vlt.u32 v8, $0x1880;
	v11 =	vmpcnt.ones.xlane vm4;
	v13 =	vmpcnt.ones.xlane vm3  }
0x59: {  	vm1 =	vlt.u32 v7, $0x1880;
	v12 =	vmpcnt.ones.xlane vm2  }
0x5a: {  	v14 =	vnsel vm0, $0x0, v11;
	v11 =	vnsel vm0, $0x0, v13;
	v13 =	vmpcnt.ones.xlane vm1;
	s0 =	spop (v2sf)  }
0x5b: {  	v12 =	vnsel vm0, $0x0, v12;
	(xrf0) =	vadd.scan.msk.s32 $0xffff, v14  }
0x5c: {  	v13 =	vnsel vm0, $0x0, v13;
	(xrf0) =	vadd.scan.msk.s32 $0xffff, v12  }
0x5d: {  	(xrf0) =	vadd.scan.msk.s32 $0xffff, v13  }
0x5e: {  	(xrf0) =	vadd.scan.msk.s32 $0xffff, v11;
	_ =	sdelay $0x2  }
0x5f: {  	v59, _, _ =	vpop (xrf0)  }
0x60: {  	(v2sf) =	vpush v59, $0xF;
	v60, _, _ =	vpop (xrf0)  }
0x61: {  	(v2sf) =	vpush v60, $0xF;
	v61, _, _ =	vpop (xrf0)  }
0x62: {  	v62, _, _ =	vpop (xrf0);
	(v2sf) =	vpush v61, $0xF  }
0x63: {  	(v2sf) =	vpush v62, $0xF;
	_ =	sdelay $0x4  }
0x64: {  	s1 =	spop (v2sf)  }
0x65: {  	s0 =	sadd.s32 s25, s0;
	s2 =	spop (v2sf)  }
0x66: {  	s4 =	sshll.u32 s0, $0x2;
	s23 =	sand.u32 $0x7F, s0;
	s22 =	spop (v2sf)  }
0x67: {  	s1 =	sadd.s32 s28, s1;
	s4 =	sand.u32 $0xFFFFFE00, s4;
	s22 =	sadd.s32 s29, s22  }
0x68: {  	s4 =	sor.u32 s23, s4;
	s23 =	sadd.s32 s30, s2;
	s30 =	sshll.u32 s22, $0x2  }
0x69: {  	v63 =	vor.u32 s26, v5;
	s31 =	sshll.u32 s1, $0x2;
	s29 =	sand.u32 $0x7F, s22;
	[tilespmem:s4+$0x1AC00] =	vst.msk vm4, v10;
	s2 =	sand.u32 $0xFFFFFE00, s30  }
0x6a: {  	s25 =	sand.u32 $0xFFFFFE00, s31;
	s28 =	sshll.u32 s23, $0x2;
	[tilespmem:s4+$0x1BE00] =	vst.msk vm4, v63;
	s2 =	sor.u32 s2, s29  }
0x6b: {  	s4 =	sand.u32 $0xFFFFFE00, s28;
	s28 =	sand.u32 $0x7F, s1;
	[tilespmem:s2+$0x1AC80] =	vst.msk vm3, v9;
	s26 =	spop (v2sf)  }
0x6c: {  	s30 =	sor.u32 s25, s28;
	[tilespmem:s2+$0x1BE80] =	vst.msk vm3, v63;
	s29 =	spop (v2sf)  }
0x6d: {  	s25 =	sand.u32 $0x7F, s23;
	[tilespmem:s30+$0x1AD00] =	vst.msk vm2, v8;
	s2 =	sadd.s32 s0, s26;
	s31 =	spop (v2sf)  }
0x6e: {  	s4 =	sor.u32 s4, s25;
	[tilespmem:s30+$0x1BF00] =	vst.msk vm2, v63;
	s30 =	sshll.u32 s2, $0x2;
	s25 =	spop (v2sf)  }
0x6f: {  	s26 =	sadd.s32 s1, s29;
	s1 =	sand.u32 $0xFFFFFE00, s30;
	s28 =	sadd.s32 s22, s25  }
0x70: {  	[tilespmem:s4+$0x1AD80] =	vst.msk vm1, v7;
	s25 =	sadd.s32 s23, s31;
	s23 =	sand.u32 $0x7F, s2;
	s22 =	sshll.u32 s28, $0x2  }
0x71: {  	[tilespmem:s4+$0x1BF80] =	vst.msk vm1, v63;
	s31 =	sand.u32 $0x7F, s28;
	s0 =	sor.u32 s23, s1;
	s22 =	sand.u32 $0xFFFFFE00, s22  }
0x72: {  	s23 =	sshll.u32 s25, $0x2;
	[tilespmem:s0+$0x1AC00] =	vst v6;
	s30 =	sor.u32 s31, s22;
	s31 =	sshll.u32 s26, $0x2  }
0x73: {  	s22 =	sand.u32 $0x7F, s26;
	s4 =	sand.u32 $0xFFFFFE00, s31;
	[tilespmem:s30+$0x1AC80] =	vst v6;
	s30 =	sand.u32 $0x7F, s25  }
0x74: {  	s31 =	sand.u32 $0xFFFFFE00, s23;
	s0 =	sor.u32 s22, s4;
	s22 =	sadd.s32 $0xF, s2  }
0x75: {  	s4 =	sor.u32 s30, s31;
	s23 =	sand.u32 $0xF, s22  }
0x76: {  	s30 =	sshra.s32 s22, $0x1F;
	p0 =	slt.s32 s22, $0x1;
	p1 =	sne.s32 s23, $0x0  }
0x77: {  	s31 =	sshrl.u32 s30, $0x1C;
	p0 =	por !p0, !p1  }
0x78: {  	s1 =	simm.s32 $0x1;
	[tilespmem:s0+$0x1AD00] =	vst v6;
	s0 =	sadd.s32 s31, s22;
	p0 =	por !p0, !p0  }
0x79: {  	s0 =	sshra.s32 s0, $0x4;
	s1 =	simm.s32 @!p0 $0x0  }
0x7a: {  	s0 =	ssub.s32 s0, s1  }
0x7b: {  	p0 =	slt.s32 s0, $0x1  }
.Ltmp2:
0x7c: {  	[tilespmem:s4+$0x1AD80] =	vst v6;
	(pc) =	sbr.rel @p0 .LBB2_11-.Ltmp2, $4  }
0x7d: {  	_ =	swait.ge [sflag:s18], $0xC400  }
0x7e: {  	[sflag:s18] =	ssyncset.done $0x0  }
0x7f: {  	s29 =	simm.s32 $0x0;
	[sflag:s18] =	ssyncadd.s32 $0xFFFF3C00  }
0x80: {  	[tilespmem:s19], [sflag:$0x2] =	stream.linear.gather [hbm4b:s5+s29], $0xC400, $0x38;
	[tilespmem:$0x1F000] =	vst v63  }
0x81: {  	p1 =	sne.s32 s0, $0x1  }
.Ltmp3:
0x82: {  	_ = 	snop;
	(pc) =	sbr.rel @!p1 .LBB2_7-.Ltmp3, $3  }
0x83: {  	_ =	sdelay $0x1  }
0x84: {  	s30 =	sadd.s32 $0xFFFFFFFF, s0  }
0x85: {  	v7 =	vmov s2;
	s0 =	sand.u32 $0x70, s29;
	s2 =	sand.u32 $0xFFFFFE00, s29;
	p0 =	por $0x0, $0x0  }
0x86: {  	s0 =	sor.u32 s0, s2  }
0x87: {  	v8 =	vld [tilespmem:s0+$0x1AC00];
	_ =	sdelay $0x4  }
0x88: {  	v10 =	vld [tilespmem:s0+$0x1BE00];
	v9 =	vshll.u32 v8, $0x3  }
0x89: {  	v8 =	vand.u32 $0x7F, v8;
	v9 =	vand.u32 $0xFFFFFC00, v9  }
0x8a: {  	v8 =	vor.u32 v8, v9;
	_ =	sdelay $0x2  }
0x8b: {  	v11 =	vshll.u32 v10, $0x3;
	v9 =	vor.u32 s29, v5  }
0x8c: {  	v10 =	vand.u32 $0x7F, v10;
	vm1 =	vlt.s32 v9, v7;
	v9 =	vand.u32 $0xFFFFFC00, v11  }
0x8d: {  	v9 =	vor.u32 v10, v9;
	v11 =	vld.idx.msk [tilespmem:v8+s17+$0x0], $0xffff  }
0x8e: {  	v10 =	vor.u32 $0x80, v8;
	_ =	sdelay $0x3  }
0x8f: {  	[tilespmem:v9+s20+$0x0] =	vst.idx.msk vm1, v11  }
0x90: {  	v11 =	vor.u32 $0x80, v9;
	v10 =	vld.idx.msk [tilespmem:v10+s17+$0x0], $0xffff  }
0x91: {  	v12 =	vor.u32 $0x100, v8;
	_ =	sdelay $0x3  }
0x92: {  	[tilespmem:v11+s20+$0x0] =	vst.idx.msk vm1, v10  }
0x93: {  	v11 =	vor.u32 $0x100, v9;
	v10 =	vld.idx.msk [tilespmem:v12+s17+$0x0], $0xffff  }
0x94: {  	v60 =	vor.u32 $0x180, v8;
	_ =	sdelay $0x3  }
0x95: {  	[tilespmem:v11+s20+$0x0] =	vst.idx.msk vm1, v10  }
0x96: {  	v11 =	vor.u32 $0x180, v9;
	v10 =	vld.idx.msk [tilespmem:v60+s17+$0x0], $0xffff  }
0x97: {  	v61 =	vor.u32 $0x200, v8;
	_ =	sdelay $0x3  }
0x98: {  	[tilespmem:v11+s20+$0x0] =	vst.idx.msk vm1, v10  }
0x99: {  	v10 =	vor.u32 $0x200, v9;
	v11 =	vld.idx.msk [tilespmem:v61+s17+$0x0], $0xffff  }
0x9a: {  	v62 =	vor.u32 $0x280, v8;
	_ =	sdelay $0x3  }
0x9b: {  	[tilespmem:v10+s20+$0x0] =	vst.idx.msk vm1, v11  }
0x9c: {  	v10 =	vor.u32 $0x280, v9;
	v11 =	vld.idx.msk [tilespmem:v62+s17+$0x0], $0xffff  }
0x9d: {  	v63 =	vor.u32 $0x300, v8;
	_ =	sdelay $0x3  }
0x9e: {  	[tilespmem:v10+s20+$0x0] =	vst.idx.msk vm1, v11  }
0x9f: {  	v10 =	vor.u32 $0x300, v9;
	v11 =	vld.idx.msk [tilespmem:v63+s17+$0x0], $0xffff  }
0xa0: {  	v8 =	vor.u32 $0x380, v8;
	_ =	sdelay $0x3  }
0xa1: {  	p1 =	sne.s32 s30, $0x1;
	[tilespmem:v10+s20+$0x0] =	vst.idx.msk vm1, v11  }
.Ltmp4:
0xa2: {  	v9 =	vor.u32 $0x380, v9;
	v8 =	vld.idx.msk [tilespmem:v8+s17+$0x0], $0xffff;
	(pc) =	sbr.rel @!p1 .LBB2_10-.Ltmp4, $3  }
0xa3: {  	_ =	sdelay $0x1  }
0xa4: {  	s30 =	sadd.s32 $0xFFFFFFFF, s30;
	s31 =	simm.s32 $0x40;
	s29 =	simm.s32 $0x10  }
0xa5: {  	p0 =	por $0x1, $0x1;
	s2 =	sand.u32 $0xFFFFFE00, s31;
	s0 =	sand.u32 $0x70, s29  }
.LBB2_9:
0xa6: {  	p1 =	sne.s32 s30, $0x1;
	s30 =	sadd.s32 $0xFFFFFFFF, s30;
	s0 =	sor.u32 s0, s2;
	[tilespmem:v9+s20+$0x0] =	vst.idx.msk vm1, v8  }
0xa7: {  	v8 =	vld [tilespmem:s0+$0x1AC00];
	_ =	sdelay $0x4  }
0xa8: {  	v9 =	vand.u32 $0x7F, v8;
	v8 =	vshll.u32 v8, $0x3  }
0xa9: {  	v10 =	vld [tilespmem:s0+$0x1BE00];
	v8 =	vand.u32 $0xFFFFFC00, v8  }
0xaa: {  	v8 =	vor.u32 v9, v8  }
0xab: {  	v9 =	vor.u32 $0x80, v8;
	v11 =	vor.u32 $0x100, v8;
	v12 =	vor.u32 $0x280, v8  }
0xac: {  	v13 =	vor.u32 $0x380, v8;
	_ =	sdelay $0x1  }
0xad: {  	v14 =	vor.u32 s29, v5;
	v15 =	vand.u32 $0x7F, v10;
	v10 =	vshll.u32 v10, $0x3  }
0xae: {  	vm1 =	vlt.s32 v14, v7;
	v14 =	vld.idx.msk [tilespmem:v8+s17+$0x0], $0xffff;
	v10 =	vand.u32 $0xFFFFFC00, v10  }
0xaf: {  	v10 =	vor.u32 v15, v10  }
0xb0: {  	v15 =	vor.u32 $0x80, v10;
	v16 =	vor.u32 $0x200, v10;
	v17 =	vor.u32 $0x280, v10  }
0xb1: {  	v18 =	vor.u32 $0x300, v10;
	_ =	sdelay $0x2  }
0xb2: {  	[tilespmem:v10+s20+$0x0] =	vst.idx.msk vm1, v14  }
0xb3: {  	v9 =	vld.idx.msk [tilespmem:v9+s17+$0x0], $0xffff;
	_ =	sdelay $0x5  }
0xb4: {  	[tilespmem:v15+s20+$0x0] =	vst.idx.msk vm1, v9  }
0xb5: {  	v9 =	vld.idx.msk [tilespmem:v11+s17+$0x0], $0xffff  }
0xb6: {  	v11 =	vor.u32 $0x100, v10  }
0xb7: {  	v14 =	vor.u32 $0x180, v8;
	_ =	sdelay $0x3  }
0xb8: {  	[tilespmem:v11+s20+$0x0] =	vst.idx.msk vm1, v9  }
0xb9: {  	v9 =	vld.idx.msk [tilespmem:v14+s17+$0x0], $0xffff  }
0xba: {  	v11 =	vor.u32 $0x180, v10  }
0xbb: {  	v14 =	vor.u32 $0x200, v8;
	_ =	sdelay $0x3  }
0xbc: {  	[tilespmem:v11+s20+$0x0] =	vst.idx.msk vm1, v9  }
0xbd: {  	v9 =	vld.idx.msk [tilespmem:v14+s17+$0x0], $0xffff;
	_ =	sdelay $0x5  }
0xbe: {  	[tilespmem:v16+s20+$0x0] =	vst.idx.msk vm1, v9  }
0xbf: {  	v9 =	vld.idx.msk [tilespmem:v12+s17+$0x0], $0xffff;
	_ =	sdelay $0x1  }
0xc0: {  	v8 =	vor.u32 $0x300, v8;
	_ =	sdelay $0x3  }
0xc1: {  	[tilespmem:v17+s20+$0x0] =	vst.idx.msk vm1, v9  }
0xc2: {  	v8 =	vld.idx.msk [tilespmem:v8+s17+$0x0], $0xffff;
	_ =	sdelay $0x5  }
0xc3: {  	[tilespmem:v18+s20+$0x0] =	vst.idx.msk vm1, v8  }
0xc4: {  	v8 =	vld.idx.msk [tilespmem:v13+s17+$0x0], $0xffff  }
.Ltmp5:
0xc5: {  	v9 =	vor.u32 $0x380, v10;
	(pc) =	sbr.rel @p1 .LBB2_9-.Ltmp5, $3  }
0xc6: {  	_ =	sdelay $0x1  }
0xc7: {  	s31 =	sadd.s32 $0x40, s31;
	s29 =	sadd.s32 $0x10, s29  }
0xc8: {  	s2 =	sand.u32 $0xFFFFFE00, s31;
	s0 =	sand.u32 $0x70, s29  }
.LBB2_10:
0xc9: {  	_ =	sdelay $0x4  }
0xca: {  	s0 =	sor.u32 s0, s2;
	[tilespmem:v9+s20+$0x0] =	vst.idx.msk @p0 vm1, v8  }
0xcb: {  	v8 =	vld [tilespmem:s0+$0x1AC00];
	_ =	sdelay $0x4  }
0xcc: {  	v10 =	vld [tilespmem:s0+$0x1BE00];
	v49 =	vshll.u32 v8, $0x3  }
0xcd: {  	v8 =	vand.u32 $0x7F, v8;
	v9 =	vand.u32 $0xFFFFFC00, v49  }
0xce: {  	v8 =	vor.u32 v8, v9;
	_ =	sdelay $0x2  }
0xcf: {  	v50 =	vor.u32 s29, v5;
	v11 =	vshll.u32 v10, $0x3  }
0xd0: {  	vm1 =	vlt.s32 v50, v7;
	v10 =	vand.u32 $0x7F, v10;
	v7 =	vand.u32 $0xFFFFFC00, v11  }
0xd1: {  	v7 =	vor.u32 v10, v7;
	v51 =	vld.idx.msk [tilespmem:v8+s17+$0x0], $0xffff  }
0xd2: {  	v52 =	vor.u32 $0x80, v8;
	_ =	sdelay $0x3  }
0xd3: {  	[tilespmem:v7+s20+$0x0] =	vst.idx.msk vm1, v51  }
0xd4: {  	v53 =	vor.u32 $0x80, v7;
	v10 =	vld.idx.msk [tilespmem:v52+s17+$0x0], $0xffff  }
0xd5: {  	v54 =	vor.u32 $0x100, v8;
	_ =	sdelay $0x3  }
0xd6: {  	[tilespmem:v53+s20+$0x0] =	vst.idx.msk vm1, v10  }
0xd7: {  	v55 =	vor.u32 $0x100, v7;
	v9 =	vld.idx.msk [tilespmem:v54+s17+$0x0], $0xffff  }
0xd8: {  	v56 =	vor.u32 $0x180, v8;
	_ =	sdelay $0x3  }
0xd9: {  	[tilespmem:v55+s20+$0x0] =	vst.idx.msk vm1, v9  }
0xda: {  	v57 =	vor.u32 $0x180, v7;
	v9 =	vld.idx.msk [tilespmem:v56+s17+$0x0], $0xffff  }
0xdb: {  	v58 =	vor.u32 $0x200, v8;
	_ =	sdelay $0x3  }
0xdc: {  	[tilespmem:v57+s20+$0x0] =	vst.idx.msk vm1, v9  }
0xdd: {  	v59 =	vor.u32 $0x200, v7;
	v10 =	vld.idx.msk [tilespmem:v58+s17+$0x0], $0xffff  }
0xde: {  	v60 =	vor.u32 $0x280, v8;
	_ =	sdelay $0x3  }
0xdf: {  	[tilespmem:v59+s20+$0x0] =	vst.idx.msk vm1, v10  }
0xe0: {  	v61 =	vor.u32 $0x280, v7;
	v10 =	vld.idx.msk [tilespmem:v60+s17+$0x0], $0xffff  }
0xe1: {  	v62 =	vor.u32 $0x300, v8;
	_ =	sdelay $0x3  }
0xe2: {  	[tilespmem:v61+s20+$0x0] =	vst.idx.msk vm1, v10  }
0xe3: {  	v63 =	vor.u32 $0x300, v7;
	v10 =	vld.idx.msk [tilespmem:v62+s17+$0x0], $0xffff  }
0xe4: {  	v8 =	vor.u32 $0x380, v8;
	_ =	sdelay $0x3  }
0xe5: {  	[tilespmem:v63+s20+$0x0] =	vst.idx.msk vm1, v10  }
0xe6: {  	v7 =	vor.u32 $0x380, v7;
	v8 =	vld.idx.msk [tilespmem:v8+s17+$0x0], $0xffff;
	_ =	sdelay $0x4  }
0xe7: {  	[tilespmem:v7+s20+$0x0] =	vst.idx.msk vm1, v8  }
.LBB2_11:
0xe8: {  	s0 =	sadd.s32 $0xF, s28  }
0xe9: {  	s1 =	sand.u32 $0xF, s0  }
0xea: {  	s31 =	sshra.s32 s0, $0x1F;
	p1 =	slt.s32 s0, $0x1;
	p0 =	sne.s32 s1, $0x0  }
0xeb: {  	s1 =	sshrl.u32 s31, $0x1C;
	p0 =	por !p1, !p0  }
0xec: {  	s0 =	sadd.s32 s1, s0;
	s1 =	simm.s32 $0x1;
	p0 =	por !p0, !p0  }
0xed: {  	s0 =	sshra.s32 s0, $0x4;
	s1 =	simm.s32 @!p0 $0x0  }
0xee: {  	s0 =	ssub.s32 s0, s1  }
0xef: {  	p0 =	slt.s32 s0, $0x1  }
.Ltmp6:
0xf0: {  	_ = 	snop;
	(pc) =	sbr.rel @p0 .LBB2_17-.Ltmp6, $4  }
0xf1: {  	_ =	swait.ge [sflag:s21], $0xC400  }
0xf2: {  	[sflag:s21] =	ssyncset.done $0x0  }
0xf3: {  	s29 =	simm.s32 $0x0;
	[sflag:s21] =	ssyncadd.s32 $0xFFFF3C00  }
0xf4: {  	[tilespmem:s17], [sflag:$0x1] =	stream.linear.gather [hbm4b:s6+s29], $0xC400, $0x38;
	[tilespmem:$0x1F000] =	vst v63  }
0xf5: {  	p1 =	sne.s32 s0, $0x1  }
.Ltmp7:
0xf6: {  	_ = 	snop;
	(pc) =	sbr.rel @!p1 .LBB2_13-.Ltmp7, $3  }
0xf7: {  	_ =	sdelay $0x1  }
0xf8: {  	s2 =	sadd.s32 $0xFFFFFFFF, s0  }
0xf9: {  	v7 =	vmov s28;
	s0 =	sand.u32 $0x70, s29;
	s31 =	sand.u32 $0xFFFFFE00, s29;
	p0 =	por $0x0, $0x0  }
0xfa: {  	s0 =	sor.u32 s31, s0  }
0xfb: {  	v8 =	vld [tilespmem:s0+$0x1AC80];
	_ =	sdelay $0x4  }
0xfc: {  	v10 =	vld [tilespmem:s0+$0x1BE80];
	v9 =	vshll.u32 v8, $0x3  }
0xfd: {  	v8 =	vand.u32 $0x7F, v8;
	v9 =	vand.u32 $0xFFFFFC00, v9  }
0xfe: {  	v8 =	vor.u32 v8, v9;
	_ =	sdelay $0x2  }
0xff: {  	v11 =	vshll.u32 v10, $0x3;
	v9 =	vor.u32 s29, v5  }
0x100: {  	v10 =	vand.u32 $0x7F, v10;
	vm1 =	vlt.s32 v9, v7;
	v9 =	vand.u32 $0xFFFFFC00, v11  }
0x101: {  	v9 =	vor.u32 v10, v9;
	v11 =	vld.idx.msk [tilespmem:v8+s19+$0x0], $0xffff  }
0x102: {  	v10 =	vor.u32 $0x80, v8;
	_ =	sdelay $0x3  }
0x103: {  	[tilespmem:v9+s20+$0x0] =	vst.idx.msk vm1, v11  }
0x104: {  	v11 =	vor.u32 $0x80, v9;
	v10 =	vld.idx.msk [tilespmem:v10+s19+$0x0], $0xffff  }
0x105: {  	v12 =	vor.u32 $0x100, v8;
	_ =	sdelay $0x3  }
0x106: {  	[tilespmem:v11+s20+$0x0] =	vst.idx.msk vm1, v10  }
0x107: {  	v11 =	vor.u32 $0x100, v9;
	v10 =	vld.idx.msk [tilespmem:v12+s19+$0x0], $0xffff  }
0x108: {  	v60 =	vor.u32 $0x180, v8;
	_ =	sdelay $0x3  }
0x109: {  	[tilespmem:v11+s20+$0x0] =	vst.idx.msk vm1, v10  }
0x10a: {  	v11 =	vor.u32 $0x180, v9;
	v10 =	vld.idx.msk [tilespmem:v60+s19+$0x0], $0xffff  }
0x10b: {  	v61 =	vor.u32 $0x200, v8;
	_ =	sdelay $0x3  }
0x10c: {  	[tilespmem:v11+s20+$0x0] =	vst.idx.msk vm1, v10  }
0x10d: {  	v10 =	vor.u32 $0x200, v9;
	v11 =	vld.idx.msk [tilespmem:v61+s19+$0x0], $0xffff  }
0x10e: {  	v62 =	vor.u32 $0x280, v8;
	_ =	sdelay $0x3  }
0x10f: {  	[tilespmem:v10+s20+$0x0] =	vst.idx.msk vm1, v11  }
0x110: {  	v10 =	vor.u32 $0x280, v9;
	v11 =	vld.idx.msk [tilespmem:v62+s19+$0x0], $0xffff  }
0x111: {  	v63 =	vor.u32 $0x300, v8;
	_ =	sdelay $0x3  }
0x112: {  	[tilespmem:v10+s20+$0x0] =	vst.idx.msk vm1, v11  }
0x113: {  	v10 =	vor.u32 $0x300, v9;
	v11 =	vld.idx.msk [tilespmem:v63+s19+$0x0], $0xffff  }
0x114: {  	v8 =	vor.u32 $0x380, v8;
	_ =	sdelay $0x3  }
0x115: {  	p1 =	sne.s32 s2, $0x1;
	[tilespmem:v10+s20+$0x0] =	vst.idx.msk vm1, v11  }
.Ltmp8:
0x116: {  	v9 =	vor.u32 $0x380, v9;
	v8 =	vld.idx.msk [tilespmem:v8+s19+$0x0], $0xffff;
	(pc) =	sbr.rel @!p1 .LBB2_16-.Ltmp8, $3  }
0x117: {  	_ =	sdelay $0x1  }
0x118: {  	s28 =	sadd.s32 $0xFFFFFFFF, s2;
	s30 =	simm.s32 $0x40;
	s29 =	simm.s32 $0x10  }
0x119: {  	p0 =	por $0x1, $0x1;
	s31 =	sand.u32 $0xFFFFFE00, s30;
	s0 =	sand.u32 $0x70, s29  }
.LBB2_15:
0x11a: {  	p1 =	sne.s32 s28, $0x1;
	s28 =	sadd.s32 $0xFFFFFFFF, s28;
	s0 =	sor.u32 s31, s0;
	[tilespmem:v9+s20+$0x0] =	vst.idx.msk vm1, v8  }
0x11b: {  	v8 =	vld [tilespmem:s0+$0x1AC80];
	_ =	sdelay $0x4  }
0x11c: {  	v9 =	vand.u32 $0x7F, v8;
	v8 =	vshll.u32 v8, $0x3  }
0x11d: {  	v10 =	vld [tilespmem:s0+$0x1BE80];
	v8 =	vand.u32 $0xFFFFFC00, v8  }
0x11e: {  	v8 =	vor.u32 v9, v8  }
0x11f: {  	v9 =	vor.u32 $0x80, v8;
	v11 =	vor.u32 $0x100, v8;
	v12 =	vor.u32 $0x280, v8  }
0x120: {  	v13 =	vor.u32 $0x380, v8;
	_ =	sdelay $0x1  }
0x121: {  	v14 =	vor.u32 s29, v5;
	v15 =	vand.u32 $0x7F, v10;
	v10 =	vshll.u32 v10, $0x3  }
0x122: {  	vm1 =	vlt.s32 v14, v7;
	v14 =	vld.idx.msk [tilespmem:v8+s19+$0x0], $0xffff;
	v10 =	vand.u32 $0xFFFFFC00, v10  }
0x123: {  	v10 =	vor.u32 v15, v10  }
0x124: {  	v15 =	vor.u32 $0x80, v10;
	v16 =	vor.u32 $0x200, v10;
	v17 =	vor.u32 $0x280, v10  }
0x125: {  	v18 =	vor.u32 $0x300, v10;
	_ =	sdelay $0x2  }
0x126: {  	[tilespmem:v10+s20+$0x0] =	vst.idx.msk vm1, v14  }
0x127: {  	v9 =	vld.idx.msk [tilespmem:v9+s19+$0x0], $0xffff;
	_ =	sdelay $0x5  }
0x128: {  	[tilespmem:v15+s20+$0x0] =	vst.idx.msk vm1, v9  }
0x129: {  	v9 =	vld.idx.msk [tilespmem:v11+s19+$0x0], $0xffff  }
0x12a: {  	v11 =	vor.u32 $0x100, v10  }
0x12b: {  	v14 =	vor.u32 $0x180, v8;
	_ =	sdelay $0x3  }
0x12c: {  	[tilespmem:v11+s20+$0x0] =	vst.idx.msk vm1, v9  }
0x12d: {  	v9 =	vld.idx.msk [tilespmem:v14+s19+$0x0], $0xffff  }
0x12e: {  	v11 =	vor.u32 $0x180, v10  }
0x12f: {  	v14 =	vor.u32 $0x200, v8;
	_ =	sdelay $0x3  }
0x130: {  	[tilespmem:v11+s20+$0x0] =	vst.idx.msk vm1, v9  }
0x131: {  	v9 =	vld.idx.msk [tilespmem:v14+s19+$0x0], $0xffff;
	_ =	sdelay $0x5  }
0x132: {  	[tilespmem:v16+s20+$0x0] =	vst.idx.msk vm1, v9  }
0x133: {  	v9 =	vld.idx.msk [tilespmem:v12+s19+$0x0], $0xffff;
	_ =	sdelay $0x1  }
0x134: {  	v8 =	vor.u32 $0x300, v8;
	_ =	sdelay $0x3  }
0x135: {  	[tilespmem:v17+s20+$0x0] =	vst.idx.msk vm1, v9  }
0x136: {  	v8 =	vld.idx.msk [tilespmem:v8+s19+$0x0], $0xffff;
	_ =	sdelay $0x5  }
0x137: {  	[tilespmem:v18+s20+$0x0] =	vst.idx.msk vm1, v8  }
0x138: {  	v8 =	vld.idx.msk [tilespmem:v13+s19+$0x0], $0xffff  }
.Ltmp9:
0x139: {  	v9 =	vor.u32 $0x380, v10;
	(pc) =	sbr.rel @p1 .LBB2_15-.Ltmp9, $3  }
0x13a: {  	_ =	sdelay $0x1  }
0x13b: {  	s30 =	sadd.s32 $0x40, s30;
	s29 =	sadd.s32 $0x10, s29  }
0x13c: {  	s31 =	sand.u32 $0xFFFFFE00, s30;
	s0 =	sand.u32 $0x70, s29  }
.LBB2_16:
0x13d: {  	_ =	sdelay $0x4  }
0x13e: {  	s0 =	sor.u32 s31, s0;
	[tilespmem:v9+s20+$0x0] =	vst.idx.msk @p0 vm1, v8  }
0x13f: {  	v8 =	vld [tilespmem:s0+$0x1AC80];
	_ =	sdelay $0x4  }
0x140: {  	v10 =	vld [tilespmem:s0+$0x1BE80];
	v49 =	vshll.u32 v8, $0x3  }
0x141: {  	v8 =	vand.u32 $0x7F, v8;
	v9 =	vand.u32 $0xFFFFFC00, v49  }
0x142: {  	v8 =	vor.u32 v8, v9;
	_ =	sdelay $0x2  }
0x143: {  	v50 =	vor.u32 s29, v5;
	v11 =	vshll.u32 v10, $0x3  }
0x144: {  	vm1 =	vlt.s32 v50, v7;
	v10 =	vand.u32 $0x7F, v10;
	v7 =	vand.u32 $0xFFFFFC00, v11  }
0x145: {  	v7 =	vor.u32 v10, v7;
	v51 =	vld.idx.msk [tilespmem:v8+s19+$0x0], $0xffff  }
0x146: {  	v52 =	vor.u32 $0x80, v8;
	_ =	sdelay $0x3  }
0x147: {  	[tilespmem:v7+s20+$0x0] =	vst.idx.msk vm1, v51  }
0x148: {  	v53 =	vor.u32 $0x80, v7;
	v10 =	vld.idx.msk [tilespmem:v52+s19+$0x0], $0xffff  }
0x149: {  	v54 =	vor.u32 $0x100, v8;
	_ =	sdelay $0x3  }
0x14a: {  	[tilespmem:v53+s20+$0x0] =	vst.idx.msk vm1, v10  }
0x14b: {  	v55 =	vor.u32 $0x100, v7;
	v9 =	vld.idx.msk [tilespmem:v54+s19+$0x0], $0xffff  }
0x14c: {  	v56 =	vor.u32 $0x180, v8;
	_ =	sdelay $0x3  }
0x14d: {  	[tilespmem:v55+s20+$0x0] =	vst.idx.msk vm1, v9  }
0x14e: {  	v57 =	vor.u32 $0x180, v7;
	v9 =	vld.idx.msk [tilespmem:v56+s19+$0x0], $0xffff  }
0x14f: {  	v58 =	vor.u32 $0x200, v8;
	_ =	sdelay $0x3  }
0x150: {  	[tilespmem:v57+s20+$0x0] =	vst.idx.msk vm1, v9  }
0x151: {  	v59 =	vor.u32 $0x200, v7;
	v10 =	vld.idx.msk [tilespmem:v58+s19+$0x0], $0xffff  }
0x152: {  	v60 =	vor.u32 $0x280, v8;
	_ =	sdelay $0x3  }
0x153: {  	[tilespmem:v59+s20+$0x0] =	vst.idx.msk vm1, v10  }
0x154: {  	v61 =	vor.u32 $0x280, v7;
	v10 =	vld.idx.msk [tilespmem:v60+s19+$0x0], $0xffff  }
0x155: {  	v62 =	vor.u32 $0x300, v8;
	_ =	sdelay $0x3  }
0x156: {  	[tilespmem:v61+s20+$0x0] =	vst.idx.msk vm1, v10  }
0x157: {  	v63 =	vor.u32 $0x300, v7;
	v10 =	vld.idx.msk [tilespmem:v62+s19+$0x0], $0xffff  }
0x158: {  	v8 =	vor.u32 $0x380, v8;
	_ =	sdelay $0x3  }
0x159: {  	[tilespmem:v63+s20+$0x0] =	vst.idx.msk vm1, v10  }
0x15a: {  	v7 =	vor.u32 $0x380, v7;
	v8 =	vld.idx.msk [tilespmem:v8+s19+$0x0], $0xffff;
	_ =	sdelay $0x4  }
0x15b: {  	[tilespmem:v7+s20+$0x0] =	vst.idx.msk vm1, v8  }
.LBB2_17:
0x15c: {  	s0 =	sadd.s32 $0xF, s26  }
0x15d: {  	s1 =	sand.u32 $0xF, s0  }
0x15e: {  	s31 =	sshra.s32 s0, $0x1F;
	p1 =	slt.s32 s0, $0x1;
	p0 =	sne.s32 s1, $0x0  }
0x15f: {  	s1 =	sshrl.u32 s31, $0x1C;
	p0 =	por !p1, !p0  }
0x160: {  	s0 =	sadd.s32 s1, s0;
	s1 =	simm.s32 $0x1;
	p0 =	por !p0, !p0  }
0x161: {  	s0 =	sshra.s32 s0, $0x4;
	s1 =	simm.s32 @!p0 $0x0  }
0x162: {  	s0 =	ssub.s32 s0, s1  }
0x163: {  	p0 =	slt.s32 s0, $0x1  }
.Ltmp10:
0x164: {  	_ = 	snop;
	(pc) =	sbr.rel @p0 .LBB2_23-.Ltmp10, $4  }
0x165: {  	_ =	swait.ge [sflag:s18], $0xC400  }
0x166: {  	[sflag:s18] =	ssyncset.done $0x0  }
0x167: {  	s28 =	simm.s32 $0x0;
	[sflag:s18] =	ssyncadd.s32 $0xFFFF3C00  }
0x168: {  	[tilespmem:s19], [sflag:$0x2] =	stream.linear.gather [hbm4b:s7+s28], $0xC400, $0x38;
	[tilespmem:$0x1F000] =	vst v63  }
0x169: {  	p1 =	sne.s32 s0, $0x1  }
.Ltmp11:
0x16a: {  	_ = 	snop;
	(pc) =	sbr.rel @!p1 .LBB2_19-.Ltmp11, $3  }
0x16b: {  	_ =	sdelay $0x1  }
0x16c: {  	s2 =	sadd.s32 $0xFFFFFFFF, s0  }
0x16d: {  	v7 =	vmov s26;
	s0 =	sand.u32 $0x70, s28;
	s30 =	sand.u32 $0xFFFFFE00, s28;
	p0 =	por $0x0, $0x0  }
0x16e: {  	s0 =	sor.u32 s30, s0  }
0x16f: {  	v8 =	vld [tilespmem:s0+$0x1AD00];
	_ =	sdelay $0x4  }
0x170: {  	v10 =	vld [tilespmem:s0+$0x1BF00];
	v9 =	vshll.u32 v8, $0x3  }
0x171: {  	v8 =	vand.u32 $0x7F, v8;
	v9 =	vand.u32 $0xFFFFFC00, v9  }
0x172: {  	v8 =	vor.u32 v8, v9;
	_ =	sdelay $0x2  }
0x173: {  	v11 =	vshll.u32 v10, $0x3;
	v9 =	vor.u32 s28, v5  }
0x174: {  	v10 =	vand.u32 $0x7F, v10;
	vm1 =	vlt.s32 v9, v7;
	v9 =	vand.u32 $0xFFFFFC00, v11  }
0x175: {  	v9 =	vor.u32 v10, v9;
	v11 =	vld.idx.msk [tilespmem:v8+s17+$0x0], $0xffff  }
0x176: {  	v10 =	vor.u32 $0x80, v8;
	_ =	sdelay $0x3  }
0x177: {  	[tilespmem:v9+s20+$0x0] =	vst.idx.msk vm1, v11  }
0x178: {  	v11 =	vor.u32 $0x80, v9;
	v10 =	vld.idx.msk [tilespmem:v10+s17+$0x0], $0xffff  }
0x179: {  	v12 =	vor.u32 $0x100, v8;
	_ =	sdelay $0x3  }
0x17a: {  	[tilespmem:v11+s20+$0x0] =	vst.idx.msk vm1, v10  }
0x17b: {  	v11 =	vor.u32 $0x100, v9;
	v10 =	vld.idx.msk [tilespmem:v12+s17+$0x0], $0xffff  }
0x17c: {  	v60 =	vor.u32 $0x180, v8;
	_ =	sdelay $0x3  }
0x17d: {  	[tilespmem:v11+s20+$0x0] =	vst.idx.msk vm1, v10  }
0x17e: {  	v11 =	vor.u32 $0x180, v9;
	v10 =	vld.idx.msk [tilespmem:v60+s17+$0x0], $0xffff  }
0x17f: {  	v61 =	vor.u32 $0x200, v8;
	_ =	sdelay $0x3  }
0x180: {  	[tilespmem:v11+s20+$0x0] =	vst.idx.msk vm1, v10  }
0x181: {  	v10 =	vor.u32 $0x200, v9;
	v11 =	vld.idx.msk [tilespmem:v61+s17+$0x0], $0xffff  }
0x182: {  	v62 =	vor.u32 $0x280, v8;
	_ =	sdelay $0x3  }
0x183: {  	[tilespmem:v10+s20+$0x0] =	vst.idx.msk vm1, v11  }
0x184: {  	v10 =	vor.u32 $0x280, v9;
	v11 =	vld.idx.msk [tilespmem:v62+s17+$0x0], $0xffff  }
0x185: {  	v63 =	vor.u32 $0x300, v8;
	_ =	sdelay $0x3  }
0x186: {  	[tilespmem:v10+s20+$0x0] =	vst.idx.msk vm1, v11  }
0x187: {  	v10 =	vor.u32 $0x300, v9;
	v11 =	vld.idx.msk [tilespmem:v63+s17+$0x0], $0xffff  }
0x188: {  	v8 =	vor.u32 $0x380, v8;
	_ =	sdelay $0x3  }
0x189: {  	p1 =	sne.s32 s2, $0x1;
	[tilespmem:v10+s20+$0x0] =	vst.idx.msk vm1, v11  }
.Ltmp12:
0x18a: {  	v9 =	vor.u32 $0x380, v9;
	v8 =	vld.idx.msk [tilespmem:v8+s17+$0x0], $0xffff;
	(pc) =	sbr.rel @!p1 .LBB2_22-.Ltmp12, $3  }
0x18b: {  	_ =	sdelay $0x1  }
0x18c: {  	s26 =	sadd.s32 $0xFFFFFFFF, s2;
	s29 =	simm.s32 $0x40;
	s28 =	simm.s32 $0x10  }
0x18d: {  	p0 =	por $0x1, $0x1;
	s30 =	sand.u32 $0xFFFFFE00, s29;
	s0 =	sand.u32 $0x70, s28  }
.LBB2_21:
0x18e: {  	p1 =	sne.s32 s26, $0x1;
	s26 =	sadd.s32 $0xFFFFFFFF, s26;
	s0 =	sor.u32 s30, s0;
	[tilespmem:v9+s20+$0x0] =	vst.idx.msk vm1, v8  }
0x18f: {  	v8 =	vld [tilespmem:s0+$0x1AD00];
	_ =	sdelay $0x4  }
0x190: {  	v9 =	vand.u32 $0x7F, v8;
	v8 =	vshll.u32 v8, $0x3  }
0x191: {  	v10 =	vld [tilespmem:s0+$0x1BF00];
	v8 =	vand.u32 $0xFFFFFC00, v8  }
0x192: {  	v8 =	vor.u32 v9, v8  }
0x193: {  	v9 =	vor.u32 $0x80, v8;
	v11 =	vor.u32 $0x100, v8;
	v12 =	vor.u32 $0x280, v8  }
0x194: {  	v13 =	vor.u32 $0x380, v8;
	_ =	sdelay $0x1  }
0x195: {  	v14 =	vor.u32 s28, v5;
	v15 =	vand.u32 $0x7F, v10;
	v10 =	vshll.u32 v10, $0x3  }
0x196: {  	vm1 =	vlt.s32 v14, v7;
	v14 =	vld.idx.msk [tilespmem:v8+s17+$0x0], $0xffff;
	v10 =	vand.u32 $0xFFFFFC00, v10  }
0x197: {  	v10 =	vor.u32 v15, v10  }
0x198: {  	v15 =	vor.u32 $0x80, v10;
	v16 =	vor.u32 $0x200, v10;
	v17 =	vor.u32 $0x280, v10  }
0x199: {  	v18 =	vor.u32 $0x300, v10;
	_ =	sdelay $0x2  }
0x19a: {  	[tilespmem:v10+s20+$0x0] =	vst.idx.msk vm1, v14  }
0x19b: {  	v9 =	vld.idx.msk [tilespmem:v9+s17+$0x0], $0xffff;
	_ =	sdelay $0x5  }
0x19c: {  	[tilespmem:v15+s20+$0x0] =	vst.idx.msk vm1, v9  }
0x19d: {  	v9 =	vld.idx.msk [tilespmem:v11+s17+$0x0], $0xffff  }
0x19e: {  	v11 =	vor.u32 $0x100, v10  }
0x19f: {  	v14 =	vor.u32 $0x180, v8;
	_ =	sdelay $0x3  }
0x1a0: {  	[tilespmem:v11+s20+$0x0] =	vst.idx.msk vm1, v9  }
0x1a1: {  	v9 =	vld.idx.msk [tilespmem:v14+s17+$0x0], $0xffff  }
0x1a2: {  	v11 =	vor.u32 $0x180, v10  }
0x1a3: {  	v14 =	vor.u32 $0x200, v8;
	_ =	sdelay $0x3  }
0x1a4: {  	[tilespmem:v11+s20+$0x0] =	vst.idx.msk vm1, v9  }
0x1a5: {  	v9 =	vld.idx.msk [tilespmem:v14+s17+$0x0], $0xffff;
	_ =	sdelay $0x5  }
0x1a6: {  	[tilespmem:v16+s20+$0x0] =	vst.idx.msk vm1, v9  }
0x1a7: {  	v9 =	vld.idx.msk [tilespmem:v12+s17+$0x0], $0xffff;
	_ =	sdelay $0x1  }
0x1a8: {  	v8 =	vor.u32 $0x300, v8;
	_ =	sdelay $0x3  }
0x1a9: {  	[tilespmem:v17+s20+$0x0] =	vst.idx.msk vm1, v9  }
0x1aa: {  	v8 =	vld.idx.msk [tilespmem:v8+s17+$0x0], $0xffff;
	_ =	sdelay $0x5  }
0x1ab: {  	[tilespmem:v18+s20+$0x0] =	vst.idx.msk vm1, v8  }
0x1ac: {  	v8 =	vld.idx.msk [tilespmem:v13+s17+$0x0], $0xffff  }
.Ltmp13:
0x1ad: {  	v9 =	vor.u32 $0x380, v10;
	(pc) =	sbr.rel @p1 .LBB2_21-.Ltmp13, $3  }
0x1ae: {  	_ =	sdelay $0x1  }
0x1af: {  	s29 =	sadd.s32 $0x40, s29;
	s28 =	sadd.s32 $0x10, s28  }
0x1b0: {  	s30 =	sand.u32 $0xFFFFFE00, s29;
	s0 =	sand.u32 $0x70, s28  }
.LBB2_22:
0x1b1: {  	_ =	sdelay $0x4  }
0x1b2: {  	s0 =	sor.u32 s30, s0;
	[tilespmem:v9+s20+$0x0] =	vst.idx.msk @p0 vm1, v8  }
0x1b3: {  	v8 =	vld [tilespmem:s0+$0x1AD00];
	_ =	sdelay $0x4  }
0x1b4: {  	v10 =	vld [tilespmem:s0+$0x1BF00];
	v49 =	vshll.u32 v8, $0x3  }
0x1b5: {  	v8 =	vand.u32 $0x7F, v8;
	v9 =	vand.u32 $0xFFFFFC00, v49  }
0x1b6: {  	v8 =	vor.u32 v8, v9;
	_ =	sdelay $0x2  }
0x1b7: {  	v50 =	vor.u32 s28, v5;
	v11 =	vshll.u32 v10, $0x3  }
0x1b8: {  	vm1 =	vlt.s32 v50, v7;
	v10 =	vand.u32 $0x7F, v10;
	v7 =	vand.u32 $0xFFFFFC00, v11  }
0x1b9: {  	v7 =	vor.u32 v10, v7;
	v51 =	vld.idx.msk [tilespmem:v8+s17+$0x0], $0xffff  }
0x1ba: {  	v52 =	vor.u32 $0x80, v8;
	_ =	sdelay $0x3  }
0x1bb: {  	[tilespmem:v7+s20+$0x0] =	vst.idx.msk vm1, v51  }
0x1bc: {  	v53 =	vor.u32 $0x80, v7;
	v10 =	vld.idx.msk [tilespmem:v52+s17+$0x0], $0xffff  }
0x1bd: {  	v54 =	vor.u32 $0x100, v8;
	_ =	sdelay $0x3  }
0x1be: {  	[tilespmem:v53+s20+$0x0] =	vst.idx.msk vm1, v10  }
0x1bf: {  	v55 =	vor.u32 $0x100, v7;
	v9 =	vld.idx.msk [tilespmem:v54+s17+$0x0], $0xffff  }
0x1c0: {  	v56 =	vor.u32 $0x180, v8;
	_ =	sdelay $0x3  }
0x1c1: {  	[tilespmem:v55+s20+$0x0] =	vst.idx.msk vm1, v9  }
0x1c2: {  	v57 =	vor.u32 $0x180, v7;
	v9 =	vld.idx.msk [tilespmem:v56+s17+$0x0], $0xffff  }
0x1c3: {  	v58 =	vor.u32 $0x200, v8;
	_ =	sdelay $0x3  }
0x1c4: {  	[tilespmem:v57+s20+$0x0] =	vst.idx.msk vm1, v9  }
0x1c5: {  	v59 =	vor.u32 $0x200, v7;
	v10 =	vld.idx.msk [tilespmem:v58+s17+$0x0], $0xffff  }
0x1c6: {  	v60 =	vor.u32 $0x280, v8;
	_ =	sdelay $0x3  }
0x1c7: {  	[tilespmem:v59+s20+$0x0] =	vst.idx.msk vm1, v10  }
0x1c8: {  	v61 =	vor.u32 $0x280, v7;
	v10 =	vld.idx.msk [tilespmem:v60+s17+$0x0], $0xffff  }
0x1c9: {  	v62 =	vor.u32 $0x300, v8;
	_ =	sdelay $0x3  }
0x1ca: {  	[tilespmem:v61+s20+$0x0] =	vst.idx.msk vm1, v10  }
0x1cb: {  	v63 =	vor.u32 $0x300, v7;
	v10 =	vld.idx.msk [tilespmem:v62+s17+$0x0], $0xffff  }
0x1cc: {  	v8 =	vor.u32 $0x380, v8;
	_ =	sdelay $0x3  }
0x1cd: {  	[tilespmem:v63+s20+$0x0] =	vst.idx.msk vm1, v10  }
0x1ce: {  	v7 =	vor.u32 $0x380, v7;
	v8 =	vld.idx.msk [tilespmem:v8+s17+$0x0], $0xffff;
	_ =	sdelay $0x4  }
0x1cf: {  	[tilespmem:v7+s20+$0x0] =	vst.idx.msk vm1, v8  }
.LBB2_23:
0x1d0: {  	s0 =	sadd.s32 $0xF, s25  }
0x1d1: {  	s1 =	sand.u32 $0xF, s0  }
0x1d2: {  	s31 =	sshra.s32 s0, $0x1F;
	p1 =	slt.s32 s0, $0x1;
	p0 =	sne.s32 s1, $0x0  }
0x1d3: {  	s1 =	sshrl.u32 s31, $0x1C;
	p0 =	por !p1, !p0  }
0x1d4: {  	s0 =	sadd.s32 s1, s0;
	s1 =	simm.s32 $0x1;
	p0 =	por !p0, !p0  }
0x1d5: {  	s0 =	sshra.s32 s0, $0x4;
	s1 =	simm.s32 @!p0 $0x0  }
0x1d6: {  	s0 =	ssub.s32 s0, s1  }
0x1d7: {  	p0 =	slt.s32 s0, $0x1  }
.Ltmp14:
0x1d8: {  	_ = 	snop;
	(pc) =	sbr.rel @p0 .LBB2_29-.Ltmp14, $4  }
0x1d9: {  	_ = 	snop  }
0x1da: {  	_ =	swait.ge [sflag:s21], $0xC400  }
0x1db: {  	[sflag:s21] =	ssyncset.done $0x0  }
0x1dc: {  	[sflag:s21] =	ssyncadd.s32 $0xFFFF3C00  }
0x1dd: {  	p1 =	sne.s32 s0, $0x1  }
.Ltmp15:
0x1de: {  	_ = 	snop;
	(pc) =	sbr.rel @!p1 .LBB2_25-.Ltmp15, $3  }
0x1df: {  	_ =	sdelay $0x1  }
0x1e0: {  	s26 =	simm.s32 $0x0;
	s2 =	sadd.s32 $0xFFFFFFFF, s0  }
0x1e1: {  	v7 =	vmov s25;
	p0 =	por $0x0, $0x0;
	s0 =	sand.u32 $0x70, s26;
	s29 =	sand.u32 $0xFFFFFE00, s26  }
0x1e2: {  	s0 =	sor.u32 s29, s0  }
0x1e3: {  	v8 =	vld [tilespmem:s0+$0x1AD80];
	_ =	sdelay $0x4  }
0x1e4: {  	v10 =	vld [tilespmem:s0+$0x1BF80];
	v9 =	vshll.u32 v8, $0x3  }
0x1e5: {  	v8 =	vand.u32 $0x7F, v8;
	v9 =	vand.u32 $0xFFFFFC00, v9  }
0x1e6: {  	v8 =	vor.u32 v8, v9;
	_ =	sdelay $0x2  }
0x1e7: {  	v11 =	vshll.u32 v10, $0x3;
	v9 =	vor.u32 s26, v5  }
0x1e8: {  	v10 =	vand.u32 $0x7F, v10;
	vm1 =	vlt.s32 v9, v7;
	v9 =	vand.u32 $0xFFFFFC00, v11  }
0x1e9: {  	v9 =	vor.u32 v10, v9;
	v11 =	vld.idx.msk [tilespmem:v8+s19+$0x0], $0xffff  }
0x1ea: {  	v10 =	vor.u32 $0x80, v8;
	_ =	sdelay $0x3  }
0x1eb: {  	[tilespmem:v9+s20+$0x0] =	vst.idx.msk vm1, v11  }
0x1ec: {  	v11 =	vor.u32 $0x80, v9;
	v10 =	vld.idx.msk [tilespmem:v10+s19+$0x0], $0xffff  }
0x1ed: {  	v12 =	vor.u32 $0x100, v8;
	_ =	sdelay $0x3  }
0x1ee: {  	[tilespmem:v11+s20+$0x0] =	vst.idx.msk vm1, v10  }
0x1ef: {  	v11 =	vor.u32 $0x100, v9;
	v10 =	vld.idx.msk [tilespmem:v12+s19+$0x0], $0xffff  }
0x1f0: {  	v60 =	vor.u32 $0x180, v8;
	_ =	sdelay $0x3  }
0x1f1: {  	[tilespmem:v11+s20+$0x0] =	vst.idx.msk vm1, v10  }
0x1f2: {  	v11 =	vor.u32 $0x180, v9;
	v10 =	vld.idx.msk [tilespmem:v60+s19+$0x0], $0xffff  }
0x1f3: {  	v61 =	vor.u32 $0x200, v8;
	_ =	sdelay $0x3  }
0x1f4: {  	[tilespmem:v11+s20+$0x0] =	vst.idx.msk vm1, v10  }
0x1f5: {  	v10 =	vor.u32 $0x200, v9;
	v11 =	vld.idx.msk [tilespmem:v61+s19+$0x0], $0xffff  }
0x1f6: {  	v62 =	vor.u32 $0x280, v8;
	_ =	sdelay $0x3  }
0x1f7: {  	[tilespmem:v10+s20+$0x0] =	vst.idx.msk vm1, v11  }
0x1f8: {  	v10 =	vor.u32 $0x280, v9;
	v11 =	vld.idx.msk [tilespmem:v62+s19+$0x0], $0xffff  }
0x1f9: {  	v63 =	vor.u32 $0x300, v8;
	_ =	sdelay $0x3  }
0x1fa: {  	[tilespmem:v10+s20+$0x0] =	vst.idx.msk vm1, v11  }
0x1fb: {  	v10 =	vor.u32 $0x300, v9;
	v11 =	vld.idx.msk [tilespmem:v63+s19+$0x0], $0xffff  }
0x1fc: {  	v8 =	vor.u32 $0x380, v8;
	_ =	sdelay $0x3  }
0x1fd: {  	p1 =	sne.s32 s2, $0x1;
	[tilespmem:v10+s20+$0x0] =	vst.idx.msk vm1, v11  }
.Ltmp16:
0x1fe: {  	v9 =	vor.u32 $0x380, v9;
	v8 =	vld.idx.msk [tilespmem:v8+s19+$0x0], $0xffff;
	(pc) =	sbr.rel @!p1 .LBB2_28-.Ltmp16, $3  }
0x1ff: {  	_ =	sdelay $0x1  }
0x200: {  	s25 =	sadd.s32 $0xFFFFFFFF, s2;
	s28 =	simm.s32 $0x40;
	s26 =	simm.s32 $0x10  }
0x201: {  	p0 =	por $0x1, $0x1;
	s29 =	sand.u32 $0xFFFFFE00, s28;
	s0 =	sand.u32 $0x70, s26  }
.LBB2_27:
0x202: {  	p1 =	sne.s32 s25, $0x1;
	s25 =	sadd.s32 $0xFFFFFFFF, s25;
	s0 =	sor.u32 s29, s0;
	[tilespmem:v9+s20+$0x0] =	vst.idx.msk vm1, v8  }
0x203: {  	v8 =	vld [tilespmem:s0+$0x1AD80];
	_ =	sdelay $0x4  }
0x204: {  	v9 =	vand.u32 $0x7F, v8;
	v8 =	vshll.u32 v8, $0x3  }
0x205: {  	v10 =	vld [tilespmem:s0+$0x1BF80];
	v8 =	vand.u32 $0xFFFFFC00, v8  }
0x206: {  	v8 =	vor.u32 v9, v8  }
0x207: {  	v9 =	vor.u32 $0x80, v8;
	v11 =	vor.u32 $0x100, v8;
	v12 =	vor.u32 $0x280, v8  }
0x208: {  	v13 =	vor.u32 $0x380, v8;
	_ =	sdelay $0x1  }
0x209: {  	v14 =	vor.u32 s26, v5;
	v15 =	vand.u32 $0x7F, v10;
	v10 =	vshll.u32 v10, $0x3  }
0x20a: {  	vm1 =	vlt.s32 v14, v7;
	v14 =	vld.idx.msk [tilespmem:v8+s19+$0x0], $0xffff;
	v10 =	vand.u32 $0xFFFFFC00, v10  }
0x20b: {  	v10 =	vor.u32 v15, v10  }
0x20c: {  	v15 =	vor.u32 $0x80, v10;
	v16 =	vor.u32 $0x200, v10;
	v17 =	vor.u32 $0x280, v10  }
0x20d: {  	v18 =	vor.u32 $0x300, v10;
	_ =	sdelay $0x2  }
0x20e: {  	[tilespmem:v10+s20+$0x0] =	vst.idx.msk vm1, v14  }
0x20f: {  	v9 =	vld.idx.msk [tilespmem:v9+s19+$0x0], $0xffff;
	_ =	sdelay $0x5  }
0x210: {  	[tilespmem:v15+s20+$0x0] =	vst.idx.msk vm1, v9  }
0x211: {  	v9 =	vld.idx.msk [tilespmem:v11+s19+$0x0], $0xffff  }
0x212: {  	v11 =	vor.u32 $0x100, v10  }
0x213: {  	v14 =	vor.u32 $0x180, v8;
	_ =	sdelay $0x3  }
0x214: {  	[tilespmem:v11+s20+$0x0] =	vst.idx.msk vm1, v9  }
0x215: {  	v9 =	vld.idx.msk [tilespmem:v14+s19+$0x0], $0xffff  }
0x216: {  	v11 =	vor.u32 $0x180, v10  }
0x217: {  	v14 =	vor.u32 $0x200, v8;
	_ =	sdelay $0x3  }
0x218: {  	[tilespmem:v11+s20+$0x0] =	vst.idx.msk vm1, v9  }
0x219: {  	v9 =	vld.idx.msk [tilespmem:v14+s19+$0x0], $0xffff;
	_ =	sdelay $0x5  }
0x21a: {  	[tilespmem:v16+s20+$0x0] =	vst.idx.msk vm1, v9  }
0x21b: {  	v9 =	vld.idx.msk [tilespmem:v12+s19+$0x0], $0xffff;
	_ =	sdelay $0x1  }
0x21c: {  	v8 =	vor.u32 $0x300, v8;
	_ =	sdelay $0x3  }
0x21d: {  	[tilespmem:v17+s20+$0x0] =	vst.idx.msk vm1, v9  }
0x21e: {  	v8 =	vld.idx.msk [tilespmem:v8+s19+$0x0], $0xffff;
	_ =	sdelay $0x5  }
0x21f: {  	[tilespmem:v18+s20+$0x0] =	vst.idx.msk vm1, v8  }
0x220: {  	v8 =	vld.idx.msk [tilespmem:v13+s19+$0x0], $0xffff  }
.Ltmp17:
0x221: {  	v9 =	vor.u32 $0x380, v10;
	(pc) =	sbr.rel @p1 .LBB2_27-.Ltmp17, $3  }
0x222: {  	_ =	sdelay $0x1  }
0x223: {  	s28 =	sadd.s32 $0x40, s28;
	s26 =	sadd.s32 $0x10, s26  }
0x224: {  	s29 =	sand.u32 $0xFFFFFE00, s28;
	s0 =	sand.u32 $0x70, s26  }
.LBB2_28:
0x225: {  	_ =	sdelay $0x4  }
0x226: {  	s0 =	sor.u32 s29, s0;
	[tilespmem:v9+s20+$0x0] =	vst.idx.msk @p0 vm1, v8  }
0x227: {  	v8 =	vld [tilespmem:s0+$0x1AD80];
	_ =	sdelay $0x4  }
0x228: {  	v10 =	vld [tilespmem:s0+$0x1BF80];
	v49 =	vshll.u32 v8, $0x3  }
0x229: {  	v8 =	vand.u32 $0x7F, v8;
	v9 =	vand.u32 $0xFFFFFC00, v49  }
0x22a: {  	v8 =	vor.u32 v8, v9;
	_ =	sdelay $0x2  }
0x22b: {  	v50 =	vor.u32 s26, v5;
	v11 =	vshll.u32 v10, $0x3  }
0x22c: {  	vm1 =	vlt.s32 v50, v7;
	v10 =	vand.u32 $0x7F, v10;
	v7 =	vand.u32 $0xFFFFFC00, v11  }
0x22d: {  	v7 =	vor.u32 v10, v7;
	v51 =	vld.idx.msk [tilespmem:v8+s19+$0x0], $0xffff  }
0x22e: {  	v52 =	vor.u32 $0x80, v8;
	_ =	sdelay $0x3  }
0x22f: {  	[tilespmem:v7+s20+$0x0] =	vst.idx.msk vm1, v51  }
0x230: {  	v53 =	vor.u32 $0x80, v7;
	v10 =	vld.idx.msk [tilespmem:v52+s19+$0x0], $0xffff  }
0x231: {  	v54 =	vor.u32 $0x100, v8;
	_ =	sdelay $0x3  }
0x232: {  	[tilespmem:v53+s20+$0x0] =	vst.idx.msk vm1, v10  }
0x233: {  	v55 =	vor.u32 $0x100, v7;
	v9 =	vld.idx.msk [tilespmem:v54+s19+$0x0], $0xffff  }
0x234: {  	v56 =	vor.u32 $0x180, v8;
	_ =	sdelay $0x3  }
0x235: {  	[tilespmem:v55+s20+$0x0] =	vst.idx.msk vm1, v9  }
0x236: {  	v57 =	vor.u32 $0x180, v7;
	v9 =	vld.idx.msk [tilespmem:v56+s19+$0x0], $0xffff  }
0x237: {  	v58 =	vor.u32 $0x200, v8;
	_ =	sdelay $0x3  }
0x238: {  	[tilespmem:v57+s20+$0x0] =	vst.idx.msk vm1, v9  }
0x239: {  	v59 =	vor.u32 $0x200, v7;
	v10 =	vld.idx.msk [tilespmem:v58+s19+$0x0], $0xffff  }
0x23a: {  	v60 =	vor.u32 $0x280, v8;
	_ =	sdelay $0x3  }
0x23b: {  	[tilespmem:v59+s20+$0x0] =	vst.idx.msk vm1, v10  }
0x23c: {  	v61 =	vor.u32 $0x280, v7;
	v10 =	vld.idx.msk [tilespmem:v60+s19+$0x0], $0xffff  }
0x23d: {  	v62 =	vor.u32 $0x300, v8;
	_ =	sdelay $0x3  }
0x23e: {  	[tilespmem:v61+s20+$0x0] =	vst.idx.msk vm1, v10  }
0x23f: {  	v63 =	vor.u32 $0x300, v7;
	v10 =	vld.idx.msk [tilespmem:v62+s19+$0x0], $0xffff  }
0x240: {  	v8 =	vor.u32 $0x380, v8;
	_ =	sdelay $0x3  }
0x241: {  	[tilespmem:v63+s20+$0x0] =	vst.idx.msk vm1, v10  }
0x242: {  	v7 =	vor.u32 $0x380, v7;
	v8 =	vld.idx.msk [tilespmem:v8+s19+$0x0], $0xffff;
	_ =	sdelay $0x4  }
0x243: {  	[tilespmem:v7+s20+$0x0] =	vst.idx.msk vm1, v8  }
.LBB2_29:
0x244: {  	[spmem:s9] =	stream.linear.scatter [tilespmem:s20], [sflag:$0x3], $0x2000, $0x38;
	[tilespmem:$0x1F000] =	vst v63  }
0x245: {  	_ =	swait.ge [sflag:s16], $0x2000  }
0x246: {  	[sflag:s16] =	ssyncset.done $0x0  }
0x247: {  	[sflag:s16] =	ssyncadd.s32 $0xFFFFE000  }
0x248: {  	[bflag:$0x0] =	sbarrier.arrive $0xFFFF  }
0x249: {  	[tilespmem:s17], [sflag:$0x1] =	stream.linear.gather [spmem:s10], $0x800, $0x38;
	[tilespmem:$0x1F000] =	vst v63  }
0x24a: {  	s0 =	simm.s32 $0xC00  }
0x24b: {  	[tilespmem:s0], [sflag:$0x2] =	stream.linear.gather [spmem:s11], $0x800, $0x38;
	[tilespmem:$0x1F000] =	vst v63  }
0x24c: {  	s4 =	simm.s32 $0x1400  }
0x24d: {  	[tilespmem:s4], [sflag:$0x1] =	stream.linear.gather [spmem:s12], $0x800, $0x38;
	[tilespmem:$0x1F000] =	vst v63  }
0x24e: {  	_ =	swait.ge [sflag:s18], $0x800  }
0x24f: {  	[sflag:s18] =	ssyncset.done $0x0  }
0x250: {  	[sflag:s18] =	ssyncadd.s32 $0xFFFFF800  }
0x251: {  	_ =	swait.ge [sflag:s21], $0x800  }
0x252: {  	[sflag:s21] =	ssyncset.done $0x0  }
0x253: {  	[sflag:s21] =	ssyncadd.s32 $0xFFFFF800  }
0x254: {  	s26 =	simm.s32 $0x0;
	_ =	swait.ge [sflag:s18], $0x800  }
0x255: {  	s22 =	sand.u32 $0x70, s26;
	s1 =	sand.u32 $0x400, s26;
	[sflag:s18] =	ssyncset.done $0x0  }
0x256: {  	s25 =	sor.u32 s22, s1;
	[sflag:s18] =	ssyncadd.s32 $0xFFFFF800  }
0x257: {  	s23 =	sadd.s32 $0x0, s8;
	v7 =	vld [tilespmem:s25+$0x400]  }
0x258: {  	s2 =	sand.u32 $0x1C00, s23;
	v8 =	vld [tilespmem:s25+$0xC00]  }
0x259: {  	s0 =	sor.u32 s22, s2;
	v9 =	vld [tilespmem:s25+$0x1400]  }
0x25a: {  	v10 =	vld [tilespmem:s0+$0x18C00];
	_ =	sdelay $0x4  }
0x25b: {  	v8 =	vadd.f32 v9, v8;
	v7 =	vadd.f32 v7, v10;
	_ =	sdelay $0x1  }
0x25c: {  	v7 =	vadd.f32 v8, v7  }
0x25d: {  	s28 =	sadd.s32 $0x18C00, s0  }
0x25e: {  	v8 =	vld [tilespmem:s28+$0x80];
	[tilespmem:s0+$0x18C00] =	vst v7  }
0x25f: {  	v7 =	vld [tilespmem:s25+$0x480]  }
0x260: {  	v9 =	vld [tilespmem:s25+$0xC80]  }
0x261: {  	v10 =	vld [tilespmem:s25+$0x1480];
	_ =	sdelay $0x4  }
0x262: {  	v7 =	vadd.f32 v7, v8;
	v8 =	vadd.f32 v10, v9;
	_ =	sdelay $0x1  }
0x263: {  	v7 =	vadd.f32 v8, v7;
	_ =	sdelay $0x1  }
0x264: {  	[tilespmem:s28+$0x80] =	vst v7;
	v7 =	vld [tilespmem:s28+$0x100]  }
0x265: {  	v8 =	vld [tilespmem:s25+$0x500]  }
0x266: {  	v9 =	vld [tilespmem:s25+$0xD00]  }
0x267: {  	v10 =	vld [tilespmem:s25+$0x1500];
	_ =	sdelay $0x4  }
0x268: {  	v7 =	vadd.f32 v8, v7;
	v8 =	vadd.f32 v10, v9;
	_ =	sdelay $0x1  }
0x269: {  	v7 =	vadd.f32 v8, v7;
	_ =	sdelay $0x1  }
0x26a: {  	[tilespmem:s28+$0x100] =	vst v7;
	v7 =	vld [tilespmem:s28+$0x180]  }
0x26b: {  	v8 =	vld [tilespmem:s25+$0x580]  }
0x26c: {  	v9 =	vld [tilespmem:s25+$0xD80]  }
0x26d: {  	v10 =	vld [tilespmem:s25+$0x1580];
	_ =	sdelay $0x4  }
0x26e: {  	v7 =	vadd.f32 v8, v7;
	v8 =	vadd.f32 v10, v9;
	_ =	sdelay $0x1  }
0x26f: {  	v7 =	vadd.f32 v8, v7;
	_ =	sdelay $0x1  }
0x270: {  	[tilespmem:s28+$0x180] =	vst v7;
	v7 =	vld [tilespmem:s28+$0x200]  }
0x271: {  	v8 =	vld [tilespmem:s25+$0x600]  }
0x272: {  	v9 =	vld [tilespmem:s25+$0xE00]  }
0x273: {  	v10 =	vld [tilespmem:s25+$0x1600];
	_ =	sdelay $0x4  }
0x274: {  	s31 =	simm.s32 $0x10;
	s29 =	sor.u32 s26, s26;
	s30 =	sor.u32 s23, s26;
	v7 =	vadd.f32 v8, v7;
	v8 =	vadd.f32 v10, v9  }
.LBB2_30:
0x275: {  	p0 =	sne.s32 s31, $0xF0  }
0x276: {  	s26 =	sadd.s32 $0x80, s26;
	s0 =	smov.u32 s31;
	s31 =	sadd.s32 $0x10, s31  }
0x277: {  	s1 =	sor.u32 s26, s0;
	v7 =	vadd.f32 v8, v7;
	_ =	sdelay $0x1  }
0x278: {  	[tilespmem:s28+$0x200] =	vst v7;
	v7 =	vld [tilespmem:s28+$0x280]  }
0x279: {  	v8 =	vld [tilespmem:s25+$0x680]  }
0x27a: {  	v9 =	vld [tilespmem:s25+$0xE80]  }
0x27b: {  	v10 =	vld [tilespmem:s25+$0x1680];
	_ =	sdelay $0x4  }
0x27c: {  	v7 =	vadd.f32 v8, v7;
	v8 =	vadd.f32 v10, v9;
	_ =	sdelay $0x1  }
0x27d: {  	v7 =	vadd.f32 v8, v7;
	_ =	sdelay $0x1  }
0x27e: {  	s2 =	sand.u32 $0x70, s0;
	s4 =	sand.u32 $0x400, s26;
	[tilespmem:s28+$0x280] =	vst v7;
	v7 =	vld [tilespmem:s28+$0x300]  }
0x27f: {  	s22 =	sadd.s32 s26, s8;
	s4 =	sor.u32 s2, s4;
	v8 =	vld [tilespmem:s25+$0x700]  }
0x280: {  	s23 =	sand.u32 $0x1C00, s22;
	s0 =	sor.u32 s22, s0;
	v9 =	vld [tilespmem:s25+$0xF00]  }
0x281: {  	s2 =	sor.u32 s2, s23;
	v10 =	vld [tilespmem:s25+$0x1700];
	_ =	sdelay $0x4  }
0x282: {  	v7 =	vadd.f32 v8, v7;
	v8 =	vadd.f32 v10, v9;
	_ =	sdelay $0x1  }
0x283: {  	v7 =	vadd.f32 v8, v7;
	_ =	sdelay $0x1  }
0x284: {  	[tilespmem:s28+$0x300] =	vst v7  }
0x285: {  	v7 =	vld [tilespmem:s25+$0x1780]  }
0x286: {  	s22 =	sor.u32 $0x380, s29;
	s29 =	smov.u32 s1;
	s28 =	sadd.s32 $0x18C00, s2;
	v8 =	vld [tilespmem:s25+$0xF80]  }
0x287: {  	s1 =	sor.u32 $0x380, s30;
	s30 =	smov.u32 s0;
	s25 =	smov.u32 s4;
	v9 =	vld [tilespmem:s22+$0x400]  }
0x288: {  	v10 =	vld [tilespmem:s1+$0x18C00];
	_ =	sdelay $0x2  }
0x289: {  	v7 =	vadd.f32 v7, v8;
	_ =	sdelay $0x1  }
0x28a: {  	v8 =	vadd.f32 v9, v10;
	_ =	sdelay $0x1  }
0x28b: {  	v7 =	vadd.f32 v7, v8;
	_ =	sdelay $0x1  }
0x28c: {  	[tilespmem:s1+$0x18C00] =	vst v7  }
0x28d: {  	v7 =	vld [tilespmem:s25+$0x400]  }
0x28e: {  	v8 =	vld [tilespmem:s25+$0xC00]  }
0x28f: {  	v9 =	vld [tilespmem:s25+$0x1400]  }
0x290: {  	v10 =	vld [tilespmem:s2+$0x18C00]  }
0x291: {  	v11 =	vld [tilespmem:s28+$0x80];
	_ =	sdelay $0x2  }
0x292: {  	v8 =	vadd.f32 v9, v8  }
0x293: {  	v7 =	vadd.f32 v7, v10;
	_ =	sdelay $0x1  }
0x294: {  	v7 =	vadd.f32 v8, v7;
	_ =	sdelay $0x1  }
0x295: {  	[tilespmem:s2+$0x18C00] =	vst v7  }
0x296: {  	v7 =	vld [tilespmem:s25+$0x480]  }
0x297: {  	v8 =	vld [tilespmem:s25+$0xC80]  }
0x298: {  	v9 =	vld [tilespmem:s25+$0x1480];
	_ =	sdelay $0x2  }
0x299: {  	v7 =	vadd.f32 v7, v11;
	_ =	sdelay $0x1  }
0x29a: {  	v8 =	vadd.f32 v9, v8;
	_ =	sdelay $0x1  }
0x29b: {  	v7 =	vadd.f32 v8, v7;
	_ =	sdelay $0x1  }
0x29c: {  	[tilespmem:s28+$0x80] =	vst v7;
	v7 =	vld [tilespmem:s28+$0x100]  }
0x29d: {  	v8 =	vld [tilespmem:s25+$0x500]  }
0x29e: {  	v9 =	vld [tilespmem:s25+$0xD00]  }
0x29f: {  	v10 =	vld [tilespmem:s25+$0x1500];
	_ =	sdelay $0x4  }
0x2a0: {  	v7 =	vadd.f32 v8, v7;
	v8 =	vadd.f32 v10, v9;
	_ =	sdelay $0x1  }
0x2a1: {  	v7 =	vadd.f32 v8, v7;
	_ =	sdelay $0x1  }
0x2a2: {  	[tilespmem:s28+$0x100] =	vst v7;
	v7 =	vld [tilespmem:s28+$0x180]  }
0x2a3: {  	v8 =	vld [tilespmem:s25+$0x580]  }
0x2a4: {  	v9 =	vld [tilespmem:s25+$0xD80]  }
0x2a5: {  	v10 =	vld [tilespmem:s25+$0x1580];
	_ =	sdelay $0x4  }
0x2a6: {  	v7 =	vadd.f32 v8, v7;
	v8 =	vadd.f32 v10, v9;
	_ =	sdelay $0x1  }
0x2a7: {  	v7 =	vadd.f32 v8, v7;
	_ =	sdelay $0x1  }
0x2a8: {  	[tilespmem:s28+$0x180] =	vst v7;
	v7 =	vld [tilespmem:s28+$0x200]  }
0x2a9: {  	v8 =	vld [tilespmem:s25+$0x600]  }
0x2aa: {  	v9 =	vld [tilespmem:s25+$0xE00]  }
0x2ab: {  	v10 =	vld [tilespmem:s25+$0x1600]  }
.Ltmp18:
0x2ac: {  	(pc) =	sbr.rel @p0 .LBB2_30-.Ltmp18, $2  }
0x2ad: {  	_ =	sdelay $0x2  }
0x2ae: {  	v7 =	vadd.f32 v8, v7;
	v8 =	vadd.f32 v10, v9  }
0x2af: {  	_ = 	snop  }
0x2b0: {  	v7 =	vadd.f32 v8, v7;
	_ =	sdelay $0x1  }
0x2b1: {  	[tilespmem:s28+$0x200] =	vst v7;
	v7 =	vld [tilespmem:s28+$0x280]  }
0x2b2: {  	v8 =	vld [tilespmem:s25+$0x680]  }
0x2b3: {  	v9 =	vld [tilespmem:s25+$0xE80]  }
0x2b4: {  	v10 =	vld [tilespmem:s25+$0x1680];
	_ =	sdelay $0x4  }
0x2b5: {  	v7 =	vadd.f32 v8, v7;
	v8 =	vadd.f32 v10, v9;
	_ =	sdelay $0x1  }
0x2b6: {  	v7 =	vadd.f32 v8, v7;
	_ =	sdelay $0x1  }
0x2b7: {  	[tilespmem:s28+$0x280] =	vst v7;
	v7 =	vld [tilespmem:s28+$0x300]  }
0x2b8: {  	v8 =	vld [tilespmem:s25+$0x700]  }
0x2b9: {  	v60 =	vld [tilespmem:s25+$0xF00]  }
0x2ba: {  	v61 =	vld [tilespmem:s25+$0x1700];
	_ =	sdelay $0x4  }
0x2bb: {  	v7 =	vadd.f32 v8, v7;
	v8 =	vadd.f32 v61, v60;
	_ =	sdelay $0x1  }
0x2bc: {  	v7 =	vadd.f32 v8, v7;
	_ =	sdelay $0x1  }
0x2bd: {  	[tilespmem:s28+$0x300] =	vst v7  }
0x2be: {  	v7 =	vld [tilespmem:s25+$0x1780]  }
0x2bf: {  	s0 =	sor.u32 $0x380, s29;
	v8 =	vld [tilespmem:s25+$0xF80]  }
0x2c0: {  	s1 =	sor.u32 $0x380, s30;
	v62 =	vld [tilespmem:s0+$0x400]  }
0x2c1: {  	v63 =	vld [tilespmem:s1+$0x18C00];
	_ =	sdelay $0x4  }
0x2c2: {  	v7 =	vadd.f32 v7, v8;
	v8 =	vadd.f32 v62, v63;
	_ =	sdelay $0x1  }
0x2c3: {  	v7 =	vadd.f32 v7, v8  }
0x2c4: {  	s24 =	sadd.s32 $0x1, s24  }
0x2c5: {  	p0 =	sne.s32 s24, s15;
	[tilespmem:s1+$0x18C00] =	vst v7  }
0x2c6: {  	[hbm4b:s14+s3] =	stream.linear.scatter [tilespmem:s13], [sflag:$0x3], $0x800, $0x38;
	[tilespmem:$0x1F000] =	vst v63  }
.Ltmp19:
0x2c7: {  	_ = 	snop;
	(pc) =	sbr.rel @p0 .LBB2_1-.Ltmp19, $4  }
.Ltmp20:
0x2c8: {  	_ = 	snop;
	(pc) =	sbr.rel @!p0 .LBB2_32-.Ltmp20, $4  }
0x2c9: {  	_ =	swait.ge [sflag:s16], $0x800  }
0x2ca: {  	[sflag:s16] =	ssyncset.done $0x0  }
0x2cb: {  	[sflag:s16] =	ssyncadd.s32 $0xFFFFF800  }
0x2cc: {  	_ = 	snop  }
.LBB2_7:
.Ltmp21:
0x2cd: {  	(pc) =	sbr.rel .LBB2_10-.Ltmp21, $2  }
0x2ce: {  	_ =	sdelay $0x2  }
0x2cf: {  	_ = 	snop  }
.LBB2_13:
.Ltmp22:
0x2d0: {  	(pc) =	sbr.rel .LBB2_16-.Ltmp22, $2  }
0x2d1: {  	_ =	sdelay $0x2  }
0x2d2: {  	_ = 	snop  }
.LBB2_19:
.Ltmp23:
0x2d3: {  	(pc) =	sbr.rel .LBB2_22-.Ltmp23, $2  }
0x2d4: {  	_ =	sdelay $0x2  }
0x2d5: {  	_ = 	snop  }
.LBB2_25:
.Ltmp24:
0x2d6: {  	(pc) =	sbr.rel .LBB2_28-.Ltmp24, $2  }
0x2d7: {  	_ =	sdelay $0x2  }
0x2d8: {  	_ = 	snop  }
.LBB2_32:
0x2d9: {  	_ =	sfence.sel $0x180000  }
0x2da: {  	[bflag:$0x0] =	sbarrier.arrive $0xFFFF  }
0x2db: {  	_ =	strace $0x90000047  }
0x2dc: {  	s0 =	stileid.u32;
	[bflag:$0x2] =	sbarrier.arrive $0xFFFF  }
0x2dd: {  	p0 =	sne.s32 s0, $0x0;
	s0 =	rddreg [dreg:$0x4]  }
0x2de: {  	s0 =	sadd.s32 @!p0 $0x100000, s0  }
0x2df: {  	[sflag:s0] =	ssyncadd.tile.s32 @!p0 $0x1;
	_ =	shalt  }
.Lfunc_end2:
_tile_overlayer_lowered:
.L_overlay_start_2:
0x2e0: {  	(tag) =	ssettag $0x2  }
0x2e1: {  	s0 =	rddreg [dreg:$0x0];
	s2 =	stileid.u32  }
0x2e2: {  	s1 =	rddreg [dreg:$0x1];
	p0 =	sne.s32 s2, $0x0  }
0x2e3: {  	s3 =	rddreg [dreg:$0x2];
	[bflag:$0x3] =	sbarrier.arrive $0xFFFF;
	s2 =	simm.s32 @!p0 $0x1C03  }
0x2e4: {  	[timem:s3], [sflag:s2] =	dma.local @!p0 [hbm:s0], s1  }
0x2e5: {  	s0 =	simm.s32 @!p0 $0x3  }
0x2e6: {  	_ =	swait.ge @!p0 [sflag:s0], s1  }
0x2e7: {  	s1 =	ssub.s32 @!p0 $0x0, s1;
	[sflag:s0] =	ssyncset.done @!p0 $0x0  }
0x2e8: {  	[sflag:s0] =	ssyncadd.s32 @!p0 s1  }
0x2e9: {  	[bflag:$0x3] =	sbarrier.arrive $0xFFFF  }
0x2ea: {  	_ =	shalt  }

</sc_bundles>
